<compile_context>
chip_gen: v7x
topology: tpu7x:2x2x1
jax: 0.10.2.dev20260603
libtpu: 0.0.44.dev20260713+nightly
codegen_flags: <defaults>
</compile_context>

<pallas_src>
import functools

import jax
import jax.numpy as jnp
from jax import lax
from jax.experimental import pallas as pl
from jax.experimental.pallas import tpu as pltpu
from jax.experimental.pallas import tpu_sc as plsc

_TOPK = 20
_NW = 32
_CPW = 320
_S = 16
_BR = 256
_BN1 = 400


def _topk_call(emb_pad, n_real, interpret=False):
    NP = emb_pad.shape[0]

    def body(full_ref, blk_ref, idx_ref, sc_ref, acc_ref):
        k = pl.program_id(1)
        neg = jnp.float32(-jnp.inf)

        @pl.when(k == 0)
        def _init():
            w = full_ref[...]
            nrmf = jnp.maximum(jnp.sqrt(jnp.sum(w * w, axis=1)), 1e-30)
            wb = blk_ref[...]
            nrmb = jnp.maximum(
                jnp.sqrt(jnp.sum(wb * wb, axis=1, keepdims=True)), 1e-30)
            dot = lax.dot_general(wb, w, (((1,), (1,)), ((), ())),
                                  preferred_element_type=jnp.float32)
            scores = dot / (nrmb * nrmf[None, :])
            icol = lax.broadcasted_iota(jnp.int32, scores.shape, 1)
            sc_ref[...] = jnp.where(icol < n_real, scores, neg)

        scores = sc_ref[...]
        col = lax.broadcasted_iota(jnp.int32, scores.shape, 1)
        m = jnp.max(scores, axis=1, keepdims=True)
        am = jnp.min(jnp.where(scores == m, col, NP), axis=1).astype(jnp.int32)
        am = jnp.minimum(am, n_real - 1)
        col20 = lax.broadcasted_iota(jnp.int32, (_BR, _TOPK), 1)
        acc_ref[...] = jnp.where(col20 == k, am[:, None], acc_ref[...])
        sc_ref[...] = jnp.where(col == am[:, None], neg, scores)

        @pl.when(k == _TOPK - 1)
        def _flush():
            idx_ref[...] = acc_ref[...]

    return pl.pallas_call(
        body,
        grid=(NP // _BR, _TOPK),
        in_specs=[
            pl.BlockSpec((NP, 64), lambda i, k: (0, 0)),
            pl.BlockSpec((_BR, 64), lambda i, k: (i, 0)),
        ],
        out_specs=pl.BlockSpec((_BR, _TOPK), lambda i, k: (i, 0)),
        out_shape=jax.ShapeDtypeStruct((NP, _TOPK), jnp.int32),
        scratch_shapes=[
            pltpu.VMEM((_BR, NP), jnp.float32),
            pltpu.VMEM((_BR, _TOPK), jnp.int32),
        ],
        interpret=interpret,
    )(emb_pad, emb_pad)


def _sc_gather_mean(table, idx_flat, D):
    NP = _NW * _CPW
    CH = D // 16
    K = _TOPK
    mesh = plsc.VectorSubcoreMesh(core_axis_name="c", subcore_axis_name="s")

    @functools.partial(
        pl.kernel,
        out_type=jax.ShapeDtypeStruct((NP, D), jnp.float32),
        scratch_types=[
            pltpu.VMEM((_S * K,), jnp.int32),
            pltpu.VMEM((_S * K, D), jnp.float32),
            pltpu.VMEM((_S, D), jnp.float32),
            pltpu.SemaphoreType.DMA,
        ],
        mesh=mesh,
        compiler_params=pltpu.CompilerParams(use_tc_tiling_on_sc=False),
    )
    def k(table_hbm, idx_hbm, out_hbm, idx_v, rows_v, out_v, sem):
        wid = lax.axis_index("s") * 2 + lax.axis_index("c")
        base = wid * _CPW

        def step(s, carry):
            node0 = base + s * _S
            pltpu.sync_copy(idx_hbm.at[pl.ds(node0 * K, _S * K)], idx_v)
            handles = []
            for j in range(_S * K // 64):
                handles.append(pltpu.async_copy(
                    table_hbm.at[idx_v.at[pl.ds(j * 64, 64)]],
                    rows_v.at[pl.ds(j * 64, 64)], sem))
            for h in handles:
                h.wait()

            def node_body(n, c2):
                def red(r, accs):
                    return tuple(accs[c] + rows_v[n * K + r, pl.ds(c * 16, 16)]
                                 for c in range(CH))
                accs = lax.fori_loop(
                    0, K, red,
                    tuple(jnp.zeros((16,), jnp.float32) for _ in range(CH)))
                for c in range(CH):
                    out_v[n, pl.ds(c * 16, 16)] = accs[c] * (1.0 / K)
                return c2
            lax.fori_loop(0, _S, node_body, 0)
            pltpu.sync_copy(out_v, out_hbm.at[pl.ds(node0, _S)])
            return carry
        lax.fori_loop(0, _CPW // _S, step, 0)

    return k(table, idx_flat)


def _stage1_call(xm_t, mul_emb, Ws, bs, g1s, be1, Wo, bo, interpret=False):
    N = xm_t.shape[0]
    B = 4

    def body(xm_ref, me_ref, Ws_ref, bs_ref, g1_ref, be1_ref, Wo_ref, bo_ref,
             out_ref, op_ref, on_ref):
        xm = xm_ref[...]
        me = me_ref[...]
        Wsv = Ws_ref[...]
        bsv = bs_ref[...]
        g1v = g1_ref[...]
        be1v = be1_ref[...]
        Wov = Wo_ref[...]
        bov = bo_ref[...]
        outs = []
        for b in range(B):
            xb = xm[:, b * 60:(b + 1) * 60]
            g = jnp.maximum(jnp.dot(xb, Wsv, preferred_element_type=jnp.float32)
                            + bsv, 0.0)
            o = g * me
            o = jnp.maximum(o * g1v + be1v, 0.0)
            outs.append(jnp.dot(o, Wov, preferred_element_type=jnp.float32)
                        + bov)
        out_ref[...] = jnp.stack(outs, axis=0)
        op_ref[...] = jnp.concatenate([ob[:, :16] for ob in outs], axis=1)
        on_ref[...] = jnp.concatenate([ob[:, 16:] for ob in outs], axis=1)

    grid = N // _BN1
    full = lambda shape: pl.BlockSpec(shape, lambda i: tuple(0 for _ in shape))
    return pl.pallas_call(
        body,
        grid=(grid,),
        in_specs=[
            pl.BlockSpec((_BN1, 240), lambda i: (i, 0)),
            pl.BlockSpec((_BN1, 64), lambda i: (i, 0)),
            full((60, 64)), full((1, 64)), full((1, 64)), full((1, 64)),
            full((64, 64)), full((1, 64)),
        ],
        out_specs=[
            pl.BlockSpec((B, _BN1, 64), lambda i: (0, i, 0)),
            pl.BlockSpec((_BN1, 64), lambda i: (i, 0)),
            pl.BlockSpec((_BN1, 192), lambda i: (i, 0)),
        ],
        out_shape=[
            jax.ShapeDtypeStruct((B, N, 64), jnp.float32),
            jax.ShapeDtypeStruct((N, 64), jnp.float32),
            jax.ShapeDtypeStruct((N, 192), jnp.float32),
        ],
        interpret=interpret,
    )(xm_t, mul_emb, Ws, bs, g1s, be1, Wo, bo)


def _stage2_call(opa, ona, phy_emb, net_emb, Wp, bp, Wn, bnn, g2s, be2,
                 g3s, be3, Wpo, bpo, Wno, bno, interpret=False):
    N = opa.shape[0]
    B = 4

    def body(opa_ref, ona_ref, pe_ref, ne_ref, Wp_ref, bp_ref, Wn_ref, bn_ref,
             g2_ref, be2_ref, g3_ref, be3_ref, Wpo_ref, bpo_ref, Wno_ref,
             bno_ref, res_ref):
        opav = opa_ref[...]
        onav = ona_ref[...]
        pe = pe_ref[...]
        ne = ne_ref[...]
        res = []
        for b in range(B):
            t = jnp.maximum(
                jnp.dot(opav[:, b * 16:(b + 1) * 16], Wp_ref[...],
                        preferred_element_type=jnp.float32) + bp_ref[...], 0.0)
            t = t * pe
            t = jnp.maximum(t * g2_ref[...] + be2_ref[...], 0.0)
            rp = jnp.dot(t, Wpo_ref[...], preferred_element_type=jnp.float32) \
                + bpo_ref[...]
            u = jnp.maximum(
                jnp.dot(onav[:, b * 48:(b + 1) * 48], Wn_ref[...],
                        preferred_element_type=jnp.float32) + bn_ref[...], 0.0)
            u = u * ne
            u = jnp.maximum(u * g3_ref[...] + be3_ref[...], 0.0)
            rn = jnp.dot(u, Wno_ref[...], preferred_element_type=jnp.float32) \
                + bno_ref[...]
            res.append(jnp.concatenate([rp, rn], axis=1))
        res_ref[...] = jnp.stack(res, axis=0)

    grid = N // _BN1
    full = lambda shape: pl.BlockSpec(shape, lambda i: tuple(0 for _ in shape))
    return pl.pallas_call(
        body,
        grid=(grid,),
        in_specs=[
            pl.BlockSpec((_BN1, 64), lambda i: (i, 0)),
            pl.BlockSpec((_BN1, 192), lambda i: (i, 0)),
            pl.BlockSpec((_BN1, 64), lambda i: (i, 0)),
            pl.BlockSpec((_BN1, 64), lambda i: (i, 0)),
            full((16, 64)), full((1, 64)), full((48, 64)), full((1, 64)),
            full((1, 64)), full((1, 64)), full((1, 64)), full((1, 64)),
            full((64, 1)), full((1, 1)), full((64, 3)), full((1, 3)),
        ],
        out_specs=pl.BlockSpec((B, _BN1, 4), lambda i: (0, i, 0)),
        out_shape=jax.ShapeDtypeStruct((B, N, 4), jnp.float32),
        interpret=interpret,
    )(opa, ona, phy_emb, net_emb, Wp, bp, Wn, bnn, g2s, be2, g3s, be3,
      Wpo, bpo, Wno, bno)


def kernel(data, phy_edge_index, net_edge_index, mul_edge_index, mul_emb,
           phy_emb, net_emb, Ws, bs, Wp, bp, Wn, bn, Wo, bo, Wpo, bpo,
           Wno, bno, g1, be1, g2, be2, g3, be3):
    B, N, F = data.shape
    NP = _NW * _CPW
    bnscale = jnp.float32(1.0 / jnp.sqrt(jnp.float32(1.0 + 1e-5)))

    def pad_rows(a):
        return jnp.pad(a, ((0, NP - N), (0, 0)))

    r2 = lambda v: v.reshape(1, -1)

    idx_m = _topk_call(pad_rows(mul_emb), N)
    idx_p = _topk_call(pad_rows(phy_emb), N)
    idx_n = _topk_call(pad_rows(net_emb), N)

    x_t = jnp.transpose(data, (1, 0, 2)).reshape(N, B * F)
    xm_t = _sc_gather_mean(x_t, idx_m.reshape(-1), B * F)[:N]
    out1, op_t, on_t = _stage1_call(
        xm_t, mul_emb, Ws, r2(bs), r2(g1 * bnscale), r2(be1), Wo, r2(bo))

    opa = _sc_gather_mean(op_t, idx_p.reshape(-1), 64)[:N]
    ona = _sc_gather_mean(on_t, idx_n.reshape(-1), 192)[:N]
    res = _stage2_call(
        opa, ona, phy_emb, net_emb, Wp, r2(bp), Wn, r2(bn),
        r2(g2 * bnscale), r2(be2), r2(g3 * bnscale), r2(be3),
        Wpo, bpo.reshape(1, 1), Wno, r2(bno))

    out = out1.reshape(B * N, 64)
    phy_out = res[:, :, 0:1].reshape(-1, 1)
    net_out = res[:, :, 1:4].reshape(-1, 3)
    return (out, phy_out, net_out)

# --- scband reference (transcript-rebuilt; emitter-appended) ---
"""Pipeline reference for scband-mgdn-51110110822728 (READ-ONLY COPY).

The authoritative reference and input builder live on the scoring server;
editing this copy changes nothing except your own understanding.
"""

import jax, jax.numpy as jnp
import numpy as np

TOPK = 20

def _topk_edges(emb, N, B):
    # cosine similarity graph from detached embeddings, top-k neighbors per node,
    # then batch-offset replication (get_batch_edge_index)
    w = jax.lax.stop_gradient(emb)
    nrm = jnp.linalg.norm(w, axis=-1)
    cos = (w @ w.T) / (nrm[:, None] * nrm[None, :])
    idx = jax.lax.top_k(cos, TOPK)[1]
    gated_i = jnp.repeat(jnp.arange(N), TOPK)
    gated_j = idx.reshape(-1)
    edge = jnp.stack([gated_j, gated_i], axis=0)
    off = jnp.arange(B) * N
    return (edge[:, None, :] + off[None, :, None]).reshape(2, -1)

def _gcn(x, edge, W, b, num_nodes):
    # GCNLayer: linear projection + mean aggregation over incoming edges + ReLU
    h = x @ W + b
    src = edge[0]
    dst = edge[1]
    msg = h[src]
    agg = jax.ops.segment_sum(msg, dst, num_segments=num_nodes)
    deg = jax.ops.segment_sum(jnp.ones(dst.shape, h.dtype), dst, num_segments=num_nodes)
    return jax.nn.relu(agg / jnp.maximum(deg, 1.0)[:, None])

def _bn_relu(x, g, b):
    # BatchNorm1d in eval mode (running_mean=0, running_var=1) followed by ReLU
    return jax.nn.relu(x * g / jnp.sqrt(1.0 + 1e-5) + b)

def setup_inputs(seed: int = 0):
    key = jax.random.key(seed)
    ks = jax.random.split(key, 24)
    B, N, F = 4, 10000, 60
    E = 160000
    d = {}
    d['data'] = jax.random.normal(ks[0], (B, N, F), jnp.float32)
    d['phy_edge_index'] = jax.random.randint(ks[1], (2, E), 0, N)
    d['net_edge_index'] = jax.random.randint(ks[2], (2, E), 0, N)
    d['mul_edge_index'] = jax.random.randint(ks[3], (2, E), 0, N)
    d['mul_emb'] = jax.random.normal(ks[4], (N, 64), jnp.float32) * 0.1
    d['phy_emb'] = jax.random.normal(ks[5], (N, 64), jnp.float32) * 0.1
    d['net_emb'] = jax.random.normal(ks[6], (N, 64), jnp.float32) * 0.1
    d['Ws'] = jax.random.normal(ks[7], (60, 64), jnp.float32) / np.sqrt(60.0)
    d['bs'] = jnp.zeros((64,), jnp.float32)
    d['Wp'] = jax.random.normal(ks[8], (16, 64), jnp.float32) / np.sqrt(16.0)
    d['bp'] = jnp.zeros((64,), jnp.float32)
    d['Wn'] = jax.random.normal(ks[9], (48, 64), jnp.float32) / np.sqrt(48.0)
    d['bn'] = jnp.zeros((64,), jnp.float32)
    d['Wo'] = jax.random.normal(ks[10], (64, 64), jnp.float32) / 8.0
    d['bo'] = jnp.zeros((64,), jnp.float32)
    d['Wpo'] = jax.random.normal(ks[11], (64, 1), jnp.float32) / 8.0
    d['bpo'] = jnp.zeros((1,), jnp.float32)
    d['Wno'] = jax.random.normal(ks[12], (64, 3), jnp.float32) / 8.0
    d['bno'] = jnp.zeros((3,), jnp.float32)
    d['g1'] = jnp.ones((64,), jnp.float32)
    d['be1'] = jnp.zeros((64,), jnp.float32)
    d['g2'] = jnp.ones((64,), jnp.float32)
    d['be2'] = jnp.zeros((64,), jnp.float32)
    d['g3'] = jnp.ones((64,), jnp.float32)
    d['be3'] = jnp.zeros((64,), jnp.float32)
    return d

def reference(data, phy_edge_index, net_edge_index, mul_edge_index, mul_emb, phy_emb, net_emb, Ws, bs, Wp, bp, Wn, bn, Wo, bo, Wpo, bpo, Wno, bno, g1, be1, g2, be2, g3, be3):
    B, N, F = data.shape
    BN = B * N
    x = data.reshape(BN, F)
    # stage 1: learned top-k graph from mul_embedding, shared GCN
    be = _topk_edges(mul_emb, N, B)
    gcn_out = _gcn(x, be, Ws, bs, BN)
    out = gcn_out.reshape(B, N, -1) * mul_emb[None]
    out = _bn_relu(out, g1, be1)
    out = (out @ Wo + bo).reshape(BN, 64)
    # stage 2: phy / net learned graphs operating on split features
    phy_e = _topk_edges(phy_emb, N, B)
    net_e = _topk_edges(net_emb, N, B)
    phy_g = _gcn(out[:, :16], phy_e, Wp, bp, BN)
    net_g = _gcn(out[:, 16:], net_e, Wn, bn, BN)
    x_phy = phy_g.reshape(B, N, -1) * phy_emb[None]
    x_net = net_g.reshape(B, N, -1) * net_emb[None]
    phy_out = (_bn_relu(x_phy, g2, be2) @ Wpo + bpo).reshape(-1, 1)
    net_out = (_bn_relu(x_net, g3, be3) @ Wno + bno).reshape(-1, 3)
    return (out, phy_out, net_out)

if __name__ == "__main__":
    import jax
    _d = setup_inputs()
    print(jax.jit(kernel)(*tuple(_d.values())))

</pallas_src>

<mosaic_0001>
#map = affine_map<(d0, d1) -> (0, 0)>
#map1 = affine_map<(d0, d1) -> (0)>
module attributes {stable_mosaic.version = 14 : i64} {
  func.func @k(%arg0: i32, %arg1: i32, %arg2: memref<10000x240xf32, #tpu.memory_space<hbm>>, %arg3: memref<204800xi32, #tpu.memory_space<hbm>>, %arg4: memref<10240x240xf32, #tpu.memory_space<hbm>>, %arg5: memref<320xi32, #tpu.memory_space<vmem>>, %arg6: memref<320x240xf32, #tpu.memory_space<vmem>>, %arg7: memref<16x240xf32, #tpu.memory_space<vmem>>, %arg8: memref<!tpu.dma_semaphore, #tpu.memory_space<semaphore_mem>>) attributes {dimension_semantics = [#tpu.dimension_semantics<core_parallel>, #tpu.dimension_semantics<subcore_parallel>], iteration_bounds = array<i64: 2, 16>, scalar_prefetch = 0 : i64, scratch_operands = 4 : i64, tpu.core_type = #tpu.core_type<sc_vector_subcore>, window_params = [{transform_indices = #map}, {transform_indices = #map1}, {transform_indices = #map}]} {
    %mul3A = arith.constant 2 : i32
    %mul3A_0 = arith.muli %arg1, %mul3A : i32
    %add3A = arith.addi %mul3A_0, %arg0 : i32
    %mul3A_1 = arith.constant 320 : i32
    %mul3A_2 = arith.muli %add3A, %mul3A_1 : i32
    %scan3A = arith.constant 0 : i32
    %scan3A_3 = arith.constant 0 : i32
    %scan3A_4 = arith.constant 20 : i32
    %scan3A_5 = arith.addi %scan3A_3, %scan3A_4 : i32
    %scan3A_6 = arith.constant 1 : i32
    scf.for %scan3A_8 = %scan3A_3 to %scan3A_5 step %scan3A_6  : i32 {
      %mul3A_9 = arith.constant 16 : i32
      %mul3A_10 = arith.muli %scan3A_8, %mul3A_9 : i32
      %add3A_11 = arith.addi %mul3A_2, %mul3A_10 : i32
      %mul3A_12 = arith.constant 20 : i32
      %mul3A_13 = arith.muli %add3A_11, %mul3A_12 : i32
      "tpu.region"() ({
        %run_scoped3A = tpu.sem_alloc : memref<!tpu.dma_semaphore, #tpu.memory_space<semaphore_mem>>
        %dma_start3A_98 = tpu.memref_slice %arg3[%mul3A_13] : memref<204800xi32, #tpu.memory_space<hbm>> -> memref<320xi32, #tpu.memory_space<hbm>>
        %dma_start3A_99 = tpu.memref_slice %arg3[%mul3A_13] : memref<204800xi32, #tpu.memory_space<hbm>> -> memref<320xi32, #tpu.memory_space<hbm>>
        tpu.enqueue_dma source(%dma_start3A_99 : memref<320xi32, #tpu.memory_space<hbm>>) target(%arg5 : memref<320xi32, #tpu.memory_space<vmem>>) target_semaphore(%run_scoped3A : memref<!tpu.dma_semaphore, #tpu.memory_space<semaphore_mem>>)
        %dma_wait3A_100 = tpu.memref_slice %arg3[%mul3A_13] : memref<204800xi32, #tpu.memory_space<hbm>> -> memref<320xi32, #tpu.memory_space<hbm>>
        %dma_wait3A_101 = tpu.memref_slice %arg3[%mul3A_13] : memref<204800xi32, #tpu.memory_space<hbm>> -> memref<320xi32, #tpu.memory_space<hbm>>
        tpu.wait_dma2 semaphore(%run_scoped3A : memref<!tpu.dma_semaphore, #tpu.memory_space<semaphore_mem>>) src(%dma_wait3A_101 : memref<320xi32, #tpu.memory_space<hbm>>) dst(%arg5 : memref<320xi32, #tpu.memory_space<vmem>>)
        tpu.yield
      }) : () -> ()
      %dma_start3A = arith.constant 0 : i32
      %dma_start3A_14 = arith.constant 0 : i32
      %dma_start3A_15 = tpu.memref_slice %arg6[%dma_start3A, %dma_start3A_14] : memref<320x240xf32, #tpu.memory_space<vmem>> -> memref<64x240xf32, #tpu.memory_space<vmem>>
      %dma_start3A_16 = arith.constant 0 : i32
      %dma_start3A_17 = tpu.memref_slice %arg5[%dma_start3A_16] : memref<320xi32, #tpu.memory_space<vmem>> -> memref<64xi32, #tpu.memory_space<vmem>>
      %dma_start3A_18 = arith.constant 0 : i32
      %dma_start3A_19 = arith.constant 0 : i32
      %dma_start3A_20 = tpu.memref_slice %arg2[%dma_start3A_18, %dma_start3A_19] : memref<10000x240xf32, #tpu.memory_space<hbm>> -> memref<10000x240xf32, #tpu.memory_space<hbm>>
      tpu.enqueue_indirect_dma source(%dma_start3A_20 : memref<10000x240xf32, #tpu.memory_space<hbm>>) target(%dma_start3A_15 : memref<64x240xf32, #tpu.memory_space<vmem>>) offsets(%dma_start3A_17 : memref<64xi32, #tpu.memory_space<vmem>>) semaphore(%arg8 : memref<!tpu.dma_semaphore, #tpu.memory_space<semaphore_mem>>)
      %dma_start3A_21 = arith.constant 64 : i32
      %dma_start3A_22 = arith.constant 0 : i32
      %dma_start3A_23 = tpu.memref_slice %arg6[%dma_start3A_21, %dma_start3A_22] : memref<320x240xf32, #tpu.memory_space<vmem>> -> memref<64x240xf32, #tpu.memory_space<vmem>>
      %dma_start3A_24 = arith.constant 64 : i32
      %dma_start3A_25 = tpu.memref_slice %arg5[%dma_start3A_24] : memref<320xi32, #tpu.memory_space<vmem>> -> memref<64xi32, #tpu.memory_space<vmem>>
      %dma_start3A_26 = arith.constant 0 : i32
      %dma_start3A_27 = arith.constant 0 : i32
      %dma_start3A_28 = tpu.memref_slice %arg2[%dma_start3A_26, %dma_start3A_27] : memref<10000x240xf32, #tpu.memory_space<hbm>> -> memref<10000x240xf32, #tpu.memory_space<hbm>>
      tpu.enqueue_indirect_dma source(%dma_start3A_28 : memref<10000x240xf32, #tpu.memory_space<hbm>>) target(%dma_start3A_23 : memref<64x240xf32, #tpu.memory_space<vmem>>) offsets(%dma_start3A_25 : memref<64xi32, #tpu.memory_space<vmem>>) semaphore(%arg8 : memref<!tpu.dma_semaphore, #tpu.memory_space<semaphore_mem>>)
      %dma_start3A_29 = arith.constant 128 : i32
      %dma_start3A_30 = arith.constant 0 : i32
      %dma_start3A_31 = tpu.memref_slice %arg6[%dma_start3A_29, %dma_start3A_30] : memref<320x240xf32, #tpu.memory_space<vmem>> -> memref<64x240xf32, #tpu.memory_space<vmem>>
      %dma_start3A_32 = arith.constant 128 : i32
      %dma_start3A_33 = tpu.memref_slice %arg5[%dma_start3A_32] : memref<320xi32, #tpu.memory_space<vmem>> -> memref<64xi32, #tpu.memory_space<vmem>>
      %dma_start3A_34 = arith.constant 0 : i32
      %dma_start3A_35 = arith.constant 0 : i32
      %dma_start3A_36 = tpu.memref_slice %arg2[%dma_start3A_34, %dma_start3A_35] : memref<10000x240xf32, #tpu.memory_space<hbm>> -> memref<10000x240xf32, #tpu.memory_space<hbm>>
      tpu.enqueue_indirect_dma source(%dma_start3A_36 : memref<10000x240xf32, #tpu.memory_space<hbm>>) target(%dma_start3A_31 : memref<64x240xf32, #tpu.memory_space<vmem>>) offsets(%dma_start3A_33 : memref<64xi32, #tpu.memory_space<vmem>>) semaphore(%arg8 : memref<!tpu.dma_semaphore, #tpu.memory_space<semaphore_mem>>)
      %dma_start3A_37 = arith.constant 192 : i32
      %dma_start3A_38 = arith.constant 0 : i32
      %dma_start3A_39 = tpu.memref_slice %arg6[%dma_start3A_37, %dma_start3A_38] : memref<320x240xf32, #tpu.memory_space<vmem>> -> memref<64x240xf32, #tpu.memory_space<vmem>>
      %dma_start3A_40 = arith.constant 192 : i32
      %dma_start3A_41 = tpu.memref_slice %arg5[%dma_start3A_40] : memref<320xi32, #tpu.memory_space<vmem>> -> memref<64xi32, #tpu.memory_space<vmem>>
      %dma_start3A_42 = arith.constant 0 : i32
      %dma_start3A_43 = arith.constant 0 : i32
      %dma_start3A_44 = tpu.memref_slice %arg2[%dma_start3A_42, %dma_start3A_43] : memref<10000x240xf32, #tpu.memory_space<hbm>> -> memref<10000x240xf32, #tpu.memory_space<hbm>>
      tpu.enqueue_indirect_dma source(%dma_start3A_44 : memref<10000x240xf32, #tpu.memory_space<hbm>>) target(%dma_start3A_39 : memref<64x240xf32, #tpu.memory_space<vmem>>) offsets(%dma_start3A_41 : memref<64xi32, #tpu.memory_space<vmem>>) semaphore(%arg8 : memref<!tpu.dma_semaphore, #tpu.memory_space<semaphore_mem>>)
      %dma_start3A_45 = arith.constant 256 : i32
      %dma_start3A_46 = arith.constant 0 : i32
      %dma_start3A_47 = tpu.memref_slice %arg6[%dma_start3A_45, %dma_start3A_46] : memref<320x240xf32, #tpu.memory_space<vmem>> -> memref<64x240xf32, #tpu.memory_space<vmem>>
      %dma_start3A_48 = arith.constant 256 : i32
      %dma_start3A_49 = tpu.memref_slice %arg5[%dma_start3A_48] : memref<320xi32, #tpu.memory_space<vmem>> -> memref<64xi32, #tpu.memory_space<vmem>>
      %dma_start3A_50 = arith.constant 0 : i32
      %dma_start3A_51 = arith.constant 0 : i32
      %dma_start3A_52 = tpu.memref_slice %arg2[%dma_start3A_50, %dma_start3A_51] : memref<10000x240xf32, #tpu.memory_space<hbm>> -> memref<10000x240xf32, #tpu.memory_space<hbm>>
      tpu.enqueue_indirect_dma source(%dma_start3A_52 : memref<10000x240xf32, #tpu.memory_space<hbm>>) target(%dma_start3A_47 : memref<64x240xf32, #tpu.memory_space<vmem>>) offsets(%dma_start3A_49 : memref<64xi32, #tpu.memory_space<vmem>>) semaphore(%arg8 : memref<!tpu.dma_semaphore, #tpu.memory_space<semaphore_mem>>)
      %dma_wait3A = arith.constant 0 : i32
      %dma_wait3A_53 = arith.constant 0 : i32
      %dma_wait3A_54 = tpu.memref_slice %arg6[%dma_wait3A, %dma_wait3A_53] : memref<320x240xf32, #tpu.memory_space<vmem>> -> memref<64x240xf32, #tpu.memory_space<vmem>>
      %dma_wait3A_55 = arith.constant 0 : i32
      %dma_wait3A_56 = tpu.memref_slice %arg5[%dma_wait3A_55] : memref<320xi32, #tpu.memory_space<vmem>> -> memref<64xi32, #tpu.memory_space<vmem>>
      %dma_wait3A_57 = arith.constant 0 : i32
      %dma_wait3A_58 = arith.constant 0 : i32
      %dma_wait3A_59 = tpu.memref_slice %arg2[%dma_wait3A_57, %dma_wait3A_58] : memref<10000x240xf32, #tpu.memory_space<hbm>> -> memref<10000x240xf32, #tpu.memory_space<hbm>>
      tpu.wait_indirect_dma semaphore(%arg8 : memref<!tpu.dma_semaphore, #tpu.memory_space<semaphore_mem>>) src(%dma_wait3A_59 : memref<10000x240xf32, #tpu.memory_space<hbm>>) dst(%dma_wait3A_54 : memref<64x240xf32, #tpu.memory_space<vmem>>)
      %dma_wait3A_60 = arith.constant 64 : i32
      %dma_wait3A_61 = arith.constant 0 : i32
      %dma_wait3A_62 = tpu.memref_slice %arg6[%dma_wait3A_60, %dma_wait3A_61] : memref<320x240xf32, #tpu.memory_space<vmem>> -> memref<64x240xf32, #tpu.memory_space<vmem>>
      %dma_wait3A_63 = arith.constant 64 : i32
      %dma_wait3A_64 = tpu.memref_slice %arg5[%dma_wait3A_63] : memref<320xi32, #tpu.memory_space<vmem>> -> memref<64xi32, #tpu.memory_space<vmem>>
      %dma_wait3A_65 = arith.constant 0 : i32
      %dma_wait3A_66 = arith.constant 0 : i32
      %dma_wait3A_67 = tpu.memref_slice %arg2[%dma_wait3A_65, %dma_wait3A_66] : memref<10000x240xf32, #tpu.memory_space<hbm>> -> memref<10000x240xf32, #tpu.memory_space<hbm>>
      tpu.wait_indirect_dma semaphore(%arg8 : memref<!tpu.dma_semaphore, #tpu.memory_space<semaphore_mem>>) src(%dma_wait3A_67 : memref<10000x240xf32, #tpu.memory_space<hbm>>) dst(%dma_wait3A_62 : memref<64x240xf32, #tpu.memory_space<vmem>>)
      %dma_wait3A_68 = arith.constant 128 : i32
      %dma_wait3A_69 = arith.constant 0 : i32
      %dma_wait3A_70 = tpu.memref_slice %arg6[%dma_wait3A_68, %dma_wait3A_69] : memref<320x240xf32, #tpu.memory_space<vmem>> -> memref<64x240xf32, #tpu.memory_space<vmem>>
      %dma_wait3A_71 = arith.constant 128 : i32
      %dma_wait3A_72 = tpu.memref_slice %arg5[%dma_wait3A_71] : memref<320xi32, #tpu.memory_space<vmem>> -> memref<64xi32, #tpu.memory_space<vmem>>
      %dma_wait3A_73 = arith.constant 0 : i32
      %dma_wait3A_74 = arith.constant 0 : i32
      %dma_wait3A_75 = tpu.memref_slice %arg2[%dma_wait3A_73, %dma_wait3A_74] : memref<10000x240xf32, #tpu.memory_space<hbm>> -> memref<10000x240xf32, #tpu.memory_space<hbm>>
      tpu.wait_indirect_dma semaphore(%arg8 : memref<!tpu.dma_semaphore, #tpu.memory_space<semaphore_mem>>) src(%dma_wait3A_75 : memref<10000x240xf32, #tpu.memory_space<hbm>>) dst(%dma_wait3A_70 : memref<64x240xf32, #tpu.memory_space<vmem>>)
      %dma_wait3A_76 = arith.constant 192 : i32
      %dma_wait3A_77 = arith.constant 0 : i32
      %dma_wait3A_78 = tpu.memref_slice %arg6[%dma_wait3A_76, %dma_wait3A_77] : memref<320x240xf32, #tpu.memory_space<vmem>> -> memref<64x240xf32, #tpu.memory_space<vmem>>
      %dma_wait3A_79 = arith.constant 192 : i32
      %dma_wait3A_80 = tpu.memref_slice %arg5[%dma_wait3A_79] : memref<320xi32, #tpu.memory_space<vmem>> -> memref<64xi32, #tpu.memory_space<vmem>>
      %dma_wait3A_81 = arith.constant 0 : i32
      %dma_wait3A_82 = arith.constant 0 : i32
      %dma_wait3A_83 = tpu.memref_slice %arg2[%dma_wait3A_81, %dma_wait3A_82] : memref<10000x240xf32, #tpu.memory_space<hbm>> -> memref<10000x240xf32, #tpu.memory_space<hbm>>
      tpu.wait_indirect_dma semaphore(%arg8 : memref<!tpu.dma_semaphore, #tpu.memory_space<semaphore_mem>>) src(%dma_wait3A_83 : memref<10000x240xf32, #tpu.memory_space<hbm>>) dst(%dma_wait3A_78 : memref<64x240xf32, #tpu.memory_space<vmem>>)
      %dma_wait3A_84 = arith.constant 256 : i32
      %dma_wait3A_85 = arith.constant 0 : i32
      %dma_wait3A_86 = tpu.memref_slice %arg6[%dma_wait3A_84, %dma_wait3A_85] : memref<320x240xf32, #tpu.memory_space<vmem>> -> memref<64x240xf32, #tpu.memory_space<vmem>>
      %dma_wait3A_87 = arith.constant 256 : i32
      %dma_wait3A_88 = tpu.memref_slice %arg5[%dma_wait3A_87] : memref<320xi32, #tpu.memory_space<vmem>> -> memref<64xi32, #tpu.memory_space<vmem>>
      %dma_wait3A_89 = arith.constant 0 : i32
      %dma_wait3A_90 = arith.constant 0 : i32
      %dma_wait3A_91 = tpu.memref_slice %arg2[%dma_wait3A_89, %dma_wait3A_90] : memref<10000x240xf32, #tpu.memory_space<hbm>> -> memref<10000x240xf32, #tpu.memory_space<hbm>>
      tpu.wait_indirect_dma semaphore(%arg8 : memref<!tpu.dma_semaphore, #tpu.memory_space<semaphore_mem>>) src(%dma_wait3A_91 : memref<10000x240xf32, #tpu.memory_space<hbm>>) dst(%dma_wait3A_86 : memref<64x240xf32, #tpu.memory_space<vmem>>)
      %scan3A_92 = arith.constant 0 : i32
      %scan3A_93 = arith.constant 0 : i32
      %scan3A_94 = arith.constant 16 : i32
      %scan3A_95 = arith.addi %scan3A_93, %scan3A_94 : i32
      %scan3A_96 = arith.constant 1 : i32
      scf.for %scan3A_98 = %scan3A_93 to %scan3A_95 step %scan3A_96  : i32 {
        %broadcast_in_dim3A = arith.constant 0.000000e+00 : f32
        %broadcast_in_dim3A_99 = vector.broadcast %broadcast_in_dim3A : f32 to vector<16xf32>
        %broadcast_in_dim3A_100 = arith.constant 0.000000e+00 : f32
        %broadcast_in_dim3A_101 = vector.broadcast %broadcast_in_dim3A_100 : f32 to vector<16xf32>
        %broadcast_in_dim3A_102 = arith.constant 0.000000e+00 : f32
        %broadcast_in_dim3A_103 = vector.broadcast %broadcast_in_dim3A_102 : f32 to vector<16xf32>
        %broadcast_in_dim3A_104 = arith.constant 0.000000e+00 : f32
        %broadcast_in_dim3A_105 = vector.broadcast %broadcast_in_dim3A_104 : f32 to vector<16xf32>
        %broadcast_in_dim3A_106 = arith.constant 0.000000e+00 : f32
        %broadcast_in_dim3A_107 = vector.broadcast %broadcast_in_dim3A_106 : f32 to vector<16xf32>
        %broadcast_in_dim3A_108 = arith.constant 0.000000e+00 : f32
        %broadcast_in_dim3A_109 = vector.broadcast %broadcast_in_dim3A_108 : f32 to vector<16xf32>
        %broadcast_in_dim3A_110 = arith.constant 0.000000e+00 : f32
        %broadcast_in_dim3A_111 = vector.broadcast %broadcast_in_dim3A_110 : f32 to vector<16xf32>
        %broadcast_in_dim3A_112 = arith.constant 0.000000e+00 : f32
        %broadcast_in_dim3A_113 = vector.broadcast %broadcast_in_dim3A_112 : f32 to vector<16xf32>
        %broadcast_in_dim3A_114 = arith.constant 0.000000e+00 : f32
        %broadcast_in_dim3A_115 = vector.broadcast %broadcast_in_dim3A_114 : f32 to vector<16xf32>
        %broadcast_in_dim3A_116 = arith.constant 0.000000e+00 : f32
        %broadcast_in_dim3A_117 = vector.broadcast %broadcast_in_dim3A_116 : f32 to vector<16xf32>
        %broadcast_in_dim3A_118 = arith.constant 0.000000e+00 : f32
        %broadcast_in_dim3A_119 = vector.broadcast %broadcast_in_dim3A_118 : f32 to vector<16xf32>
        %broadcast_in_dim3A_120 = arith.constant 0.000000e+00 : f32
        %broadcast_in_dim3A_121 = vector.broadcast %broadcast_in_dim3A_120 : f32 to vector<16xf32>
        %broadcast_in_dim3A_122 = arith.constant 0.000000e+00 : f32
        %broadcast_in_dim3A_123 = vector.broadcast %broadcast_in_dim3A_122 : f32 to vector<16xf32>
        %broadcast_in_dim3A_124 = arith.constant 0.000000e+00 : f32
        %broadcast_in_dim3A_125 = vector.broadcast %broadcast_in_dim3A_124 : f32 to vector<16xf32>
        %broadcast_in_dim3A_126 = arith.constant 0.000000e+00 : f32
        %broadcast_in_dim3A_127 = vector.broadcast %broadcast_in_dim3A_126 : f32 to vector<16xf32>
        %scan3A_128 = arith.constant 0 : i32
        %scan3A_129 = arith.constant 20 : i32
        %scan3A_130 = arith.addi %scan3A_128, %scan3A_129 : i32
        %scan3A_131 = arith.constant 1 : i32
        %scan3A_132:15 = scf.for %scan3A_253 = %scan3A_128 to %scan3A_130 step %scan3A_131 iter_args(%scan3A_254 = %broadcast_in_dim3A_99, %scan3A_255 = %broadcast_in_dim3A_101, %scan3A_256 = %broadcast_in_dim3A_103, %scan3A_257 = %broadcast_in_dim3A_105, %scan3A_258 = %broadcast_in_dim3A_107, %scan3A_259 = %broadcast_in_dim3A_109, %scan3A_260 = %broadcast_in_dim3A_111, %scan3A_261 = %broadcast_in_dim3A_113, %scan3A_262 = %broadcast_in_dim3A_115, %scan3A_263 = %broadcast_in_dim3A_117, %scan3A_264 = %broadcast_in_dim3A_119, %scan3A_265 = %broadcast_in_dim3A_121, %scan3A_266 = %broadcast_in_dim3A_123, %scan3A_267 = %broadcast_in_dim3A_125, %scan3A_268 = %broadcast_in_dim3A_127) -> (vector<16xf32>, vector<16xf32>, vector<16xf32>, vector<16xf32>, vector<16xf32>, vector<16xf32>, vector<16xf32>, vector<16xf32>, vector<16xf32>, vector<16xf32>, vector<16xf32>, vector<16xf32>, vector<16xf32>, vector<16xf32>, vector<16xf32>)  : i32 {
          %mul3A_269 = arith.constant 20 : i32
          %mul3A_270 = arith.muli %scan3A_98, %mul3A_269 : i32
          %add3A_271 = arith.addi %mul3A_270, %scan3A_253 : i32
          %get3A = arith.index_cast %add3A_271 : i32 to index
          %get3A_272 = arith.constant 0 : index
          %get3A_273 = tpu.vector_load %arg6[%get3A, %get3A_272] {strides = array<i32>} : memref<320x240xf32, #tpu.memory_space<vmem>>, vector<1x16xf32>,
          %get3A_274 = vector.shape_cast %get3A_273 : vector<1x16xf32> to vector<16xf32>
          %add3A_275 = arith.addf %scan3A_254, %get3A_274 : vector<16xf32>
          %mul3A_276 = arith.constant 20 : i32
          %mul3A_277 = arith.muli %scan3A_98, %mul3A_276 : i32
          %add3A_278 = arith.addi %mul3A_277, %scan3A_253 : i32
          %get3A_279 = arith.index_cast %add3A_278 : i32 to index
          %get3A_280 = arith.constant 16 : index
          %get3A_281 = tpu.vector_load %arg6[%get3A_279, %get3A_280] {strides = array<i32>} : memref<320x240xf32, #tpu.memory_space<vmem>>, vector<1x16xf32>,
          %get3A_282 = vector.shape_cast %get3A_281 : vector<1x16xf32> to vector<16xf32>
          %add3A_283 = arith.addf %scan3A_255, %get3A_282 : vector<16xf32>
          %mul3A_284 = arith.constant 20 : i32
          %mul3A_285 = arith.muli %scan3A_98, %mul3A_284 : i32
          %add3A_286 = arith.addi %mul3A_285, %scan3A_253 : i32
          %get3A_287 = arith.index_cast %add3A_286 : i32 to index
          %get3A_288 = arith.constant 32 : index
          %get3A_289 = tpu.vector_load %arg6[%get3A_287, %get3A_288] {strides = array<i32>} : memref<320x240xf32, #tpu.memory_space<vmem>>, vector<1x16xf32>,
          %get3A_290 = vector.shape_cast %get3A_289 : vector<1x16xf32> to vector<16xf32>
          %add3A_291 = arith.addf %scan3A_256, %get3A_290 : vector<16xf32>
          %mul3A_292 = arith.constant 20 : i32
          %mul3A_293 = arith.muli %scan3A_98, %mul3A_292 : i32
          %add3A_294 = arith.addi %mul3A_293, %scan3A_253 : i32
          %get3A_295 = arith.index_cast %add3A_294 : i32 to index
          %get3A_296 = arith.constant 48 : index
          %get3A_297 = tpu.vector_load %arg6[%get3A_295, %get3A_296] {strides = array<i32>} : memref<320x240xf32, #tpu.memory_space<vmem>>, vector<1x16xf32>,
          %get3A_298 = vector.shape_cast %get3A_297 : vector<1x16xf32> to vector<16xf32>
          %add3A_299 = arith.addf %scan3A_257, %get3A_298 : vector<16xf32>
          %mul3A_300 = arith.constant 20 : i32
          %mul3A_301 = arith.muli %scan3A_98, %mul3A_300 : i32
          %add3A_302 = arith.addi %mul3A_301, %scan3A_253 : i32
          %get3A_303 = arith.index_cast %add3A_302 : i32 to index
          %get3A_304 = arith.constant 64 : index
          %get3A_305 = tpu.vector_load %arg6[%get3A_303, %get3A_304] {strides = array<i32>} : memref<320x240xf32, #tpu.memory_space<vmem>>, vector<1x16xf32>,
          %get3A_306 = vector.shape_cast %get3A_305 : vector<1x16xf32> to vector<16xf32>
          %add3A_307 = arith.addf %scan3A_258, %get3A_306 : vector<16xf32>
          %mul3A_308 = arith.constant 20 : i32
          %mul3A_309 = arith.muli %scan3A_98, %mul3A_308 : i32
          %add3A_310 = arith.addi %mul3A_309, %scan3A_253 : i32
          %get3A_311 = arith.index_cast %add3A_310 : i32 to index
          %get3A_312 = arith.constant 80 : index
          %get3A_313 = tpu.vector_load %arg6[%get3A_311, %get3A_312] {strides = array<i32>} : memref<320x240xf32, #tpu.memory_space<vmem>>, vector<1x16xf32>,
          %get3A_314 = vector.shape_cast %get3A_313 : vector<1x16xf32> to vector<16xf32>
          %add3A_315 = arith.addf %scan3A_259, %get3A_314 : vector<16xf32>
          %mul3A_316 = arith.constant 20 : i32
          %mul3A_317 = arith.muli %scan3A_98, %mul3A_316 : i32
          %add3A_318 = arith.addi %mul3A_317, %scan3A_253 : i32
          %get3A_319 = arith.index_cast %add3A_318 : i32 to index
          %get3A_320 = arith.constant 96 : index
          %get3A_321 = tpu.vector_load %arg6[%get3A_319, %get3A_320] {strides = array<i32>} : memref<320x240xf32, #tpu.memory_space<vmem>>, vector<1x16xf32>,
          %get3A_322 = vector.shape_cast %get3A_321 : vector<1x16xf32> to vector<16xf32>
          %add3A_323 = arith.addf %scan3A_260, %get3A_322 : vector<16xf32>
          %mul3A_324 = arith.constant 20 : i32
          %mul3A_325 = arith.muli %scan3A_98, %mul3A_324 : i32
          %add3A_326 = arith.addi %mul3A_325, %scan3A_253 : i32
          %get3A_327 = arith.index_cast %add3A_326 : i32 to index
          %get3A_328 = arith.constant 112 : index
          %get3A_329 = tpu.vector_load %arg6[%get3A_327, %get3A_328] {strides = array<i32>} : memref<320x240xf32, #tpu.memory_space<vmem>>, vector<1x16xf32>,
          %get3A_330 = vector.shape_cast %get3A_329 : vector<1x16xf32> to vector<16xf32>
          %add3A_331 = arith.addf %scan3A_261, %get3A_330 : vector<16xf32>
          %mul3A_332 = arith.constant 20 : i32
          %mul3A_333 = arith.muli %scan3A_98, %mul3A_332 : i32
          %add3A_334 = arith.addi %mul3A_333, %scan3A_253 : i32
          %get3A_335 = arith.index_cast %add3A_334 : i32 to index
          %get3A_336 = arith.constant 128 : index
          %get3A_337 = tpu.vector_load %arg6[%get3A_335, %get3A_336] {strides = array<i32>} : memref<320x240xf32, #tpu.memory_space<vmem>>, vector<1x16xf32>,
          %get3A_338 = vector.shape_cast %get3A_337 : vector<1x16xf32> to vector<16xf32>
          %add3A_339 = arith.addf %scan3A_262, %get3A_338 : vector<16xf32>
          %mul3A_340 = arith.constant 20 : i32
          %mul3A_341 = arith.muli %scan3A_98, %mul3A_340 : i32
          %add3A_342 = arith.addi %mul3A_341, %scan3A_253 : i32
          %get3A_343 = arith.index_cast %add3A_342 : i32 to index
          %get3A_344 = arith.constant 144 : index
          %get3A_345 = tpu.vector_load %arg6[%get3A_343, %get3A_344] {strides = array<i32>} : memref<320x240xf32, #tpu.memory_space<vmem>>, vector<1x16xf32>,
          %get3A_346 = vector.shape_cast %get3A_345 : vector<1x16xf32> to vector<16xf32>
          %add3A_347 = arith.addf %scan3A_263, %get3A_346 : vector<16xf32>
          %mul3A_348 = arith.constant 20 : i32
          %mul3A_349 = arith.muli %scan3A_98, %mul3A_348 : i32
          %add3A_350 = arith.addi %mul3A_349, %scan3A_253 : i32
          %get3A_351 = arith.index_cast %add3A_350 : i32 to index
          %get3A_352 = arith.constant 160 : index
          %get3A_353 = tpu.vector_load %arg6[%get3A_351, %get3A_352] {strides = array<i32>} : memref<320x240xf32, #tpu.memory_space<vmem>>, vector<1x16xf32>,
          %get3A_354 = vector.shape_cast %get3A_353 : vector<1x16xf32> to vector<16xf32>
          %add3A_355 = arith.addf %scan3A_264, %get3A_354 : vector<16xf32>
          %mul3A_356 = arith.constant 20 : i32
          %mul3A_357 = arith.muli %scan3A_98, %mul3A_356 : i32
          %add3A_358 = arith.addi %mul3A_357, %scan3A_253 : i32
          %get3A_359 = arith.index_cast %add3A_358 : i32 to index
          %get3A_360 = arith.constant 176 : index
          %get3A_361 = tpu.vector_load %arg6[%get3A_359, %get3A_360] {strides = array<i32>} : memref<320x240xf32, #tpu.memory_space<vmem>>, vector<1x16xf32>,
          %get3A_362 = vector.shape_cast %get3A_361 : vector<1x16xf32> to vector<16xf32>
          %add3A_363 = arith.addf %scan3A_265, %get3A_362 : vector<16xf32>
          %mul3A_364 = arith.constant 20 : i32
          %mul3A_365 = arith.muli %scan3A_98, %mul3A_364 : i32
          %add3A_366 = arith.addi %mul3A_365, %scan3A_253 : i32
          %get3A_367 = arith.index_cast %add3A_366 : i32 to index
          %get3A_368 = arith.constant 192 : index
          %get3A_369 = tpu.vector_load %arg6[%get3A_367, %get3A_368] {strides = array<i32>} : memref<320x240xf32, #tpu.memory_space<vmem>>, vector<1x16xf32>,
          %get3A_370 = vector.shape_cast %get3A_369 : vector<1x16xf32> to vector<16xf32>
          %add3A_371 = arith.addf %scan3A_266, %get3A_370 : vector<16xf32>
          %mul3A_372 = arith.constant 20 : i32
          %mul3A_373 = arith.muli %scan3A_98, %mul3A_372 : i32
          %add3A_374 = arith.addi %mul3A_373, %scan3A_253 : i32
          %get3A_375 = arith.index_cast %add3A_374 : i32 to index
          %get3A_376 = arith.constant 208 : index
          %get3A_377 = tpu.vector_load %arg6[%get3A_375, %get3A_376] {strides = array<i32>} : memref<320x240xf32, #tpu.memory_space<vmem>>, vector<1x16xf32>,
          %get3A_378 = vector.shape_cast %get3A_377 : vector<1x16xf32> to vector<16xf32>
          %add3A_379 = arith.addf %scan3A_267, %get3A_378 : vector<16xf32>
          %mul3A_380 = arith.constant 20 : i32
          %mul3A_381 = arith.muli %scan3A_98, %mul3A_380 : i32
          %add3A_382 = arith.addi %mul3A_381, %scan3A_253 : i32
          %get3A_383 = arith.index_cast %add3A_382 : i32 to index
          %get3A_384 = arith.constant 224 : index
          %get3A_385 = tpu.vector_load %arg6[%get3A_383, %get3A_384] {strides = array<i32>} : memref<320x240xf32, #tpu.memory_space<vmem>>, vector<1x16xf32>,
          %get3A_386 = vector.shape_cast %get3A_385 : vector<1x16xf32> to vector<16xf32>
          %add3A_387 = arith.addf %scan3A_268, %get3A_386 : vector<16xf32>
          scf.yield %add3A_275, %add3A_283, %add3A_291, %add3A_299, %add3A_307, %add3A_315, %add3A_323, %add3A_331, %add3A_339, %add3A_347, %add3A_355, %add3A_363, %add3A_371, %add3A_379, %add3A_387 : vector<16xf32>, vector<16xf32>, vector<16xf32>, vector<16xf32>, vector<16xf32>, vector<16xf32>, vector<16xf32>, vector<16xf32>, vector<16xf32>, vector<16xf32>, vector<16xf32>, vector<16xf32>, vector<16xf32>, vector<16xf32>, vector<16xf32>
        }
        %scan3A_133 = arith.constant 20 : i32
        %mul3A_134 = arith.constant 5.000000e-02 : f32
        %mul3A_135 = vector.broadcast %mul3A_134 : f32 to vector<16xf32>
        %mul3A_136 = arith.mulf %scan3A_132#0, %mul3A_135 : vector<16xf32>
        %swap3A = arith.index_cast %scan3A_98 : i32 to index
        %swap3A_137 = arith.constant 0 : index
        %swap3A_138 = tpu.vector_load %arg7[%swap3A, %swap3A_137] {strides = array<i32>} : memref<16x240xf32, #tpu.memory_space<vmem>>, vector<1x16xf32>,
        %swap3A_139 = vector.shape_cast %swap3A_138 : vector<1x16xf32> to vector<16xf32>
        %swap3A_140 = vector.shape_cast %mul3A_136 : vector<16xf32> to vector<1x16xf32>
        tpu.vector_store %arg7[%swap3A, %swap3A_137], %swap3A_140 {strides = array<i32>} : memref<16x240xf32, #tpu.memory_space<vmem>>, vector<1x16xf32>,
        %mul3A_141 = arith.constant 5.000000e-02 : f32
        %mul3A_142 = vector.broadcast %mul3A_141 : f32 to vector<16xf32>
        %mul3A_143 = arith.mulf %scan3A_132#1, %mul3A_142 : vector<16xf32>
        %swap3A_144 = arith.index_cast %scan3A_98 : i32 to index
        %swap3A_145 = arith.constant 16 : index
        %swap3A_146 = tpu.vector_load %arg7[%swap3A_144, %swap3A_145] {strides = array<i32>} : memref<16x240xf32, #tpu.memory_space<vmem>>, vector<1x16xf32>,
        %swap3A_147 = vector.shape_cast %swap3A_146 : vector<1x16xf32> to vector<16xf32>
        %swap3A_148 = vector.shape_cast %mul3A_143 : vector<16xf32> to vector<1x16xf32>
        tpu.vector_store %arg7[%swap3A_144, %swap3A_145], %swap3A_148 {strides = array<i32>} : memref<16x240xf32, #tpu.memory_space<vmem>>, vector<1x16xf32>,
        %mul3A_149 = arith.constant 5.000000e-02 : f32
        %mul3A_150 = vector.broadcast %mul3A_149 : f32 to vector<16xf32>
        %mul3A_151 = arith.mulf %scan3A_132#2, %mul3A_150 : vector<16xf32>
        %swap3A_152 = arith.index_cast %scan3A_98 : i32 to index
        %swap3A_153 = arith.constant 32 : index
        %swap3A_154 = tpu.vector_load %arg7[%swap3A_152, %swap3A_153] {strides = array<i32>} : memref<16x240xf32, #tpu.memory_space<vmem>>, vector<1x16xf32>,
        %swap3A_155 = vector.shape_cast %swap3A_154 : vector<1x16xf32> to vector<16xf32>
        %swap3A_156 = vector.shape_cast %mul3A_151 : vector<16xf32> to vector<1x16xf32>
        tpu.vector_store %arg7[%swap3A_152, %swap3A_153], %swap3A_156 {strides = array<i32>} : memref<16x240xf32, #tpu.memory_space<vmem>>, vector<1x16xf32>,
        %mul3A_157 = arith.constant 5.000000e-02 : f32
        %mul3A_158 = vector.broadcast %mul3A_157 : f32 to vector<16xf32>
        %mul3A_159 = arith.mulf %scan3A_132#3, %mul3A_158 : vector<16xf32>
        %swap3A_160 = arith.index_cast %scan3A_98 : i32 to index
        %swap3A_161 = arith.constant 48 : index
        %swap3A_162 = tpu.vector_load %arg7[%swap3A_160, %swap3A_161] {strides = array<i32>} : memref<16x240xf32, #tpu.memory_space<vmem>>, vector<1x16xf32>,
        %swap3A_163 = vector.shape_cast %swap3A_162 : vector<1x16xf32> to vector<16xf32>
        %swap3A_164 = vector.shape_cast %mul3A_159 : vector<16xf32> to vector<1x16xf32>
        tpu.vector_store %arg7[%swap3A_160, %swap3A_161], %swap3A_164 {strides = array<i32>} : memref<16x240xf32, #tpu.memory_space<vmem>>, vector<1x16xf32>,
        %mul3A_165 = arith.constant 5.000000e-02 : f32
        %mul3A_166 = vector.broadcast %mul3A_165 : f32 to vector<16xf32>
        %mul3A_167 = arith.mulf %scan3A_132#4, %mul3A_166 : vector<16xf32>
        %swap3A_168 = arith.index_cast %scan3A_98 : i32 to index
        %swap3A_169 = arith.constant 64 : index
        %swap3A_170 = tpu.vector_load %arg7[%swap3A_168, %swap3A_169] {strides = array<i32>} : memref<16x240xf32, #tpu.memory_space<vmem>>, vector<1x16xf32>,
        %swap3A_171 = vector.shape_cast %swap3A_170 : vector<1x16xf32> to vector<16xf32>
        %swap3A_172 = vector.shape_cast %mul3A_167 : vector<16xf32> to vector<1x16xf32>
        tpu.vector_store %arg7[%swap3A_168, %swap3A_169], %swap3A_172 {strides = array<i32>} : memref<16x240xf32, #tpu.memory_space<vmem>>, vector<1x16xf32>,
        %mul3A_173 = arith.constant 5.000000e-02 : f32
        %mul3A_174 = vector.broadcast %mul3A_173 : f32 to vector<16xf32>
        %mul3A_175 = arith.mulf %scan3A_132#5, %mul3A_174 : vector<16xf32>
        %swap3A_176 = arith.index_cast %scan3A_98 : i32 to index
        %swap3A_177 = arith.constant 80 : index
        %swap3A_178 = tpu.vector_load %arg7[%swap3A_176, %swap3A_177] {strides = array<i32>} : memref<16x240xf32, #tpu.memory_space<vmem>>, vector<1x16xf32>,
        %swap3A_179 = vector.shape_cast %swap3A_178 : vector<1x16xf32> to vector<16xf32>
        %swap3A_180 = vector.shape_cast %mul3A_175 : vector<16xf32> to vector<1x16xf32>
        tpu.vector_store %arg7[%swap3A_176, %swap3A_177], %swap3A_180 {strides = array<i32>} : memref<16x240xf32, #tpu.memory_space<vmem>>, vector<1x16xf32>,
        %mul3A_181 = arith.constant 5.000000e-02 : f32
        %mul3A_182 = vector.broadcast %mul3A_181 : f32 to vector<16xf32>
        %mul3A_183 = arith.mulf %scan3A_132#6, %mul3A_182 : vector<16xf32>
        %swap3A_184 = arith.index_cast %scan3A_98 : i32 to index
        %swap3A_185 = arith.constant 96 : index
        %swap3A_186 = tpu.vector_load %arg7[%swap3A_184, %swap3A_185] {strides = array<i32>} : memref<16x240xf32, #tpu.memory_space<vmem>>, vector<1x16xf32>,
        %swap3A_187 = vector.shape_cast %swap3A_186 : vector<1x16xf32> to vector<16xf32>
        %swap3A_188 = vector.shape_cast %mul3A_183 : vector<16xf32> to vector<1x16xf32>
        tpu.vector_store %arg7[%swap3A_184, %swap3A_185], %swap3A_188 {strides = array<i32>} : memref<16x240xf32, #tpu.memory_space<vmem>>, vector<1x16xf32>,
        %mul3A_189 = arith.constant 5.000000e-02 : f32
        %mul3A_190 = vector.broadcast %mul3A_189 : f32 to vector<16xf32>
        %mul3A_191 = arith.mulf %scan3A_132#7, %mul3A_190 : vector<16xf32>
        %swap3A_192 = arith.index_cast %scan3A_98 : i32 to index
        %swap3A_193 = arith.constant 112 : index
        %swap3A_194 = tpu.vector_load %arg7[%swap3A_192, %swap3A_193] {strides = array<i32>} : memref<16x240xf32, #tpu.memory_space<vmem>>, vector<1x16xf32>,
        %swap3A_195 = vector.shape_cast %swap3A_194 : vector<1x16xf32> to vector<16xf32>
        %swap3A_196 = vector.shape_cast %mul3A_191 : vector<16xf32> to vector<1x16xf32>
        tpu.vector_store %arg7[%swap3A_192, %swap3A_193], %swap3A_196 {strides = array<i32>} : memref<16x240xf32, #tpu.memory_space<vmem>>, vector<1x16xf32>,
        %mul3A_197 = arith.constant 5.000000e-02 : f32
        %mul3A_198 = vector.broadcast %mul3A_197 : f32 to vector<16xf32>
        %mul3A_199 = arith.mulf %scan3A_132#8, %mul3A_198 : vector<16xf32>
        %swap3A_200 = arith.index_cast %scan3A_98 : i32 to index
        %swap3A_201 = arith.constant 128 : index
        %swap3A_202 = tpu.vector_load %arg7[%swap3A_200, %swap3A_201] {strides = array<i32>} : memref<16x240xf32, #tpu.memory_space<vmem>>, vector<1x16xf32>,
        %swap3A_203 = vector.shape_cast %swap3A_202 : vector<1x16xf32> to vector<16xf32>
        %swap3A_204 = vector.shape_cast %mul3A_199 : vector<16xf32> to vector<1x16xf32>
        tpu.vector_store %arg7[%swap3A_200, %swap3A_201], %swap3A_204 {strides = array<i32>} : memref<16x240xf32, #tpu.memory_space<vmem>>, vector<1x16xf32>,
        %mul3A_205 = arith.constant 5.000000e-02 : f32
        %mul3A_206 = vector.broadcast %mul3A_205 : f32 to vector<16xf32>
        %mul3A_207 = arith.mulf %scan3A_132#9, %mul3A_206 : vector<16xf32>
        %swap3A_208 = arith.index_cast %scan3A_98 : i32 to index
        %swap3A_209 = arith.constant 144 : index
        %swap3A_210 = tpu.vector_load %arg7[%swap3A_208, %swap3A_209] {strides = array<i32>} : memref<16x240xf32, #tpu.memory_space<vmem>>, vector<1x16xf32>,
        %swap3A_211 = vector.shape_cast %swap3A_210 : vector<1x16xf32> to vector<16xf32>
        %swap3A_212 = vector.shape_cast %mul3A_207 : vector<16xf32> to vector<1x16xf32>
        tpu.vector_store %arg7[%swap3A_208, %swap3A_209], %swap3A_212 {strides = array<i32>} : memref<16x240xf32, #tpu.memory_space<vmem>>, vector<1x16xf32>,
        %mul3A_213 = arith.constant 5.000000e-02 : f32
        %mul3A_214 = vector.broadcast %mul3A_213 : f32 to vector<16xf32>
        %mul3A_215 = arith.mulf %scan3A_132#10, %mul3A_214 : vector<16xf32>
        %swap3A_216 = arith.index_cast %scan3A_98 : i32 to index
        %swap3A_217 = arith.constant 160 : index
        %swap3A_218 = tpu.vector_load %arg7[%swap3A_216, %swap3A_217] {strides = array<i32>} : memref<16x240xf32, #tpu.memory_space<vmem>>, vector<1x16xf32>,
        %swap3A_219 = vector.shape_cast %swap3A_218 : vector<1x16xf32> to vector<16xf32>
        %swap3A_220 = vector.shape_cast %mul3A_215 : vector<16xf32> to vector<1x16xf32>
        tpu.vector_store %arg7[%swap3A_216, %swap3A_217], %swap3A_220 {strides = array<i32>} : memref<16x240xf32, #tpu.memory_space<vmem>>, vector<1x16xf32>,
        %mul3A_221 = arith.constant 5.000000e-02 : f32
        %mul3A_222 = vector.broadcast %mul3A_221 : f32 to vector<16xf32>
        %mul3A_223 = arith.mulf %scan3A_132#11, %mul3A_222 : vector<16xf32>
        %swap3A_224 = arith.index_cast %scan3A_98 : i32 to index
        %swap3A_225 = arith.constant 176 : index
        %swap3A_226 = tpu.vector_load %arg7[%swap3A_224, %swap3A_225] {strides = array<i32>} : memref<16x240xf32, #tpu.memory_space<vmem>>, vector<1x16xf32>,
        %swap3A_227 = vector.shape_cast %swap3A_226 : vector<1x16xf32> to vector<16xf32>
        %swap3A_228 = vector.shape_cast %mul3A_223 : vector<16xf32> to vector<1x16xf32>
        tpu.vector_store %arg7[%swap3A_224, %swap3A_225], %swap3A_228 {strides = array<i32>} : memref<16x240xf32, #tpu.memory_space<vmem>>, vector<1x16xf32>,
        %mul3A_229 = arith.constant 5.000000e-02 : f32
        %mul3A_230 = vector.broadcast %mul3A_229 : f32 to vector<16xf32>
        %mul3A_231 = arith.mulf %scan3A_132#12, %mul3A_230 : vector<16xf32>
        %swap3A_232 = arith.index_cast %scan3A_98 : i32 to index
        %swap3A_233 = arith.constant 192 : index
        %swap3A_234 = tpu.vector_load %arg7[%swap3A_232, %swap3A_233] {strides = array<i32>} : memref<16x240xf32, #tpu.memory_space<vmem>>, vector<1x16xf32>,
        %swap3A_235 = vector.shape_cast %swap3A_234 : vector<1x16xf32> to vector<16xf32>
        %swap3A_236 = vector.shape_cast %mul3A_231 : vector<16xf32> to vector<1x16xf32>
        tpu.vector_store %arg7[%swap3A_232, %swap3A_233], %swap3A_236 {strides = array<i32>} : memref<16x240xf32, #tpu.memory_space<vmem>>, vector<1x16xf32>,
        %mul3A_237 = arith.constant 5.000000e-02 : f32
        %mul3A_238 = vector.broadcast %mul3A_237 : f32 to vector<16xf32>
        %mul3A_239 = arith.mulf %scan3A_132#13, %mul3A_238 : vector<16xf32>
        %swap3A_240 = arith.index_cast %scan3A_98 : i32 to index
        %swap3A_241 = arith.constant 208 : index
        %swap3A_242 = tpu.vector_load %arg7[%swap3A_240, %swap3A_241] {strides = array<i32>} : memref<16x240xf32, #tpu.memory_space<vmem>>, vector<1x16xf32>,
        %swap3A_243 = vector.shape_cast %swap3A_242 : vector<1x16xf32> to vector<16xf32>
        %swap3A_244 = vector.shape_cast %mul3A_239 : vector<16xf32> to vector<1x16xf32>
        tpu.vector_store %arg7[%swap3A_240, %swap3A_241], %swap3A_244 {strides = array<i32>} : memref<16x240xf32, #tpu.memory_space<vmem>>, vector<1x16xf32>,
        %mul3A_245 = arith.constant 5.000000e-02 : f32
        %mul3A_246 = vector.broadcast %mul3A_245 : f32 to vector<16xf32>
        %mul3A_247 = arith.mulf %scan3A_132#14, %mul3A_246 : vector<16xf32>
        %swap3A_248 = arith.index_cast %scan3A_98 : i32 to index
        %swap3A_249 = arith.constant 224 : index
        %swap3A_250 = tpu.vector_load %arg7[%swap3A_248, %swap3A_249] {strides = array<i32>} : memref<16x240xf32, #tpu.memory_space<vmem>>, vector<1x16xf32>,
        %swap3A_251 = vector.shape_cast %swap3A_250 : vector<1x16xf32> to vector<16xf32>
        %swap3A_252 = vector.shape_cast %mul3A_247 : vector<16xf32> to vector<1x16xf32>
        tpu.vector_store %arg7[%swap3A_248, %swap3A_249], %swap3A_252 {strides = array<i32>} : memref<16x240xf32, #tpu.memory_space<vmem>>, vector<1x16xf32>,
      }
      %scan3A_97 = arith.constant 16 : i32
      "tpu.region"() ({
        %run_scoped3A = tpu.sem_alloc : memref<!tpu.dma_semaphore, #tpu.memory_space<semaphore_mem>>
        %dma_start3A_98 = arith.constant 0 : i32
        %dma_start3A_99 = tpu.memref_slice %arg4[%add3A_11, %dma_start3A_98] : memref<10240x240xf32, #tpu.memory_space<hbm>> -> memref<16x240xf32, #tpu.memory_space<hbm>>
        %dma_start3A_100 = arith.constant 0 : i32
        %dma_start3A_101 = tpu.memref_slice %arg4[%add3A_11, %dma_start3A_100] : memref<10240x240xf32, #tpu.memory_space<hbm>> -> memref<16x240xf32, #tpu.memory_space<hbm>>
        tpu.enqueue_dma source(%arg7 : memref<16x240xf32, #tpu.memory_space<vmem>>) target(%dma_start3A_101 : memref<16x240xf32, #tpu.memory_space<hbm>>) target_semaphore(%run_scoped3A : memref<!tpu.dma_semaphore, #tpu.memory_space<semaphore_mem>>)
        %dma_wait3A_102 = arith.constant 0 : i32
        %dma_wait3A_103 = tpu.memref_slice %arg4[%add3A_11, %dma_wait3A_102] : memref<10240x240xf32, #tpu.memory_space<hbm>> -> memref<16x240xf32, #tpu.memory_space<hbm>>
        %dma_wait3A_104 = arith.constant 0 : i32
        %dma_wait3A_105 = tpu.memref_slice %arg4[%add3A_11, %dma_wait3A_104] : memref<10240x240xf32, #tpu.memory_space<hbm>> -> memref<16x240xf32, #tpu.memory_space<hbm>>
        tpu.wait_dma2 semaphore(%run_scoped3A : memref<!tpu.dma_semaphore, #tpu.memory_space<semaphore_mem>>) src(%arg7 : memref<16x240xf32, #tpu.memory_space<vmem>>) dst(%dma_wait3A_105 : memref<16x240xf32, #tpu.memory_space<hbm>>)
        tpu.yield
      }) : () -> ()
    }
    %scan3A_7 = arith.constant 20 : i32
    return
  }
}

#map = affine_map<(d0, d1) -> (0, 0)>
#map1 = affine_map<(d0, d1) -> (0)>
module attributes {stable_mosaic.version = 14 : i64} {
  func.func @k(%arg0: i32, %arg1: i32, %arg2: memref<10000x192xf32, #tpu.memory_space<hbm>>, %arg3: memref<204800xi32, #tpu.memory_space<hbm>>, %arg4: memref<10240x192xf32, #tpu.memory_space<hbm>>, %arg5: memref<320xi32, #tpu.memory_space<vmem>>, %arg6: memref<320x192xf32, #tpu.memory_space<vmem>>, %arg7: memref<16x192xf32, #tpu.memory_space<vmem>>, %arg8: memref<!tpu.dma_semaphore, #tpu.memory_space<semaphore_mem>>) attributes {dimension_semantics = [#tpu.dimension_semantics<core_parallel>, #tpu.dimension_semantics<subcore_parallel>], iteration_bounds = array<i64: 2, 16>, scalar_prefetch = 0 : i64, scratch_operands = 4 : i64, tpu.core_type = #tpu.core_type<sc_vector_subcore>, window_params = [{transform_indices = #map}, {transform_indices = #map1}, {transform_indices = #map}]} {
    %mul3A = arith.constant 2 : i32
    %mul3A_0 = arith.muli %arg1, %mul3A : i32
    %add3A = arith.addi %mul3A_0, %arg0 : i32
    %mul3A_1 = arith.constant 320 : i32
    %mul3A_2 = arith.muli %add3A, %mul3A_1 : i32
    %scan3A = arith.constant 0 : i32
    %scan3A_3 = arith.constant 0 : i32
    %scan3A_4 = arith.constant 20 : i32
    %scan3A_5 = arith.addi %scan3A_3, %scan3A_4 : i32
    %scan3A_6 = arith.constant 1 : i32
    scf.for %scan3A_8 = %scan3A_3 to %scan3A_5 step %scan3A_6  : i32 {
      %mul3A_9 = arith.constant 16 : i32
      %mul3A_10 = arith.muli %scan3A_8, %mul3A_9 : i32
      %add3A_11 = arith.addi %mul3A_2, %mul3A_10 : i32
      %mul3A_12 = arith.constant 20 : i32
      %mul3A_13 = arith.muli %add3A_11, %mul3A_12 : i32
      "tpu.region"() ({
        %run_scoped3A = tpu.sem_alloc : memref<!tpu.dma_semaphore, #tpu.memory_space<semaphore_mem>>
        %dma_start3A_98 = tpu.memref_slice %arg3[%mul3A_13] : memref<204800xi32, #tpu.memory_space<hbm>> -> memref<320xi32, #tpu.memory_space<hbm>>
        %dma_start3A_99 = tpu.memref_slice %arg3[%mul3A_13] : memref<204800xi32, #tpu.memory_space<hbm>> -> memref<320xi32, #tpu.memory_space<hbm>>
        tpu.enqueue_dma source(%dma_start3A_99 : memref<320xi32, #tpu.memory_space<hbm>>) target(%arg5 : memref<320xi32, #tpu.memory_space<vmem>>) target_semaphore(%run_scoped3A : memref<!tpu.dma_semaphore, #tpu.memory_space<semaphore_mem>>)
        %dma_wait3A_100 = tpu.memref_slice %arg3[%mul3A_13] : memref<204800xi32, #tpu.memory_space<hbm>> -> memref<320xi32, #tpu.memory_space<hbm>>
        %dma_wait3A_101 = tpu.memref_slice %arg3[%mul3A_13] : memref<204800xi32, #tpu.memory_space<hbm>> -> memref<320xi32, #tpu.memory_space<hbm>>
        tpu.wait_dma2 semaphore(%run_scoped3A : memref<!tpu.dma_semaphore, #tpu.memory_space<semaphore_mem>>) src(%dma_wait3A_101 : memref<320xi32, #tpu.memory_space<hbm>>) dst(%arg5 : memref<320xi32, #tpu.memory_space<vmem>>)
        tpu.yield
      }) : () -> ()
      %dma_start3A = arith.constant 0 : i32
      %dma_start3A_14 = arith.constant 0 : i32
      %dma_start3A_15 = tpu.memref_slice %arg6[%dma_start3A, %dma_start3A_14] : memref<320x192xf32, #tpu.memory_space<vmem>> -> memref<64x192xf32, #tpu.memory_space<vmem>>
      %dma_start3A_16 = arith.constant 0 : i32
      %dma_start3A_17 = tpu.memref_slice %arg5[%dma_start3A_16] : memref<320xi32, #tpu.memory_space<vmem>> -> memref<64xi32, #tpu.memory_space<vmem>>
      %dma_start3A_18 = arith.constant 0 : i32
      %dma_start3A_19 = arith.constant 0 : i32
      %dma_start3A_20 = tpu.memref_slice %arg2[%dma_start3A_18, %dma_start3A_19] : memref<10000x192xf32, #tpu.memory_space<hbm>> -> memref<10000x192xf32, #tpu.memory_space<hbm>>
      tpu.enqueue_indirect_dma source(%dma_start3A_20 : memref<10000x192xf32, #tpu.memory_space<hbm>>) target(%dma_start3A_15 : memref<64x192xf32, #tpu.memory_space<vmem>>) offsets(%dma_start3A_17 : memref<64xi32, #tpu.memory_space<vmem>>) semaphore(%arg8 : memref<!tpu.dma_semaphore, #tpu.memory_space<semaphore_mem>>)
      %dma_start3A_21 = arith.constant 64 : i32
      %dma_start3A_22 = arith.constant 0 : i32
      %dma_start3A_23 = tpu.memref_slice %arg6[%dma_start3A_21, %dma_start3A_22] : memref<320x192xf32, #tpu.memory_space<vmem>> -> memref<64x192xf32, #tpu.memory_space<vmem>>
      %dma_start3A_24 = arith.constant 64 : i32
      %dma_start3A_25 = tpu.memref_slice %arg5[%dma_start3A_24] : memref<320xi32, #tpu.memory_space<vmem>> -> memref<64xi32, #tpu.memory_space<vmem>>
      %dma_start3A_26 = arith.constant 0 : i32
      %dma_start3A_27 = arith.constant 0 : i32
      %dma_start3A_28 = tpu.memref_slice %arg2[%dma_start3A_26, %dma_start3A_27] : memref<10000x192xf32, #tpu.memory_space<hbm>> -> memref<10000x192xf32, #tpu.memory_space<hbm>>
      tpu.enqueue_indirect_dma source(%dma_start3A_28 : memref<10000x192xf32, #tpu.memory_space<hbm>>) target(%dma_start3A_23 : memref<64x192xf32, #tpu.memory_space<vmem>>) offsets(%dma_start3A_25 : memref<64xi32, #tpu.memory_space<vmem>>) semaphore(%arg8 : memref<!tpu.dma_semaphore, #tpu.memory_space<semaphore_mem>>)
      %dma_start3A_29 = arith.constant 128 : i32
      %dma_start3A_30 = arith.constant 0 : i32
      %dma_start3A_31 = tpu.memref_slice %arg6[%dma_start3A_29, %dma_start3A_30] : memref<320x192xf32, #tpu.memory_space<vmem>> -> memref<64x192xf32, #tpu.memory_space<vmem>>
      %dma_start3A_32 = arith.constant 128 : i32
      %dma_start3A_33 = tpu.memref_slice %arg5[%dma_start3A_32] : memref<320xi32, #tpu.memory_space<vmem>> -> memref<64xi32, #tpu.memory_space<vmem>>
      %dma_start3A_34 = arith.constant 0 : i32
      %dma_start3A_35 = arith.constant 0 : i32
      %dma_start3A_36 = tpu.memref_slice %arg2[%dma_start3A_34, %dma_start3A_35] : memref<10000x192xf32, #tpu.memory_space<hbm>> -> memref<10000x192xf32, #tpu.memory_space<hbm>>
      tpu.enqueue_indirect_dma source(%dma_start3A_36 : memref<10000x192xf32, #tpu.memory_space<hbm>>) target(%dma_start3A_31 : memref<64x192xf32, #tpu.memory_space<vmem>>) offsets(%dma_start3A_33 : memref<64xi32, #tpu.memory_space<vmem>>) semaphore(%arg8 : memref<!tpu.dma_semaphore, #tpu.memory_space<semaphore_mem>>)
      %dma_start3A_37 = arith.constant 192 : i32
      %dma_start3A_38 = arith.constant 0 : i32
      %dma_start3A_39 = tpu.memref_slice %arg6[%dma_start3A_37, %dma_start3A_38] : memref<320x192xf32, #tpu.memory_space<vmem>> -> memref<64x192xf32, #tpu.memory_space<vmem>>
      %dma_start3A_40 = arith.constant 192 : i32
      %dma_start3A_41 = tpu.memref_slice %arg5[%dma_start3A_40] : memref<320xi32, #tpu.memory_space<vmem>> -> memref<64xi32, #tpu.memory_space<vmem>>
      %dma_start3A_42 = arith.constant 0 : i32
      %dma_start3A_43 = arith.constant 0 : i32
      %dma_start3A_44 = tpu.memref_slice %arg2[%dma_start3A_42, %dma_start3A_43] : memref<10000x192xf32, #tpu.memory_space<hbm>> -> memref<10000x192xf32, #tpu.memory_space<hbm>>
      tpu.enqueue_indirect_dma source(%dma_start3A_44 : memref<10000x192xf32, #tpu.memory_space<hbm>>) target(%dma_start3A_39 : memref<64x192xf32, #tpu.memory_space<vmem>>) offsets(%dma_start3A_41 : memref<64xi32, #tpu.memory_space<vmem>>) semaphore(%arg8 : memref<!tpu.dma_semaphore, #tpu.memory_space<semaphore_mem>>)
      %dma_start3A_45 = arith.constant 256 : i32
      %dma_start3A_46 = arith.constant 0 : i32
      %dma_start3A_47 = tpu.memref_slice %arg6[%dma_start3A_45, %dma_start3A_46] : memref<320x192xf32, #tpu.memory_space<vmem>> -> memref<64x192xf32, #tpu.memory_space<vmem>>
      %dma_start3A_48 = arith.constant 256 : i32
      %dma_start3A_49 = tpu.memref_slice %arg5[%dma_start3A_48] : memref<320xi32, #tpu.memory_space<vmem>> -> memref<64xi32, #tpu.memory_space<vmem>>
      %dma_start3A_50 = arith.constant 0 : i32
      %dma_start3A_51 = arith.constant 0 : i32
      %dma_start3A_52 = tpu.memref_slice %arg2[%dma_start3A_50, %dma_start3A_51] : memref<10000x192xf32, #tpu.memory_space<hbm>> -> memref<10000x192xf32, #tpu.memory_space<hbm>>
      tpu.enqueue_indirect_dma source(%dma_start3A_52 : memref<10000x192xf32, #tpu.memory_space<hbm>>) target(%dma_start3A_47 : memref<64x192xf32, #tpu.memory_space<vmem>>) offsets(%dma_start3A_49 : memref<64xi32, #tpu.memory_space<vmem>>) semaphore(%arg8 : memref<!tpu.dma_semaphore, #tpu.memory_space<semaphore_mem>>)
      %dma_wait3A = arith.constant 0 : i32
      %dma_wait3A_53 = arith.constant 0 : i32
      %dma_wait3A_54 = tpu.memref_slice %arg6[%dma_wait3A, %dma_wait3A_53] : memref<320x192xf32, #tpu.memory_space<vmem>> -> memref<64x192xf32, #tpu.memory_space<vmem>>
      %dma_wait3A_55 = arith.constant 0 : i32
      %dma_wait3A_56 = tpu.memref_slice %arg5[%dma_wait3A_55] : memref<320xi32, #tpu.memory_space<vmem>> -> memref<64xi32, #tpu.memory_space<vmem>>
      %dma_wait3A_57 = arith.constant 0 : i32
      %dma_wait3A_58 = arith.constant 0 : i32
      %dma_wait3A_59 = tpu.memref_slice %arg2[%dma_wait3A_57, %dma_wait3A_58] : memref<10000x192xf32, #tpu.memory_space<hbm>> -> memref<10000x192xf32, #tpu.memory_space<hbm>>
      tpu.wait_indirect_dma semaphore(%arg8 : memref<!tpu.dma_semaphore, #tpu.memory_space<semaphore_mem>>) src(%dma_wait3A_59 : memref<10000x192xf32, #tpu.memory_space<hbm>>) dst(%dma_wait3A_54 : memref<64x192xf32, #tpu.memory_space<vmem>>)
      %dma_wait3A_60 = arith.constant 64 : i32
      %dma_wait3A_61 = arith.constant 0 : i32
      %dma_wait3A_62 = tpu.memref_slice %arg6[%dma_wait3A_60, %dma_wait3A_61] : memref<320x192xf32, #tpu.memory_space<vmem>> -> memref<64x192xf32, #tpu.memory_space<vmem>>
      %dma_wait3A_63 = arith.constant 64 : i32
      %dma_wait3A_64 = tpu.memref_slice %arg5[%dma_wait3A_63] : memref<320xi32, #tpu.memory_space<vmem>> -> memref<64xi32, #tpu.memory_space<vmem>>
      %dma_wait3A_65 = arith.constant 0 : i32
      %dma_wait3A_66 = arith.constant 0 : i32
      %dma_wait3A_67 = tpu.memref_slice %arg2[%dma_wait3A_65, %dma_wait3A_66] : memref<10000x192xf32, #tpu.memory_space<hbm>> -> memref<10000x192xf32, #tpu.memory_space<hbm>>
      tpu.wait_indirect_dma semaphore(%arg8 : memref<!tpu.dma_semaphore, #tpu.memory_space<semaphore_mem>>) src(%dma_wait3A_67 : memref<10000x192xf32, #tpu.memory_space<hbm>>) dst(%dma_wait3A_62 : memref<64x192xf32, #tpu.memory_space<vmem>>)
      %dma_wait3A_68 = arith.constant 128 : i32
      %dma_wait3A_69 = arith.constant 0 : i32
      %dma_wait3A_70 = tpu.memref_slice %arg6[%dma_wait3A_68, %dma_wait3A_69] : memref<320x192xf32, #tpu.memory_space<vmem>> -> memref<64x192xf32, #tpu.memory_space<vmem>>
      %dma_wait3A_71 = arith.constant 128 : i32
      %dma_wait3A_72 = tpu.memref_slice %arg5[%dma_wait3A_71] : memref<320xi32, #tpu.memory_space<vmem>> -> memref<64xi32, #tpu.memory_space<vmem>>
      %dma_wait3A_73 = arith.constant 0 : i32
      %dma_wait3A_74 = arith.constant 0 : i32
      %dma_wait3A_75 = tpu.memref_slice %arg2[%dma_wait3A_73, %dma_wait3A_74] : memref<10000x192xf32, #tpu.memory_space<hbm>> -> memref<10000x192xf32, #tpu.memory_space<hbm>>
      tpu.wait_indirect_dma semaphore(%arg8 : memref<!tpu.dma_semaphore, #tpu.memory_space<semaphore_mem>>) src(%dma_wait3A_75 : memref<10000x192xf32, #tpu.memory_space<hbm>>) dst(%dma_wait3A_70 : memref<64x192xf32, #tpu.memory_space<vmem>>)
      %dma_wait3A_76 = arith.constant 192 : i32
      %dma_wait3A_77 = arith.constant 0 : i32
      %dma_wait3A_78 = tpu.memref_slice %arg6[%dma_wait3A_76, %dma_wait3A_77] : memref<320x192xf32, #tpu.memory_space<vmem>> -> memref<64x192xf32, #tpu.memory_space<vmem>>
      %dma_wait3A_79 = arith.constant 192 : i32
      %dma_wait3A_80 = tpu.memref_slice %arg5[%dma_wait3A_79] : memref<320xi32, #tpu.memory_space<vmem>> -> memref<64xi32, #tpu.memory_space<vmem>>
      %dma_wait3A_81 = arith.constant 0 : i32
      %dma_wait3A_82 = arith.constant 0 : i32
      %dma_wait3A_83 = tpu.memref_slice %arg2[%dma_wait3A_81, %dma_wait3A_82] : memref<10000x192xf32, #tpu.memory_space<hbm>> -> memref<10000x192xf32, #tpu.memory_space<hbm>>
      tpu.wait_indirect_dma semaphore(%arg8 : memref<!tpu.dma_semaphore, #tpu.memory_space<semaphore_mem>>) src(%dma_wait3A_83 : memref<10000x192xf32, #tpu.memory_space<hbm>>) dst(%dma_wait3A_78 : memref<64x192xf32, #tpu.memory_space<vmem>>)
      %dma_wait3A_84 = arith.constant 256 : i32
      %dma_wait3A_85 = arith.constant 0 : i32
      %dma_wait3A_86 = tpu.memref_slice %arg6[%dma_wait3A_84, %dma_wait3A_85] : memref<320x192xf32, #tpu.memory_space<vmem>> -> memref<64x192xf32, #tpu.memory_space<vmem>>
      %dma_wait3A_87 = arith.constant 256 : i32
      %dma_wait3A_88 = tpu.memref_slice %arg5[%dma_wait3A_87] : memref<320xi32, #tpu.memory_space<vmem>> -> memref<64xi32, #tpu.memory_space<vmem>>
      %dma_wait3A_89 = arith.constant 0 : i32
      %dma_wait3A_90 = arith.constant 0 : i32
      %dma_wait3A_91 = tpu.memref_slice %arg2[%dma_wait3A_89, %dma_wait3A_90] : memref<10000x192xf32, #tpu.memory_space<hbm>> -> memref<10000x192xf32, #tpu.memory_space<hbm>>
      tpu.wait_indirect_dma semaphore(%arg8 : memref<!tpu.dma_semaphore, #tpu.memory_space<semaphore_mem>>) src(%dma_wait3A_91 : memref<10000x192xf32, #tpu.memory_space<hbm>>) dst(%dma_wait3A_86 : memref<64x192xf32, #tpu.memory_space<vmem>>)
      %scan3A_92 = arith.constant 0 : i32
      %scan3A_93 = arith.constant 0 : i32
      %scan3A_94 = arith.constant 16 : i32
      %scan3A_95 = arith.addi %scan3A_93, %scan3A_94 : i32
      %scan3A_96 = arith.constant 1 : i32
      scf.for %scan3A_98 = %scan3A_93 to %scan3A_95 step %scan3A_96  : i32 {
        %broadcast_in_dim3A = arith.constant 0.000000e+00 : f32
        %broadcast_in_dim3A_99 = vector.broadcast %broadcast_in_dim3A : f32 to vector<16xf32>
        %broadcast_in_dim3A_100 = arith.constant 0.000000e+00 : f32
        %broadcast_in_dim3A_101 = vector.broadcast %broadcast_in_dim3A_100 : f32 to vector<16xf32>
        %broadcast_in_dim3A_102 = arith.constant 0.000000e+00 : f32
        %broadcast_in_dim3A_103 = vector.broadcast %broadcast_in_dim3A_102 : f32 to vector<16xf32>
        %broadcast_in_dim3A_104 = arith.constant 0.000000e+00 : f32
        %broadcast_in_dim3A_105 = vector.broadcast %broadcast_in_dim3A_104 : f32 to vector<16xf32>
        %broadcast_in_dim3A_106 = arith.constant 0.000000e+00 : f32
        %broadcast_in_dim3A_107 = vector.broadcast %broadcast_in_dim3A_106 : f32 to vector<16xf32>
        %broadcast_in_dim3A_108 = arith.constant 0.000000e+00 : f32
        %broadcast_in_dim3A_109 = vector.broadcast %broadcast_in_dim3A_108 : f32 to vector<16xf32>
        %broadcast_in_dim3A_110 = arith.constant 0.000000e+00 : f32
        %broadcast_in_dim3A_111 = vector.broadcast %broadcast_in_dim3A_110 : f32 to vector<16xf32>
        %broadcast_in_dim3A_112 = arith.constant 0.000000e+00 : f32
        %broadcast_in_dim3A_113 = vector.broadcast %broadcast_in_dim3A_112 : f32 to vector<16xf32>
        %broadcast_in_dim3A_114 = arith.constant 0.000000e+00 : f32
        %broadcast_in_dim3A_115 = vector.broadcast %broadcast_in_dim3A_114 : f32 to vector<16xf32>
        %broadcast_in_dim3A_116 = arith.constant 0.000000e+00 : f32
        %broadcast_in_dim3A_117 = vector.broadcast %broadcast_in_dim3A_116 : f32 to vector<16xf32>
        %broadcast_in_dim3A_118 = arith.constant 0.000000e+00 : f32
        %broadcast_in_dim3A_119 = vector.broadcast %broadcast_in_dim3A_118 : f32 to vector<16xf32>
        %broadcast_in_dim3A_120 = arith.constant 0.000000e+00 : f32
        %broadcast_in_dim3A_121 = vector.broadcast %broadcast_in_dim3A_120 : f32 to vector<16xf32>
        %scan3A_122 = arith.constant 0 : i32
        %scan3A_123 = arith.constant 20 : i32
        %scan3A_124 = arith.addi %scan3A_122, %scan3A_123 : i32
        %scan3A_125 = arith.constant 1 : i32
        %scan3A_126:12 = scf.for %scan3A_223 = %scan3A_122 to %scan3A_124 step %scan3A_125 iter_args(%scan3A_224 = %broadcast_in_dim3A_99, %scan3A_225 = %broadcast_in_dim3A_101, %scan3A_226 = %broadcast_in_dim3A_103, %scan3A_227 = %broadcast_in_dim3A_105, %scan3A_228 = %broadcast_in_dim3A_107, %scan3A_229 = %broadcast_in_dim3A_109, %scan3A_230 = %broadcast_in_dim3A_111, %scan3A_231 = %broadcast_in_dim3A_113, %scan3A_232 = %broadcast_in_dim3A_115, %scan3A_233 = %broadcast_in_dim3A_117, %scan3A_234 = %broadcast_in_dim3A_119, %scan3A_235 = %broadcast_in_dim3A_121) -> (vector<16xf32>, vector<16xf32>, vector<16xf32>, vector<16xf32>, vector<16xf32>, vector<16xf32>, vector<16xf32>, vector<16xf32>, vector<16xf32>, vector<16xf32>, vector<16xf32>, vector<16xf32>)  : i32 {
          %mul3A_236 = arith.constant 20 : i32
          %mul3A_237 = arith.muli %scan3A_98, %mul3A_236 : i32
          %add3A_238 = arith.addi %mul3A_237, %scan3A_223 : i32
          %get3A = arith.index_cast %add3A_238 : i32 to index
          %get3A_239 = arith.constant 0 : index
          %get3A_240 = tpu.vector_load %arg6[%get3A, %get3A_239] {strides = array<i32>} : memref<320x192xf32, #tpu.memory_space<vmem>>, vector<1x16xf32>,
          %get3A_241 = vector.shape_cast %get3A_240 : vector<1x16xf32> to vector<16xf32>
          %add3A_242 = arith.addf %scan3A_224, %get3A_241 : vector<16xf32>
          %mul3A_243 = arith.constant 20 : i32
          %mul3A_244 = arith.muli %scan3A_98, %mul3A_243 : i32
          %add3A_245 = arith.addi %mul3A_244, %scan3A_223 : i32
          %get3A_246 = arith.index_cast %add3A_245 : i32 to index
          %get3A_247 = arith.constant 16 : index
          %get3A_248 = tpu.vector_load %arg6[%get3A_246, %get3A_247] {strides = array<i32>} : memref<320x192xf32, #tpu.memory_space<vmem>>, vector<1x16xf32>,
          %get3A_249 = vector.shape_cast %get3A_248 : vector<1x16xf32> to vector<16xf32>
          %add3A_250 = arith.addf %scan3A_225, %get3A_249 : vector<16xf32>
          %mul3A_251 = arith.constant 20 : i32
          %mul3A_252 = arith.muli %scan3A_98, %mul3A_251 : i32
          %add3A_253 = arith.addi %mul3A_252, %scan3A_223 : i32
          %get3A_254 = arith.index_cast %add3A_253 : i32 to index
          %get3A_255 = arith.constant 32 : index
          %get3A_256 = tpu.vector_load %arg6[%get3A_254, %get3A_255] {strides = array<i32>} : memref<320x192xf32, #tpu.memory_space<vmem>>, vector<1x16xf32>,
          %get3A_257 = vector.shape_cast %get3A_256 : vector<1x16xf32> to vector<16xf32>
          %add3A_258 = arith.addf %scan3A_226, %get3A_257 : vector<16xf32>
          %mul3A_259 = arith.constant 20 : i32
          %mul3A_260 = arith.muli %scan3A_98, %mul3A_259 : i32
          %add3A_261 = arith.addi %mul3A_260, %scan3A_223 : i32
          %get3A_262 = arith.index_cast %add3A_261 : i32 to index
          %get3A_263 = arith.constant 48 : index
          %get3A_264 = tpu.vector_load %arg6[%get3A_262, %get3A_263] {strides = array<i32>} : memref<320x192xf32, #tpu.memory_space<vmem>>, vector<1x16xf32>,
          %get3A_265 = vector.shape_cast %get3A_264 : vector<1x16xf32> to vector<16xf32>
          %add3A_266 = arith.addf %scan3A_227, %get3A_265 : vector<16xf32>
          %mul3A_267 = arith.constant 20 : i32
          %mul3A_268 = arith.muli %scan3A_98, %mul3A_267 : i32
          %add3A_269 = arith.addi %mul3A_268, %scan3A_223 : i32
          %get3A_270 = arith.index_cast %add3A_269 : i32 to index
          %get3A_271 = arith.constant 64 : index
          %get3A_272 = tpu.vector_load %arg6[%get3A_270, %get3A_271] {strides = array<i32>} : memref<320x192xf32, #tpu.memory_space<vmem>>, vector<1x16xf32>,
          %get3A_273 = vector.shape_cast %get3A_272 : vector<1x16xf32> to vector<16xf32>
          %add3A_274 = arith.addf %scan3A_228, %get3A_273 : vector<16xf32>
          %mul3A_275 = arith.constant 20 : i32
          %mul3A_276 = arith.muli %scan3A_98, %mul3A_275 : i32
          %add3A_277 = arith.addi %mul3A_276, %scan3A_223 : i32
          %get3A_278 = arith.index_cast %add3A_277 : i32 to index
          %get3A_279 = arith.constant 80 : index
          %get3A_280 = tpu.vector_load %arg6[%get3A_278, %get3A_279] {strides = array<i32>} : memref<320x192xf32, #tpu.memory_space<vmem>>, vector<1x16xf32>,
          %get3A_281 = vector.shape_cast %get3A_280 : vector<1x16xf32> to vector<16xf32>
          %add3A_282 = arith.addf %scan3A_229, %get3A_281 : vector<16xf32>
          %mul3A_283 = arith.constant 20 : i32
          %mul3A_284 = arith.muli %scan3A_98, %mul3A_283 : i32
          %add3A_285 = arith.addi %mul3A_284, %scan3A_223 : i32
          %get3A_286 = arith.index_cast %add3A_285 : i32 to index
          %get3A_287 = arith.constant 96 : index
          %get3A_288 = tpu.vector_load %arg6[%get3A_286, %get3A_287] {strides = array<i32>} : memref<320x192xf32, #tpu.memory_space<vmem>>, vector<1x16xf32>,
          %get3A_289 = vector.shape_cast %get3A_288 : vector<1x16xf32> to vector<16xf32>
          %add3A_290 = arith.addf %scan3A_230, %get3A_289 : vector<16xf32>
          %mul3A_291 = arith.constant 20 : i32
          %mul3A_292 = arith.muli %scan3A_98, %mul3A_291 : i32
          %add3A_293 = arith.addi %mul3A_292, %scan3A_223 : i32
          %get3A_294 = arith.index_cast %add3A_293 : i32 to index
          %get3A_295 = arith.constant 112 : index
          %get3A_296 = tpu.vector_load %arg6[%get3A_294, %get3A_295] {strides = array<i32>} : memref<320x192xf32, #tpu.memory_space<vmem>>, vector<1x16xf32>,
          %get3A_297 = vector.shape_cast %get3A_296 : vector<1x16xf32> to vector<16xf32>
          %add3A_298 = arith.addf %scan3A_231, %get3A_297 : vector<16xf32>
          %mul3A_299 = arith.constant 20 : i32
          %mul3A_300 = arith.muli %scan3A_98, %mul3A_299 : i32
          %add3A_301 = arith.addi %mul3A_300, %scan3A_223 : i32
          %get3A_302 = arith.index_cast %add3A_301 : i32 to index
          %get3A_303 = arith.constant 128 : index
          %get3A_304 = tpu.vector_load %arg6[%get3A_302, %get3A_303] {strides = array<i32>} : memref<320x192xf32, #tpu.memory_space<vmem>>, vector<1x16xf32>,
          %get3A_305 = vector.shape_cast %get3A_304 : vector<1x16xf32> to vector<16xf32>
          %add3A_306 = arith.addf %scan3A_232, %get3A_305 : vector<16xf32>
          %mul3A_307 = arith.constant 20 : i32
          %mul3A_308 = arith.muli %scan3A_98, %mul3A_307 : i32
          %add3A_309 = arith.addi %mul3A_308, %scan3A_223 : i32
          %get3A_310 = arith.index_cast %add3A_309 : i32 to index
          %get3A_311 = arith.constant 144 : index
          %get3A_312 = tpu.vector_load %arg6[%get3A_310, %get3A_311] {strides = array<i32>} : memref<320x192xf32, #tpu.memory_space<vmem>>, vector<1x16xf32>,
          %get3A_313 = vector.shape_cast %get3A_312 : vector<1x16xf32> to vector<16xf32>
          %add3A_314 = arith.addf %scan3A_233, %get3A_313 : vector<16xf32>
          %mul3A_315 = arith.constant 20 : i32
          %mul3A_316 = arith.muli %scan3A_98, %mul3A_315 : i32
          %add3A_317 = arith.addi %mul3A_316, %scan3A_223 : i32
          %get3A_318 = arith.index_cast %add3A_317 : i32 to index
          %get3A_319 = arith.constant 160 : index
          %get3A_320 = tpu.vector_load %arg6[%get3A_318, %get3A_319] {strides = array<i32>} : memref<320x192xf32, #tpu.memory_space<vmem>>, vector<1x16xf32>,
          %get3A_321 = vector.shape_cast %get3A_320 : vector<1x16xf32> to vector<16xf32>
          %add3A_322 = arith.addf %scan3A_234, %get3A_321 : vector<16xf32>
          %mul3A_323 = arith.constant 20 : i32
          %mul3A_324 = arith.muli %scan3A_98, %mul3A_323 : i32
          %add3A_325 = arith.addi %mul3A_324, %scan3A_223 : i32
          %get3A_326 = arith.index_cast %add3A_325 : i32 to index
          %get3A_327 = arith.constant 176 : index
          %get3A_328 = tpu.vector_load %arg6[%get3A_326, %get3A_327] {strides = array<i32>} : memref<320x192xf32, #tpu.memory_space<vmem>>, vector<1x16xf32>,
          %get3A_329 = vector.shape_cast %get3A_328 : vector<1x16xf32> to vector<16xf32>
          %add3A_330 = arith.addf %scan3A_235, %get3A_329 : vector<16xf32>
          scf.yield %add3A_242, %add3A_250, %add3A_258, %add3A_266, %add3A_274, %add3A_282, %add3A_290, %add3A_298, %add3A_306, %add3A_314, %add3A_322, %add3A_330 : vector<16xf32>, vector<16xf32>, vector<16xf32>, vector<16xf32>, vector<16xf32>, vector<16xf32>, vector<16xf32>, vector<16xf32>, vector<16xf32>, vector<16xf32>, vector<16xf32>, vector<16xf32>
        }
        %scan3A_127 = arith.constant 20 : i32
        %mul3A_128 = arith.constant 5.000000e-02 : f32
        %mul3A_129 = vector.broadcast %mul3A_128 : f32 to vector<16xf32>
        %mul3A_130 = arith.mulf %scan3A_126#0, %mul3A_129 : vector<16xf32>
        %swap3A = arith.index_cast %scan3A_98 : i32 to index
        %swap3A_131 = arith.constant 0 : index
        %swap3A_132 = tpu.vector_load %arg7[%swap3A, %swap3A_131] {strides = array<i32>} : memref<16x192xf32, #tpu.memory_space<vmem>>, vector<1x16xf32>,
        %swap3A_133 = vector.shape_cast %swap3A_132 : vector<1x16xf32> to vector<16xf32>
        %swap3A_134 = vector.shape_cast %mul3A_130 : vector<16xf32> to vector<1x16xf32>
        tpu.vector_store %arg7[%swap3A, %swap3A_131], %swap3A_134 {strides = array<i32>} : memref<16x192xf32, #tpu.memory_space<vmem>>, vector<1x16xf32>,
        %mul3A_135 = arith.constant 5.000000e-02 : f32
        %mul3A_136 = vector.broadcast %mul3A_135 : f32 to vector<16xf32>
        %mul3A_137 = arith.mulf %scan3A_126#1, %mul3A_136 : vector<16xf32>
        %swap3A_138 = arith.index_cast %scan3A_98 : i32 to index
        %swap3A_139 = arith.constant 16 : index
        %swap3A_140 = tpu.vector_load %arg7[%swap3A_138, %swap3A_139] {strides = array<i32>} : memref<16x192xf32, #tpu.memory_space<vmem>>, vector<1x16xf32>,
        %swap3A_141 = vector.shape_cast %swap3A_140 : vector<1x16xf32> to vector<16xf32>
        %swap3A_142 = vector.shape_cast %mul3A_137 : vector<16xf32> to vector<1x16xf32>
        tpu.vector_store %arg7[%swap3A_138, %swap3A_139], %swap3A_142 {strides = array<i32>} : memref<16x192xf32, #tpu.memory_space<vmem>>, vector<1x16xf32>,
        %mul3A_143 = arith.constant 5.000000e-02 : f32
        %mul3A_144 = vector.broadcast %mul3A_143 : f32 to vector<16xf32>
        %mul3A_145 = arith.mulf %scan3A_126#2, %mul3A_144 : vector<16xf32>
        %swap3A_146 = arith.index_cast %scan3A_98 : i32 to index
        %swap3A_147 = arith.constant 32 : index
        %swap3A_148 = tpu.vector_load %arg7[%swap3A_146, %swap3A_147] {strides = array<i32>} : memref<16x192xf32, #tpu.memory_space<vmem>>, vector<1x16xf32>,
        %swap3A_149 = vector.shape_cast %swap3A_148 : vector<1x16xf32> to vector<16xf32>
        %swap3A_150 = vector.shape_cast %mul3A_145 : vector<16xf32> to vector<1x16xf32>
        tpu.vector_store %arg7[%swap3A_146, %swap3A_147], %swap3A_150 {strides = array<i32>} : memref<16x192xf32, #tpu.memory_space<vmem>>, vector<1x16xf32>,
        %mul3A_151 = arith.constant 5.000000e-02 : f32
        %mul3A_152 = vector.broadcast %mul3A_151 : f32 to vector<16xf32>
        %mul3A_153 = arith.mulf %scan3A_126#3, %mul3A_152 : vector<16xf32>
        %swap3A_154 = arith.index_cast %scan3A_98 : i32 to index
        %swap3A_155 = arith.constant 48 : index
        %swap3A_156 = tpu.vector_load %arg7[%swap3A_154, %swap3A_155] {strides = array<i32>} : memref<16x192xf32, #tpu.memory_space<vmem>>, vector<1x16xf32>,
        %swap3A_157 = vector.shape_cast %swap3A_156 : vector<1x16xf32> to vector<16xf32>
        %swap3A_158 = vector.shape_cast %mul3A_153 : vector<16xf32> to vector<1x16xf32>
        tpu.vector_store %arg7[%swap3A_154, %swap3A_155], %swap3A_158 {strides = array<i32>} : memref<16x192xf32, #tpu.memory_space<vmem>>, vector<1x16xf32>,
        %mul3A_159 = arith.constant 5.000000e-02 : f32
        %mul3A_160 = vector.broadcast %mul3A_159 : f32 to vector<16xf32>
        %mul3A_161 = arith.mulf %scan3A_126#4, %mul3A_160 : vector<16xf32>
        %swap3A_162 = arith.index_cast %scan3A_98 : i32 to index
        %swap3A_163 = arith.constant 64 : index
        %swap3A_164 = tpu.vector_load %arg7[%swap3A_162, %swap3A_163] {strides = array<i32>} : memref<16x192xf32, #tpu.memory_space<vmem>>, vector<1x16xf32>,
        %swap3A_165 = vector.shape_cast %swap3A_164 : vector<1x16xf32> to vector<16xf32>
        %swap3A_166 = vector.shape_cast %mul3A_161 : vector<16xf32> to vector<1x16xf32>
        tpu.vector_store %arg7[%swap3A_162, %swap3A_163], %swap3A_166 {strides = array<i32>} : memref<16x192xf32, #tpu.memory_space<vmem>>, vector<1x16xf32>,
        %mul3A_167 = arith.constant 5.000000e-02 : f32
        %mul3A_168 = vector.broadcast %mul3A_167 : f32 to vector<16xf32>
        %mul3A_169 = arith.mulf %scan3A_126#5, %mul3A_168 : vector<16xf32>
        %swap3A_170 = arith.index_cast %scan3A_98 : i32 to index
        %swap3A_171 = arith.constant 80 : index
        %swap3A_172 = tpu.vector_load %arg7[%swap3A_170, %swap3A_171] {strides = array<i32>} : memref<16x192xf32, #tpu.memory_space<vmem>>, vector<1x16xf32>,
        %swap3A_173 = vector.shape_cast %swap3A_172 : vector<1x16xf32> to vector<16xf32>
        %swap3A_174 = vector.shape_cast %mul3A_169 : vector<16xf32> to vector<1x16xf32>
        tpu.vector_store %arg7[%swap3A_170, %swap3A_171], %swap3A_174 {strides = array<i32>} : memref<16x192xf32, #tpu.memory_space<vmem>>, vector<1x16xf32>,
        %mul3A_175 = arith.constant 5.000000e-02 : f32
        %mul3A_176 = vector.broadcast %mul3A_175 : f32 to vector<16xf32>
        %mul3A_177 = arith.mulf %scan3A_126#6, %mul3A_176 : vector<16xf32>
        %swap3A_178 = arith.index_cast %scan3A_98 : i32 to index
        %swap3A_179 = arith.constant 96 : index
        %swap3A_180 = tpu.vector_load %arg7[%swap3A_178, %swap3A_179] {strides = array<i32>} : memref<16x192xf32, #tpu.memory_space<vmem>>, vector<1x16xf32>,
        %swap3A_181 = vector.shape_cast %swap3A_180 : vector<1x16xf32> to vector<16xf32>
        %swap3A_182 = vector.shape_cast %mul3A_177 : vector<16xf32> to vector<1x16xf32>
        tpu.vector_store %arg7[%swap3A_178, %swap3A_179], %swap3A_182 {strides = array<i32>} : memref<16x192xf32, #tpu.memory_space<vmem>>, vector<1x16xf32>,
        %mul3A_183 = arith.constant 5.000000e-02 : f32
        %mul3A_184 = vector.broadcast %mul3A_183 : f32 to vector<16xf32>
        %mul3A_185 = arith.mulf %scan3A_126#7, %mul3A_184 : vector<16xf32>
        %swap3A_186 = arith.index_cast %scan3A_98 : i32 to index
        %swap3A_187 = arith.constant 112 : index
        %swap3A_188 = tpu.vector_load %arg7[%swap3A_186, %swap3A_187] {strides = array<i32>} : memref<16x192xf32, #tpu.memory_space<vmem>>, vector<1x16xf32>,
        %swap3A_189 = vector.shape_cast %swap3A_188 : vector<1x16xf32> to vector<16xf32>
        %swap3A_190 = vector.shape_cast %mul3A_185 : vector<16xf32> to vector<1x16xf32>
        tpu.vector_store %arg7[%swap3A_186, %swap3A_187], %swap3A_190 {strides = array<i32>} : memref<16x192xf32, #tpu.memory_space<vmem>>, vector<1x16xf32>,
        %mul3A_191 = arith.constant 5.000000e-02 : f32
        %mul3A_192 = vector.broadcast %mul3A_191 : f32 to vector<16xf32>
        %mul3A_193 = arith.mulf %scan3A_126#8, %mul3A_192 : vector<16xf32>
        %swap3A_194 = arith.index_cast %scan3A_98 : i32 to index
        %swap3A_195 = arith.constant 128 : index
        %swap3A_196 = tpu.vector_load %arg7[%swap3A_194, %swap3A_195] {strides = array<i32>} : memref<16x192xf32, #tpu.memory_space<vmem>>, vector<1x16xf32>,
        %swap3A_197 = vector.shape_cast %swap3A_196 : vector<1x16xf32> to vector<16xf32>
        %swap3A_198 = vector.shape_cast %mul3A_193 : vector<16xf32> to vector<1x16xf32>
        tpu.vector_store %arg7[%swap3A_194, %swap3A_195], %swap3A_198 {strides = array<i32>} : memref<16x192xf32, #tpu.memory_space<vmem>>, vector<1x16xf32>,
        %mul3A_199 = arith.constant 5.000000e-02 : f32
        %mul3A_200 = vector.broadcast %mul3A_199 : f32 to vector<16xf32>
        %mul3A_201 = arith.mulf %scan3A_126#9, %mul3A_200 : vector<16xf32>
        %swap3A_202 = arith.index_cast %scan3A_98 : i32 to index
        %swap3A_203 = arith.constant 144 : index
        %swap3A_204 = tpu.vector_load %arg7[%swap3A_202, %swap3A_203] {strides = array<i32>} : memref<16x192xf32, #tpu.memory_space<vmem>>, vector<1x16xf32>,
        %swap3A_205 = vector.shape_cast %swap3A_204 : vector<1x16xf32> to vector<16xf32>
        %swap3A_206 = vector.shape_cast %mul3A_201 : vector<16xf32> to vector<1x16xf32>
        tpu.vector_store %arg7[%swap3A_202, %swap3A_203], %swap3A_206 {strides = array<i32>} : memref<16x192xf32, #tpu.memory_space<vmem>>, vector<1x16xf32>,
        %mul3A_207 = arith.constant 5.000000e-02 : f32
        %mul3A_208 = vector.broadcast %mul3A_207 : f32 to vector<16xf32>
        %mul3A_209 = arith.mulf %scan3A_126#10, %mul3A_208 : vector<16xf32>
        %swap3A_210 = arith.index_cast %scan3A_98 : i32 to index
        %swap3A_211 = arith.constant 160 : index
        %swap3A_212 = tpu.vector_load %arg7[%swap3A_210, %swap3A_211] {strides = array<i32>} : memref<16x192xf32, #tpu.memory_space<vmem>>, vector<1x16xf32>,
        %swap3A_213 = vector.shape_cast %swap3A_212 : vector<1x16xf32> to vector<16xf32>
        %swap3A_214 = vector.shape_cast %mul3A_209 : vector<16xf32> to vector<1x16xf32>
        tpu.vector_store %arg7[%swap3A_210, %swap3A_211], %swap3A_214 {strides = array<i32>} : memref<16x192xf32, #tpu.memory_space<vmem>>, vector<1x16xf32>,
        %mul3A_215 = arith.constant 5.000000e-02 : f32
        %mul3A_216 = vector.broadcast %mul3A_215 : f32 to vector<16xf32>
        %mul3A_217 = arith.mulf %scan3A_126#11, %mul3A_216 : vector<16xf32>
        %swap3A_218 = arith.index_cast %scan3A_98 : i32 to index
        %swap3A_219 = arith.constant 176 : index
        %swap3A_220 = tpu.vector_load %arg7[%swap3A_218, %swap3A_219] {strides = array<i32>} : memref<16x192xf32, #tpu.memory_space<vmem>>, vector<1x16xf32>,
        %swap3A_221 = vector.shape_cast %swap3A_220 : vector<1x16xf32> to vector<16xf32>
        %swap3A_222 = vector.shape_cast %mul3A_217 : vector<16xf32> to vector<1x16xf32>
        tpu.vector_store %arg7[%swap3A_218, %swap3A_219], %swap3A_222 {strides = array<i32>} : memref<16x192xf32, #tpu.memory_space<vmem>>, vector<1x16xf32>,
      }
      %scan3A_97 = arith.constant 16 : i32
      "tpu.region"() ({
        %run_scoped3A = tpu.sem_alloc : memref<!tpu.dma_semaphore, #tpu.memory_space<semaphore_mem>>
        %dma_start3A_98 = arith.constant 0 : i32
        %dma_start3A_99 = tpu.memref_slice %arg4[%add3A_11, %dma_start3A_98] : memref<10240x192xf32, #tpu.memory_space<hbm>> -> memref<16x192xf32, #tpu.memory_space<hbm>>
        %dma_start3A_100 = arith.constant 0 : i32
        %dma_start3A_101 = tpu.memref_slice %arg4[%add3A_11, %dma_start3A_100] : memref<10240x192xf32, #tpu.memory_space<hbm>> -> memref<16x192xf32, #tpu.memory_space<hbm>>
        tpu.enqueue_dma source(%arg7 : memref<16x192xf32, #tpu.memory_space<vmem>>) target(%dma_start3A_101 : memref<16x192xf32, #tpu.memory_space<hbm>>) target_semaphore(%run_scoped3A : memref<!tpu.dma_semaphore, #tpu.memory_space<semaphore_mem>>)
        %dma_wait3A_102 = arith.constant 0 : i32
        %dma_wait3A_103 = tpu.memref_slice %arg4[%add3A_11, %dma_wait3A_102] : memref<10240x192xf32, #tpu.memory_space<hbm>> -> memref<16x192xf32, #tpu.memory_space<hbm>>
        %dma_wait3A_104 = arith.constant 0 : i32
        %dma_wait3A_105 = tpu.memref_slice %arg4[%add3A_11, %dma_wait3A_104] : memref<10240x192xf32, #tpu.memory_space<hbm>> -> memref<16x192xf32, #tpu.memory_space<hbm>>
        tpu.wait_dma2 semaphore(%run_scoped3A : memref<!tpu.dma_semaphore, #tpu.memory_space<semaphore_mem>>) src(%arg7 : memref<16x192xf32, #tpu.memory_space<vmem>>) dst(%dma_wait3A_105 : memref<16x192xf32, #tpu.memory_space<hbm>>)
        tpu.yield
      }) : () -> ()
    }
    %scan3A_7 = arith.constant 20 : i32
    return
  }
}

#map = affine_map<(d0, d1) -> (0, 0)>
#map1 = affine_map<(d0, d1) -> (0)>
module attributes {stable_mosaic.version = 14 : i64} {
  func.func @k(%arg0: i32, %arg1: i32, %arg2: memref<10000x64xf32, #tpu.memory_space<hbm>>, %arg3: memref<204800xi32, #tpu.memory_space<hbm>>, %arg4: memref<10240x64xf32, #tpu.memory_space<hbm>>, %arg5: memref<320xi32, #tpu.memory_space<vmem>>, %arg6: memref<320x64xf32, #tpu.memory_space<vmem>>, %arg7: memref<16x64xf32, #tpu.memory_space<vmem>>, %arg8: memref<!tpu.dma_semaphore, #tpu.memory_space<semaphore_mem>>) attributes {dimension_semantics = [#tpu.dimension_semantics<core_parallel>, #tpu.dimension_semantics<subcore_parallel>], iteration_bounds = array<i64: 2, 16>, scalar_prefetch = 0 : i64, scratch_operands = 4 : i64, tpu.core_type = #tpu.core_type<sc_vector_subcore>, window_params = [{transform_indices = #map}, {transform_indices = #map1}, {transform_indices = #map}]} {
    %mul3A = arith.constant 2 : i32
    %mul3A_0 = arith.muli %arg1, %mul3A : i32
    %add3A = arith.addi %mul3A_0, %arg0 : i32
    %mul3A_1 = arith.constant 320 : i32
    %mul3A_2 = arith.muli %add3A, %mul3A_1 : i32
    %scan3A = arith.constant 0 : i32
    %scan3A_3 = arith.constant 0 : i32
    %scan3A_4 = arith.constant 20 : i32
    %scan3A_5 = arith.addi %scan3A_3, %scan3A_4 : i32
    %scan3A_6 = arith.constant 1 : i32
    scf.for %scan3A_8 = %scan3A_3 to %scan3A_5 step %scan3A_6  : i32 {
      %mul3A_9 = arith.constant 16 : i32
      %mul3A_10 = arith.muli %scan3A_8, %mul3A_9 : i32
      %add3A_11 = arith.addi %mul3A_2, %mul3A_10 : i32
      %mul3A_12 = arith.constant 20 : i32
      %mul3A_13 = arith.muli %add3A_11, %mul3A_12 : i32
      "tpu.region"() ({
        %run_scoped3A = tpu.sem_alloc : memref<!tpu.dma_semaphore, #tpu.memory_space<semaphore_mem>>
        %dma_start3A_98 = tpu.memref_slice %arg3[%mul3A_13] : memref<204800xi32, #tpu.memory_space<hbm>> -> memref<320xi32, #tpu.memory_space<hbm>>
        %dma_start3A_99 = tpu.memref_slice %arg3[%mul3A_13] : memref<204800xi32, #tpu.memory_space<hbm>> -> memref<320xi32, #tpu.memory_space<hbm>>
        tpu.enqueue_dma source(%dma_start3A_99 : memref<320xi32, #tpu.memory_space<hbm>>) target(%arg5 : memref<320xi32, #tpu.memory_space<vmem>>) target_semaphore(%run_scoped3A : memref<!tpu.dma_semaphore, #tpu.memory_space<semaphore_mem>>)
        %dma_wait3A_100 = tpu.memref_slice %arg3[%mul3A_13] : memref<204800xi32, #tpu.memory_space<hbm>> -> memref<320xi32, #tpu.memory_space<hbm>>
        %dma_wait3A_101 = tpu.memref_slice %arg3[%mul3A_13] : memref<204800xi32, #tpu.memory_space<hbm>> -> memref<320xi32, #tpu.memory_space<hbm>>
        tpu.wait_dma2 semaphore(%run_scoped3A : memref<!tpu.dma_semaphore, #tpu.memory_space<semaphore_mem>>) src(%dma_wait3A_101 : memref<320xi32, #tpu.memory_space<hbm>>) dst(%arg5 : memref<320xi32, #tpu.memory_space<vmem>>)
        tpu.yield
      }) : () -> ()
      %dma_start3A = arith.constant 0 : i32
      %dma_start3A_14 = arith.constant 0 : i32
      %dma_start3A_15 = tpu.memref_slice %arg6[%dma_start3A, %dma_start3A_14] : memref<320x64xf32, #tpu.memory_space<vmem>> -> memref<64x64xf32, #tpu.memory_space<vmem>>
      %dma_start3A_16 = arith.constant 0 : i32
      %dma_start3A_17 = tpu.memref_slice %arg5[%dma_start3A_16] : memref<320xi32, #tpu.memory_space<vmem>> -> memref<64xi32, #tpu.memory_space<vmem>>
      %dma_start3A_18 = arith.constant 0 : i32
      %dma_start3A_19 = arith.constant 0 : i32
      %dma_start3A_20 = tpu.memref_slice %arg2[%dma_start3A_18, %dma_start3A_19] : memref<10000x64xf32, #tpu.memory_space<hbm>> -> memref<10000x64xf32, #tpu.memory_space<hbm>>
      tpu.enqueue_indirect_dma source(%dma_start3A_20 : memref<10000x64xf32, #tpu.memory_space<hbm>>) target(%dma_start3A_15 : memref<64x64xf32, #tpu.memory_space<vmem>>) offsets(%dma_start3A_17 : memref<64xi32, #tpu.memory_space<vmem>>) semaphore(%arg8 : memref<!tpu.dma_semaphore, #tpu.memory_space<semaphore_mem>>)
      %dma_start3A_21 = arith.constant 64 : i32
      %dma_start3A_22 = arith.constant 0 : i32
      %dma_start3A_23 = tpu.memref_slice %arg6[%dma_start3A_21, %dma_start3A_22] : memref<320x64xf32, #tpu.memory_space<vmem>> -> memref<64x64xf32, #tpu.memory_space<vmem>>
      %dma_start3A_24 = arith.constant 64 : i32
      %dma_start3A_25 = tpu.memref_slice %arg5[%dma_start3A_24] : memref<320xi32, #tpu.memory_space<vmem>> -> memref<64xi32, #tpu.memory_space<vmem>>
      %dma_start3A_26 = arith.constant 0 : i32
      %dma_start3A_27 = arith.constant 0 : i32
      %dma_start3A_28 = tpu.memref_slice %arg2[%dma_start3A_26, %dma_start3A_27] : memref<10000x64xf32, #tpu.memory_space<hbm>> -> memref<10000x64xf32, #tpu.memory_space<hbm>>
      tpu.enqueue_indirect_dma source(%dma_start3A_28 : memref<10000x64xf32, #tpu.memory_space<hbm>>) target(%dma_start3A_23 : memref<64x64xf32, #tpu.memory_space<vmem>>) offsets(%dma_start3A_25 : memref<64xi32, #tpu.memory_space<vmem>>) semaphore(%arg8 : memref<!tpu.dma_semaphore, #tpu.memory_space<semaphore_mem>>)
      %dma_start3A_29 = arith.constant 128 : i32
      %dma_start3A_30 = arith.constant 0 : i32
      %dma_start3A_31 = tpu.memref_slice %arg6[%dma_start3A_29, %dma_start3A_30] : memref<320x64xf32, #tpu.memory_space<vmem>> -> memref<64x64xf32, #tpu.memory_space<vmem>>
      %dma_start3A_32 = arith.constant 128 : i32
      %dma_start3A_33 = tpu.memref_slice %arg5[%dma_start3A_32] : memref<320xi32, #tpu.memory_space<vmem>> -> memref<64xi32, #tpu.memory_space<vmem>>
      %dma_start3A_34 = arith.constant 0 : i32
      %dma_start3A_35 = arith.constant 0 : i32
      %dma_start3A_36 = tpu.memref_slice %arg2[%dma_start3A_34, %dma_start3A_35] : memref<10000x64xf32, #tpu.memory_space<hbm>> -> memref<10000x64xf32, #tpu.memory_space<hbm>>
      tpu.enqueue_indirect_dma source(%dma_start3A_36 : memref<10000x64xf32, #tpu.memory_space<hbm>>) target(%dma_start3A_31 : memref<64x64xf32, #tpu.memory_space<vmem>>) offsets(%dma_start3A_33 : memref<64xi32, #tpu.memory_space<vmem>>) semaphore(%arg8 : memref<!tpu.dma_semaphore, #tpu.memory_space<semaphore_mem>>)
      %dma_start3A_37 = arith.constant 192 : i32
      %dma_start3A_38 = arith.constant 0 : i32
      %dma_start3A_39 = tpu.memref_slice %arg6[%dma_start3A_37, %dma_start3A_38] : memref<320x64xf32, #tpu.memory_space<vmem>> -> memref<64x64xf32, #tpu.memory_space<vmem>>
      %dma_start3A_40 = arith.constant 192 : i32
      %dma_start3A_41 = tpu.memref_slice %arg5[%dma_start3A_40] : memref<320xi32, #tpu.memory_space<vmem>> -> memref<64xi32, #tpu.memory_space<vmem>>
      %dma_start3A_42 = arith.constant 0 : i32
      %dma_start3A_43 = arith.constant 0 : i32
      %dma_start3A_44 = tpu.memref_slice %arg2[%dma_start3A_42, %dma_start3A_43] : memref<10000x64xf32, #tpu.memory_space<hbm>> -> memref<10000x64xf32, #tpu.memory_space<hbm>>
      tpu.enqueue_indirect_dma source(%dma_start3A_44 : memref<10000x64xf32, #tpu.memory_space<hbm>>) target(%dma_start3A_39 : memref<64x64xf32, #tpu.memory_space<vmem>>) offsets(%dma_start3A_41 : memref<64xi32, #tpu.memory_space<vmem>>) semaphore(%arg8 : memref<!tpu.dma_semaphore, #tpu.memory_space<semaphore_mem>>)
      %dma_start3A_45 = arith.constant 256 : i32
      %dma_start3A_46 = arith.constant 0 : i32
      %dma_start3A_47 = tpu.memref_slice %arg6[%dma_start3A_45, %dma_start3A_46] : memref<320x64xf32, #tpu.memory_space<vmem>> -> memref<64x64xf32, #tpu.memory_space<vmem>>
      %dma_start3A_48 = arith.constant 256 : i32
      %dma_start3A_49 = tpu.memref_slice %arg5[%dma_start3A_48] : memref<320xi32, #tpu.memory_space<vmem>> -> memref<64xi32, #tpu.memory_space<vmem>>
      %dma_start3A_50 = arith.constant 0 : i32
      %dma_start3A_51 = arith.constant 0 : i32
      %dma_start3A_52 = tpu.memref_slice %arg2[%dma_start3A_50, %dma_start3A_51] : memref<10000x64xf32, #tpu.memory_space<hbm>> -> memref<10000x64xf32, #tpu.memory_space<hbm>>
      tpu.enqueue_indirect_dma source(%dma_start3A_52 : memref<10000x64xf32, #tpu.memory_space<hbm>>) target(%dma_start3A_47 : memref<64x64xf32, #tpu.memory_space<vmem>>) offsets(%dma_start3A_49 : memref<64xi32, #tpu.memory_space<vmem>>) semaphore(%arg8 : memref<!tpu.dma_semaphore, #tpu.memory_space<semaphore_mem>>)
      %dma_wait3A = arith.constant 0 : i32
      %dma_wait3A_53 = arith.constant 0 : i32
      %dma_wait3A_54 = tpu.memref_slice %arg6[%dma_wait3A, %dma_wait3A_53] : memref<320x64xf32, #tpu.memory_space<vmem>> -> memref<64x64xf32, #tpu.memory_space<vmem>>
      %dma_wait3A_55 = arith.constant 0 : i32
      %dma_wait3A_56 = tpu.memref_slice %arg5[%dma_wait3A_55] : memref<320xi32, #tpu.memory_space<vmem>> -> memref<64xi32, #tpu.memory_space<vmem>>
      %dma_wait3A_57 = arith.constant 0 : i32
      %dma_wait3A_58 = arith.constant 0 : i32
      %dma_wait3A_59 = tpu.memref_slice %arg2[%dma_wait3A_57, %dma_wait3A_58] : memref<10000x64xf32, #tpu.memory_space<hbm>> -> memref<10000x64xf32, #tpu.memory_space<hbm>>
      tpu.wait_indirect_dma semaphore(%arg8 : memref<!tpu.dma_semaphore, #tpu.memory_space<semaphore_mem>>) src(%dma_wait3A_59 : memref<10000x64xf32, #tpu.memory_space<hbm>>) dst(%dma_wait3A_54 : memref<64x64xf32, #tpu.memory_space<vmem>>)
      %dma_wait3A_60 = arith.constant 64 : i32
      %dma_wait3A_61 = arith.constant 0 : i32
      %dma_wait3A_62 = tpu.memref_slice %arg6[%dma_wait3A_60, %dma_wait3A_61] : memref<320x64xf32, #tpu.memory_space<vmem>> -> memref<64x64xf32, #tpu.memory_space<vmem>>
      %dma_wait3A_63 = arith.constant 64 : i32
      %dma_wait3A_64 = tpu.memref_slice %arg5[%dma_wait3A_63] : memref<320xi32, #tpu.memory_space<vmem>> -> memref<64xi32, #tpu.memory_space<vmem>>
      %dma_wait3A_65 = arith.constant 0 : i32
      %dma_wait3A_66 = arith.constant 0 : i32
      %dma_wait3A_67 = tpu.memref_slice %arg2[%dma_wait3A_65, %dma_wait3A_66] : memref<10000x64xf32, #tpu.memory_space<hbm>> -> memref<10000x64xf32, #tpu.memory_space<hbm>>
      tpu.wait_indirect_dma semaphore(%arg8 : memref<!tpu.dma_semaphore, #tpu.memory_space<semaphore_mem>>) src(%dma_wait3A_67 : memref<10000x64xf32, #tpu.memory_space<hbm>>) dst(%dma_wait3A_62 : memref<64x64xf32, #tpu.memory_space<vmem>>)
      %dma_wait3A_68 = arith.constant 128 : i32
      %dma_wait3A_69 = arith.constant 0 : i32
      %dma_wait3A_70 = tpu.memref_slice %arg6[%dma_wait3A_68, %dma_wait3A_69] : memref<320x64xf32, #tpu.memory_space<vmem>> -> memref<64x64xf32, #tpu.memory_space<vmem>>
      %dma_wait3A_71 = arith.constant 128 : i32
      %dma_wait3A_72 = tpu.memref_slice %arg5[%dma_wait3A_71] : memref<320xi32, #tpu.memory_space<vmem>> -> memref<64xi32, #tpu.memory_space<vmem>>
      %dma_wait3A_73 = arith.constant 0 : i32
      %dma_wait3A_74 = arith.constant 0 : i32
      %dma_wait3A_75 = tpu.memref_slice %arg2[%dma_wait3A_73, %dma_wait3A_74] : memref<10000x64xf32, #tpu.memory_space<hbm>> -> memref<10000x64xf32, #tpu.memory_space<hbm>>
      tpu.wait_indirect_dma semaphore(%arg8 : memref<!tpu.dma_semaphore, #tpu.memory_space<semaphore_mem>>) src(%dma_wait3A_75 : memref<10000x64xf32, #tpu.memory_space<hbm>>) dst(%dma_wait3A_70 : memref<64x64xf32, #tpu.memory_space<vmem>>)
      %dma_wait3A_76 = arith.constant 192 : i32
      %dma_wait3A_77 = arith.constant 0 : i32
      %dma_wait3A_78 = tpu.memref_slice %arg6[%dma_wait3A_76, %dma_wait3A_77] : memref<320x64xf32, #tpu.memory_space<vmem>> -> memref<64x64xf32, #tpu.memory_space<vmem>>
      %dma_wait3A_79 = arith.constant 192 : i32
      %dma_wait3A_80 = tpu.memref_slice %arg5[%dma_wait3A_79] : memref<320xi32, #tpu.memory_space<vmem>> -> memref<64xi32, #tpu.memory_space<vmem>>
      %dma_wait3A_81 = arith.constant 0 : i32
      %dma_wait3A_82 = arith.constant 0 : i32
      %dma_wait3A_83 = tpu.memref_slice %arg2[%dma_wait3A_81, %dma_wait3A_82] : memref<10000x64xf32, #tpu.memory_space<hbm>> -> memref<10000x64xf32, #tpu.memory_space<hbm>>
      tpu.wait_indirect_dma semaphore(%arg8 : memref<!tpu.dma_semaphore, #tpu.memory_space<semaphore_mem>>) src(%dma_wait3A_83 : memref<10000x64xf32, #tpu.memory_space<hbm>>) dst(%dma_wait3A_78 : memref<64x64xf32, #tpu.memory_space<vmem>>)
      %dma_wait3A_84 = arith.constant 256 : i32
      %dma_wait3A_85 = arith.constant 0 : i32
      %dma_wait3A_86 = tpu.memref_slice %arg6[%dma_wait3A_84, %dma_wait3A_85] : memref<320x64xf32, #tpu.memory_space<vmem>> -> memref<64x64xf32, #tpu.memory_space<vmem>>
      %dma_wait3A_87 = arith.constant 256 : i32
      %dma_wait3A_88 = tpu.memref_slice %arg5[%dma_wait3A_87] : memref<320xi32, #tpu.memory_space<vmem>> -> memref<64xi32, #tpu.memory_space<vmem>>
      %dma_wait3A_89 = arith.constant 0 : i32
      %dma_wait3A_90 = arith.constant 0 : i32
      %dma_wait3A_91 = tpu.memref_slice %arg2[%dma_wait3A_89, %dma_wait3A_90] : memref<10000x64xf32, #tpu.memory_space<hbm>> -> memref<10000x64xf32, #tpu.memory_space<hbm>>
      tpu.wait_indirect_dma semaphore(%arg8 : memref<!tpu.dma_semaphore, #tpu.memory_space<semaphore_mem>>) src(%dma_wait3A_91 : memref<10000x64xf32, #tpu.memory_space<hbm>>) dst(%dma_wait3A_86 : memref<64x64xf32, #tpu.memory_space<vmem>>)
      %scan3A_92 = arith.constant 0 : i32
      %scan3A_93 = arith.constant 0 : i32
      %scan3A_94 = arith.constant 16 : i32
      %scan3A_95 = arith.addi %scan3A_93, %scan3A_94 : i32
      %scan3A_96 = arith.constant 1 : i32
      scf.for %scan3A_98 = %scan3A_93 to %scan3A_95 step %scan3A_96  : i32 {
        %broadcast_in_dim3A = arith.constant 0.000000e+00 : f32
        %broadcast_in_dim3A_99 = vector.broadcast %broadcast_in_dim3A : f32 to vector<16xf32>
        %broadcast_in_dim3A_100 = arith.constant 0.000000e+00 : f32
        %broadcast_in_dim3A_101 = vector.broadcast %broadcast_in_dim3A_100 : f32 to vector<16xf32>
        %broadcast_in_dim3A_102 = arith.constant 0.000000e+00 : f32
        %broadcast_in_dim3A_103 = vector.broadcast %broadcast_in_dim3A_102 : f32 to vector<16xf32>
        %broadcast_in_dim3A_104 = arith.constant 0.000000e+00 : f32
        %broadcast_in_dim3A_105 = vector.broadcast %broadcast_in_dim3A_104 : f32 to vector<16xf32>
        %scan3A_106 = arith.constant 0 : i32
        %scan3A_107 = arith.constant 20 : i32
        %scan3A_108 = arith.addi %scan3A_106, %scan3A_107 : i32
        %scan3A_109 = arith.constant 1 : i32
        %scan3A_110:4 = scf.for %scan3A_143 = %scan3A_106 to %scan3A_108 step %scan3A_109 iter_args(%scan3A_144 = %broadcast_in_dim3A_99, %scan3A_145 = %broadcast_in_dim3A_101, %scan3A_146 = %broadcast_in_dim3A_103, %scan3A_147 = %broadcast_in_dim3A_105) -> (vector<16xf32>, vector<16xf32>, vector<16xf32>, vector<16xf32>)  : i32 {
          %mul3A_148 = arith.constant 20 : i32
          %mul3A_149 = arith.muli %scan3A_98, %mul3A_148 : i32
          %add3A_150 = arith.addi %mul3A_149, %scan3A_143 : i32
          %get3A = arith.index_cast %add3A_150 : i32 to index
          %get3A_151 = arith.constant 0 : index
          %get3A_152 = tpu.vector_load %arg6[%get3A, %get3A_151] {strides = array<i32>} : memref<320x64xf32, #tpu.memory_space<vmem>>, vector<1x16xf32>,
          %get3A_153 = vector.shape_cast %get3A_152 : vector<1x16xf32> to vector<16xf32>
          %add3A_154 = arith.addf %scan3A_144, %get3A_153 : vector<16xf32>
          %mul3A_155 = arith.constant 20 : i32
          %mul3A_156 = arith.muli %scan3A_98, %mul3A_155 : i32
          %add3A_157 = arith.addi %mul3A_156, %scan3A_143 : i32
          %get3A_158 = arith.index_cast %add3A_157 : i32 to index
          %get3A_159 = arith.constant 16 : index
          %get3A_160 = tpu.vector_load %arg6[%get3A_158, %get3A_159] {strides = array<i32>} : memref<320x64xf32, #tpu.memory_space<vmem>>, vector<1x16xf32>,
          %get3A_161 = vector.shape_cast %get3A_160 : vector<1x16xf32> to vector<16xf32>
          %add3A_162 = arith.addf %scan3A_145, %get3A_161 : vector<16xf32>
          %mul3A_163 = arith.constant 20 : i32
          %mul3A_164 = arith.muli %scan3A_98, %mul3A_163 : i32
          %add3A_165 = arith.addi %mul3A_164, %scan3A_143 : i32
          %get3A_166 = arith.index_cast %add3A_165 : i32 to index
          %get3A_167 = arith.constant 32 : index
          %get3A_168 = tpu.vector_load %arg6[%get3A_166, %get3A_167] {strides = array<i32>} : memref<320x64xf32, #tpu.memory_space<vmem>>, vector<1x16xf32>,
          %get3A_169 = vector.shape_cast %get3A_168 : vector<1x16xf32> to vector<16xf32>
          %add3A_170 = arith.addf %scan3A_146, %get3A_169 : vector<16xf32>
          %mul3A_171 = arith.constant 20 : i32
          %mul3A_172 = arith.muli %scan3A_98, %mul3A_171 : i32
          %add3A_173 = arith.addi %mul3A_172, %scan3A_143 : i32
          %get3A_174 = arith.index_cast %add3A_173 : i32 to index
          %get3A_175 = arith.constant 48 : index
          %get3A_176 = tpu.vector_load %arg6[%get3A_174, %get3A_175] {strides = array<i32>} : memref<320x64xf32, #tpu.memory_space<vmem>>, vector<1x16xf32>,
          %get3A_177 = vector.shape_cast %get3A_176 : vector<1x16xf32> to vector<16xf32>
          %add3A_178 = arith.addf %scan3A_147, %get3A_177 : vector<16xf32>
          scf.yield %add3A_154, %add3A_162, %add3A_170, %add3A_178 : vector<16xf32>, vector<16xf32>, vector<16xf32>, vector<16xf32>
        }
        %scan3A_111 = arith.constant 20 : i32
        %mul3A_112 = arith.constant 5.000000e-02 : f32
        %mul3A_113 = vector.broadcast %mul3A_112 : f32 to vector<16xf32>
        %mul3A_114 = arith.mulf %scan3A_110#0, %mul3A_113 : vector<16xf32>
        %swap3A = arith.index_cast %scan3A_98 : i32 to index
        %swap3A_115 = arith.constant 0 : index
        %swap3A_116 = tpu.vector_load %arg7[%swap3A, %swap3A_115] {strides = array<i32>} : memref<16x64xf32, #tpu.memory_space<vmem>>, vector<1x16xf32>,
        %swap3A_117 = vector.shape_cast %swap3A_116 : vector<1x16xf32> to vector<16xf32>
        %swap3A_118 = vector.shape_cast %mul3A_114 : vector<16xf32> to vector<1x16xf32>
        tpu.vector_store %arg7[%swap3A, %swap3A_115], %swap3A_118 {strides = array<i32>} : memref<16x64xf32, #tpu.memory_space<vmem>>, vector<1x16xf32>,
        %mul3A_119 = arith.constant 5.000000e-02 : f32
        %mul3A_120 = vector.broadcast %mul3A_119 : f32 to vector<16xf32>
        %mul3A_121 = arith.mulf %scan3A_110#1, %mul3A_120 : vector<16xf32>
        %swap3A_122 = arith.index_cast %scan3A_98 : i32 to index
        %swap3A_123 = arith.constant 16 : index
        %swap3A_124 = tpu.vector_load %arg7[%swap3A_122, %swap3A_123] {strides = array<i32>} : memref<16x64xf32, #tpu.memory_space<vmem>>, vector<1x16xf32>,
        %swap3A_125 = vector.shape_cast %swap3A_124 : vector<1x16xf32> to vector<16xf32>
        %swap3A_126 = vector.shape_cast %mul3A_121 : vector<16xf32> to vector<1x16xf32>
        tpu.vector_store %arg7[%swap3A_122, %swap3A_123], %swap3A_126 {strides = array<i32>} : memref<16x64xf32, #tpu.memory_space<vmem>>, vector<1x16xf32>,
        %mul3A_127 = arith.constant 5.000000e-02 : f32
        %mul3A_128 = vector.broadcast %mul3A_127 : f32 to vector<16xf32>
        %mul3A_129 = arith.mulf %scan3A_110#2, %mul3A_128 : vector<16xf32>
        %swap3A_130 = arith.index_cast %scan3A_98 : i32 to index
        %swap3A_131 = arith.constant 32 : index
        %swap3A_132 = tpu.vector_load %arg7[%swap3A_130, %swap3A_131] {strides = array<i32>} : memref<16x64xf32, #tpu.memory_space<vmem>>, vector<1x16xf32>,
        %swap3A_133 = vector.shape_cast %swap3A_132 : vector<1x16xf32> to vector<16xf32>
        %swap3A_134 = vector.shape_cast %mul3A_129 : vector<16xf32> to vector<1x16xf32>
        tpu.vector_store %arg7[%swap3A_130, %swap3A_131], %swap3A_134 {strides = array<i32>} : memref<16x64xf32, #tpu.memory_space<vmem>>, vector<1x16xf32>,
        %mul3A_135 = arith.constant 5.000000e-02 : f32
        %mul3A_136 = vector.broadcast %mul3A_135 : f32 to vector<16xf32>
        %mul3A_137 = arith.mulf %scan3A_110#3, %mul3A_136 : vector<16xf32>
        %swap3A_138 = arith.index_cast %scan3A_98 : i32 to index
        %swap3A_139 = arith.constant 48 : index
        %swap3A_140 = tpu.vector_load %arg7[%swap3A_138, %swap3A_139] {strides = array<i32>} : memref<16x64xf32, #tpu.memory_space<vmem>>, vector<1x16xf32>,
        %swap3A_141 = vector.shape_cast %swap3A_140 : vector<1x16xf32> to vector<16xf32>
        %swap3A_142 = vector.shape_cast %mul3A_137 : vector<16xf32> to vector<1x16xf32>
        tpu.vector_store %arg7[%swap3A_138, %swap3A_139], %swap3A_142 {strides = array<i32>} : memref<16x64xf32, #tpu.memory_space<vmem>>, vector<1x16xf32>,
      }
      %scan3A_97 = arith.constant 16 : i32
      "tpu.region"() ({
        %run_scoped3A = tpu.sem_alloc : memref<!tpu.dma_semaphore, #tpu.memory_space<semaphore_mem>>
        %dma_start3A_98 = arith.constant 0 : i32
        %dma_start3A_99 = tpu.memref_slice %arg4[%add3A_11, %dma_start3A_98] : memref<10240x64xf32, #tpu.memory_space<hbm>> -> memref<16x64xf32, #tpu.memory_space<hbm>>
        %dma_start3A_100 = arith.constant 0 : i32
        %dma_start3A_101 = tpu.memref_slice %arg4[%add3A_11, %dma_start3A_100] : memref<10240x64xf32, #tpu.memory_space<hbm>> -> memref<16x64xf32, #tpu.memory_space<hbm>>
        tpu.enqueue_dma source(%arg7 : memref<16x64xf32, #tpu.memory_space<vmem>>) target(%dma_start3A_101 : memref<16x64xf32, #tpu.memory_space<hbm>>) target_semaphore(%run_scoped3A : memref<!tpu.dma_semaphore, #tpu.memory_space<semaphore_mem>>)
        %dma_wait3A_102 = arith.constant 0 : i32
        %dma_wait3A_103 = tpu.memref_slice %arg4[%add3A_11, %dma_wait3A_102] : memref<10240x64xf32, #tpu.memory_space<hbm>> -> memref<16x64xf32, #tpu.memory_space<hbm>>
        %dma_wait3A_104 = arith.constant 0 : i32
        %dma_wait3A_105 = tpu.memref_slice %arg4[%add3A_11, %dma_wait3A_104] : memref<10240x64xf32, #tpu.memory_space<hbm>> -> memref<16x64xf32, #tpu.memory_space<hbm>>
        tpu.wait_dma2 semaphore(%run_scoped3A : memref<!tpu.dma_semaphore, #tpu.memory_space<semaphore_mem>>) src(%arg7 : memref<16x64xf32, #tpu.memory_space<vmem>>) dst(%dma_wait3A_105 : memref<16x64xf32, #tpu.memory_space<hbm>>)
        tpu.yield
      }) : () -> ()
    }
    %scan3A_7 = arith.constant 20 : i32
    return
  }
}

module attributes {stable_mosaic.version = 14 : i64} {
  func.func @body(%arg0: i32, %arg1: i32, %arg2: memref<10240x64xf32, #tpu.memory_space<vmem>>, %arg3: memref<256x64xf32, #tpu.memory_space<vmem>>, %arg4: memref<256x20xi32, #tpu.memory_space<vmem>>, %arg5: memref<256x10240xf32, #tpu.memory_space<vmem>>, %arg6: memref<256x20xi32, #tpu.memory_space<vmem>>) attributes {dimension_semantics = [#tpu.dimension_semantics<arbitrary>, #tpu.dimension_semantics<arbitrary>], iteration_bounds = array<i64: 40, 20>, scalar_prefetch = 0 : i64, scratch_operands = 2 : i64, tpu.core_type = #tpu.core_type<tc>, window_params = [{pipeline_mode = #tpu.pipeline_mode<synchronous>, transform_indices = @transform_0, window_bounds = array<i64: 10240, 64>}, {transform_indices = @transform_1, window_bounds = array<i64: 256, 64>}, {transform_indices = @transform_2, window_bounds = array<i64: 256, 20>}]} {
    %eq3A = arith.constant 0 : i32
    %eq3A_0 = arith.cmpi eq, %arg1, %eq3A : i32
    %convert_element_type3A = arith.extui %eq3A_0 : i1 to i32
    %cond3A = arith.constant 0xFF800000 : f32
    %cond3A_1 = arith.constant 0 : i32
    %cond3A_2 = arith.cmpi ne, %convert_element_type3A, %cond3A_1 : i32
    scf.if %cond3A_2 {
      %get3A_38 = arith.constant 0 : index
      %get3A_39 = arith.constant 0 : index
      %get3A_40 = vector.load %arg2[%get3A_38, %get3A_39] : memref<10240x64xf32, #tpu.memory_space<vmem>>, vector<10240x64xf32>
      %mul3A = arith.mulf %get3A_40, %get3A_40 : vector<10240x64xf32>
      %reduce_sum3A = arith.constant dense<0.000000e+00> : vector<10240xf32>
      %reduce_sum3A_41 = vector.multi_reduction <add>, %mul3A, %reduce_sum3A [1] : vector<10240x64xf32> to vector<10240xf32>
      %sqrt3A = math.sqrt %reduce_sum3A_41 : vector<10240xf32>
      %max3A = arith.constant 1.000000e-30 : f32
      %max3A_42 = vector.broadcast %max3A : f32 to vector<10240xf32>
      %max3A_43 = arith.maximumf %sqrt3A, %max3A_42 : vector<10240xf32>
      %get3A_44 = arith.constant 0 : index
      %get3A_45 = arith.constant 0 : index
      %get3A_46 = vector.load %arg3[%get3A_44, %get3A_45] : memref<256x64xf32, #tpu.memory_space<vmem>>, vector<256x64xf32>
      %mul3A_47 = arith.mulf %get3A_46, %get3A_46 : vector<256x64xf32>
      %reduce_sum3A_48 = arith.constant dense<0.000000e+00> : vector<256xf32>
      %reduce_sum3A_49 = vector.multi_reduction <add>, %mul3A_47, %reduce_sum3A_48 [1] : vector<256x64xf32> to vector<256xf32>
      %broadcast_in_dim3A_50 = vector.shape_cast %reduce_sum3A_49 : vector<256xf32> to vector<256x1xf32>
      %sqrt3A_51 = math.sqrt %broadcast_in_dim3A_50 : vector<256x1xf32>
      %max3A_52 = arith.constant 1.000000e-30 : f32
      %max3A_53 = vector.broadcast %max3A_52 : f32 to vector<256x1xf32>
      %max3A_54 = arith.maximumf %sqrt3A_51, %max3A_53 : vector<256x1xf32>
      %dot_general3A = arith.constant dense<0.000000e+00> : vector<256x10240xf32>
      %dot_general3A_55 = tpu.matmul %get3A_46, %get3A_40, %dot_general3A {dimension_numbers = #tpu.dot_dimension_numbers<[1], [1], [0], [0], [0, 0, 1, 0], [], []>, transpose_lhs_hint = false} : vector<256x64xf32>, vector<10240x64xf32>, vector<256x10240xf32> -> vector<256x10240xf32>
      %broadcast_in_dim3A_56 = vector.shape_cast %max3A_43 : vector<10240xf32> to vector<1x10240xf32>
      %mul3A_57 = vector.broadcast %max3A_54 : vector<256x1xf32> to vector<256x10240xf32>
      %mul3A_58 = vector.broadcast %broadcast_in_dim3A_56 : vector<1x10240xf32> to vector<256x10240xf32>
      %mul3A_59 = arith.mulf %mul3A_57, %mul3A_58 : vector<256x10240xf32>
      %div3A = arith.divf %dot_general3A_55, %mul3A_59 : vector<256x10240xf32>
      %iota3A_60 = tpu.iota {dimensions = array<i32: 1>} : vector<256x10240xi32>
      %lt3A = arith.constant 10000 : i32
      %lt3A_61 = vector.broadcast %lt3A : i32 to vector<256x10240xi32>
      %lt3A_62 = arith.cmpi slt, %iota3A_60, %lt3A_61 : vector<256x10240xi32>
      %broadcast_in_dim3A_63 = vector.broadcast %cond3A : f32 to vector<256x10240xf32>
      %select_n3A_64 = arith.select %lt3A_62, %div3A, %broadcast_in_dim3A_63 : vector<256x10240xi1>, vector<256x10240xf32>
      %swap3A_65 = arith.constant 0 : index
      %swap3A_66 = arith.constant 0 : index
      %swap3A_67 = vector.load %arg5[%swap3A_65, %swap3A_66] : memref<256x10240xf32, #tpu.memory_space<vmem>>, vector<256x10240xf32>
      tpu.vector_store %arg5[%swap3A_65, %swap3A_66], %select_n3A_64 {strides = array<i32>} : memref<256x10240xf32, #tpu.memory_space<vmem>>, vector<256x10240xf32>,
    } else {
    }
    %get3A = arith.constant 0 : index
    %get3A_3 = arith.constant 0 : index
    %get3A_4 = vector.load %arg5[%get3A, %get3A_3] : memref<256x10240xf32, #tpu.memory_space<vmem>>, vector<256x10240xf32>
    %iota3A = tpu.iota {dimensions = array<i32: 1>} : vector<256x10240xi32>
    %reduce_max3A = arith.constant dense<0xFF800000> : vector<256xf32>
    %reduce_max3A_5 = vector.multi_reduction <maximumf>, %get3A_4, %reduce_max3A [1] : vector<256x10240xf32> to vector<256xf32>
    %broadcast_in_dim3A = vector.shape_cast %reduce_max3A_5 : vector<256xf32> to vector<256x1xf32>
    %eq3A_6 = vector.broadcast %broadcast_in_dim3A : vector<256x1xf32> to vector<256x10240xf32>
    %eq3A_7 = arith.cmpf oeq, %get3A_4, %eq3A_6 : vector<256x10240xf32>
    %jit3A = arith.constant 10240 : i32
    %broadcast_in_dim3A_8 = vector.broadcast %jit3A : i32 to vector<256x10240xi32>
    %select_n3A = arith.select %eq3A_7, %iota3A, %broadcast_in_dim3A_8 : vector<256x10240xi1>, vector<256x10240xi32>
    %reduce_min3A = arith.constant dense<2147483647> : vector<256xi32>
    %reduce_min3A_9 = vector.multi_reduction <minsi>, %select_n3A, %reduce_min3A [1] : vector<256x10240xi32> to vector<256xi32>
    %min3A = arith.constant 9999 : i32
    %min3A_10 = vector.broadcast %min3A : i32 to vector<256xi32>
    %min3A_11 = arith.minsi %reduce_min3A_9, %min3A_10 : vector<256xi32>
    %iota3A_12 = tpu.iota {dimensions = array<i32: 1>} : vector<256x20xi32>
    %eq3A_13 = vector.broadcast %arg1 : i32 to vector<256x20xi32>
    %eq3A_14 = arith.cmpi eq, %iota3A_12, %eq3A_13 : vector<256x20xi32>
    %broadcast_in_dim3A_15 = vector.shape_cast %min3A_11 : vector<256xi32> to vector<256x1xi32>
    %get3A_16 = arith.constant 0 : index
    %get3A_17 = arith.constant 0 : index
    %get3A_18 = vector.load %arg6[%get3A_16, %get3A_17] : memref<256x20xi32, #tpu.memory_space<vmem>>, vector<256x20xi32>
    %broadcast_in_dim3A_19 = vector.shape_cast %broadcast_in_dim3A_15 : vector<256x1xi32> to vector<256x1xi32>
    %broadcast_in_dim3A_20 = vector.broadcast %broadcast_in_dim3A_19 : vector<256x1xi32> to vector<256x20xi32>
    %select_n3A_21 = arith.select %eq3A_14, %broadcast_in_dim3A_20, %get3A_18 : vector<256x20xi1>, vector<256x20xi32>
    %swap3A = arith.constant 0 : index
    %swap3A_22 = arith.constant 0 : index
    %swap3A_23 = vector.load %arg6[%swap3A, %swap3A_22] : memref<256x20xi32, #tpu.memory_space<vmem>>, vector<256x20xi32>
    tpu.vector_store %arg6[%swap3A, %swap3A_22], %select_n3A_21 {strides = array<i32>} : memref<256x20xi32, #tpu.memory_space<vmem>>, vector<256x20xi32>,
    %broadcast_in_dim3A_24 = vector.shape_cast %min3A_11 : vector<256xi32> to vector<256x1xi32>
    %eq3A_25 = vector.broadcast %broadcast_in_dim3A_24 : vector<256x1xi32> to vector<256x10240xi32>
    %eq3A_26 = arith.cmpi eq, %iota3A, %eq3A_25 : vector<256x10240xi32>
    %jit3A_27 = arith.constant 0xFF800000 : f32
    %broadcast_in_dim3A_28 = vector.broadcast %jit3A_27 : f32 to vector<256x10240xf32>
    %select_n3A_29 = arith.select %eq3A_26, %broadcast_in_dim3A_28, %get3A_4 : vector<256x10240xi1>, vector<256x10240xf32>
    %swap3A_30 = arith.constant 0 : index
    %swap3A_31 = arith.constant 0 : index
    %swap3A_32 = vector.load %arg5[%swap3A_30, %swap3A_31] : memref<256x10240xf32, #tpu.memory_space<vmem>>, vector<256x10240xf32>
    tpu.vector_store %arg5[%swap3A_30, %swap3A_31], %select_n3A_29 {strides = array<i32>} : memref<256x10240xf32, #tpu.memory_space<vmem>>, vector<256x10240xf32>,
    %eq3A_33 = arith.constant 19 : i32
    %eq3A_34 = arith.cmpi eq, %arg1, %eq3A_33 : i32
    %convert_element_type3A_35 = arith.extui %eq3A_34 : i1 to i32
    %cond3A_36 = arith.constant 0 : i32
    %cond3A_37 = arith.cmpi ne, %convert_element_type3A_35, %cond3A_36 : i32
    scf.if %cond3A_37 {
      %get3A_38 = arith.constant 0 : index
      %get3A_39 = arith.constant 0 : index
      %get3A_40 = vector.load %arg6[%get3A_38, %get3A_39] : memref<256x20xi32, #tpu.memory_space<vmem>>, vector<256x20xi32>
      %swap3A_41 = arith.constant 0 : index
      %swap3A_42 = arith.constant 0 : index
      %swap3A_43 = vector.load %arg4[%swap3A_41, %swap3A_42] : memref<256x20xi32, #tpu.memory_space<vmem>>, vector<256x20xi32>
      tpu.vector_store %arg4[%swap3A_41, %swap3A_42], %get3A_40 {strides = array<i32>} : memref<256x20xi32, #tpu.memory_space<vmem>>, vector<256x20xi32>,
    } else {
    }
    return
  }
  func.func @transform_0(%arg0: i32, %arg1: i32) -> (i32, i32) {
    %c0_i32 = arith.constant 0 : i32
    %c0_i32_0 = arith.constant 0 : i32
    %c0_i32_1 = arith.constant 0 : i32
    return %c0_i32, %c0_i32_0 : i32, i32
  }
  func.func @transform_1(%arg0: i32, %arg1: i32) -> (i32, i32) {
    %c0_i32 = arith.constant 0 : i32
    %c0_i32_0 = arith.constant 0 : i32
    return %arg0, %c0_i32 : i32, i32
  }
  func.func @transform_2(%arg0: i32, %arg1: i32) -> (i32, i32) {
    %c0_i32 = arith.constant 0 : i32
    %c0_i32_0 = arith.constant 0 : i32
    return %arg0, %c0_i32 : i32, i32
  }
}

module attributes {stable_mosaic.version = 14 : i64} {
  func.func @body(%arg0: i32, %arg1: memref<400x240xf32, #tpu.memory_space<vmem>>, %arg2: memref<400x64xf32, #tpu.memory_space<vmem>>, %arg3: memref<60x64xf32, #tpu.memory_space<vmem>>, %arg4: memref<1x64xf32, #tpu.memory_space<vmem>>, %arg5: memref<1x64xf32, #tpu.memory_space<vmem>>, %arg6: memref<1x64xf32, #tpu.memory_space<vmem>>, %arg7: memref<64x64xf32, #tpu.memory_space<vmem>>, %arg8: memref<1x64xf32, #tpu.memory_space<vmem>>, %arg9: memref<4x400x64xf32, #tpu.memory_space<vmem>>, %arg10: memref<400x64xf32, #tpu.memory_space<vmem>>, %arg11: memref<400x192xf32, #tpu.memory_space<vmem>>) attributes {dimension_semantics = [#tpu.dimension_semantics<arbitrary>], iteration_bounds = array<i64: 25>, scalar_prefetch = 0 : i64, scratch_operands = 0 : i64, tpu.core_type = #tpu.core_type<tc>, window_params = [{transform_indices = @transform_0, window_bounds = array<i64: 400, 240>}, {transform_indices = @transform_1, window_bounds = array<i64: 400, 64>}, {pipeline_mode = #tpu.pipeline_mode<synchronous>, transform_indices = @transform_2, window_bounds = array<i64: 60, 64>}, {pipeline_mode = #tpu.pipeline_mode<synchronous>, transform_indices = @transform_3, window_bounds = array<i64: 1, 64>}, {pipeline_mode = #tpu.pipeline_mode<synchronous>, transform_indices = @transform_4, window_bounds = array<i64: 1, 64>}, {pipeline_mode = #tpu.pipeline_mode<synchronous>, transform_indices = @transform_5, window_bounds = array<i64: 1, 64>}, {pipeline_mode = #tpu.pipeline_mode<synchronous>, transform_indices = @transform_6, window_bounds = array<i64: 64, 64>}, {pipeline_mode = #tpu.pipeline_mode<synchronous>, transform_indices = @transform_7, window_bounds = array<i64: 1, 64>}, {transform_indices = @transform_8, window_bounds = array<i64: 4, 400, 64>}, {transform_indices = @transform_9, window_bounds = array<i64: 400, 64>}, {transform_indices = @transform_10, window_bounds = array<i64: 400, 192>}]} {
    %get3A = arith.constant 0 : index
    %get3A_0 = arith.constant 0 : index
    %get3A_1 = vector.load %arg1[%get3A, %get3A_0] : memref<400x240xf32, #tpu.memory_space<vmem>>, vector<400x240xf32>
    %get3A_2 = arith.constant 0 : index
    %get3A_3 = arith.constant 0 : index
    %get3A_4 = vector.load %arg2[%get3A_2, %get3A_3] : memref<400x64xf32, #tpu.memory_space<vmem>>, vector<400x64xf32>
    %get3A_5 = arith.constant 0 : index
    %get3A_6 = arith.constant 0 : index
    %get3A_7 = vector.load %arg3[%get3A_5, %get3A_6] : memref<60x64xf32, #tpu.memory_space<vmem>>, vector<60x64xf32>
    %get3A_8 = arith.constant 0 : index
    %get3A_9 = arith.constant 0 : index
    %get3A_10 = vector.load %arg4[%get3A_8, %get3A_9] : memref<1x64xf32, #tpu.memory_space<vmem>>, vector<1x64xf32>
    %get3A_11 = arith.constant 0 : index
    %get3A_12 = arith.constant 0 : index
    %get3A_13 = vector.load %arg5[%get3A_11, %get3A_12] : memref<1x64xf32, #tpu.memory_space<vmem>>, vector<1x64xf32>
    %get3A_14 = arith.constant 0 : index
    %get3A_15 = arith.constant 0 : index
    %get3A_16 = vector.load %arg6[%get3A_14, %get3A_15] : memref<1x64xf32, #tpu.memory_space<vmem>>, vector<1x64xf32>
    %get3A_17 = arith.constant 0 : index
    %get3A_18 = arith.constant 0 : index
    %get3A_19 = vector.load %arg7[%get3A_17, %get3A_18] : memref<64x64xf32, #tpu.memory_space<vmem>>, vector<64x64xf32>
    %get3A_20 = arith.constant 0 : index
    %get3A_21 = arith.constant 0 : index
    %get3A_22 = vector.load %arg8[%get3A_20, %get3A_21] : memref<1x64xf32, #tpu.memory_space<vmem>>, vector<1x64xf32>
    %slice3A = vector.extract_strided_slice %get3A_1 {offsets = [0, 0], sizes = [400, 60], strides = [1, 1]} : vector<400x240xf32> to vector<400x60xf32>
    %dot_general3A = arith.constant dense<0.000000e+00> : vector<400x64xf32>
    %dot_general3A_23 = tpu.matmul %slice3A, %get3A_7, %dot_general3A {dimension_numbers = #tpu.dot_dimension_numbers<[1], [0], [0], [1], [0, 0, 1, 1], [], []>, transpose_lhs_hint = false} : vector<400x60xf32>, vector<60x64xf32>, vector<400x64xf32> -> vector<400x64xf32>
    %add3A = vector.broadcast %get3A_10 : vector<1x64xf32> to vector<400x64xf32>
    %add3A_24 = arith.addf %dot_general3A_23, %add3A : vector<400x64xf32>
    %max3A = arith.constant 0.000000e+00 : f32
    %max3A_25 = vector.broadcast %max3A : f32 to vector<400x64xf32>
    %max3A_26 = arith.maximumf %add3A_24, %max3A_25 : vector<400x64xf32>
    %mul3A = arith.mulf %max3A_26, %get3A_4 : vector<400x64xf32>
    %mul3A_27 = vector.broadcast %get3A_13 : vector<1x64xf32> to vector<400x64xf32>
    %mul3A_28 = arith.mulf %mul3A, %mul3A_27 : vector<400x64xf32>
    %add3A_29 = vector.broadcast %get3A_16 : vector<1x64xf32> to vector<400x64xf32>
    %add3A_30 = arith.addf %mul3A_28, %add3A_29 : vector<400x64xf32>
    %max3A_31 = arith.constant 0.000000e+00 : f32
    %max3A_32 = vector.broadcast %max3A_31 : f32 to vector<400x64xf32>
    %max3A_33 = arith.maximumf %add3A_30, %max3A_32 : vector<400x64xf32>
    %dot_general3A_34 = arith.constant dense<0.000000e+00> : vector<400x64xf32>
    %dot_general3A_35 = tpu.matmul %max3A_33, %get3A_19, %dot_general3A_34 {dimension_numbers = #tpu.dot_dimension_numbers<[1], [0], [0], [1], [0, 0, 1, 1], [], []>, transpose_lhs_hint = false} : vector<400x64xf32>, vector<64x64xf32>, vector<400x64xf32> -> vector<400x64xf32>
    %add3A_36 = vector.broadcast %get3A_22 : vector<1x64xf32> to vector<400x64xf32>
    %add3A_37 = arith.addf %dot_general3A_35, %add3A_36 : vector<400x64xf32>
    %slice3A_38 = vector.extract_strided_slice %get3A_1 {offsets = [0, 60], sizes = [400, 60], strides = [1, 1]} : vector<400x240xf32> to vector<400x60xf32>
    %dot_general3A_39 = arith.constant dense<0.000000e+00> : vector<400x64xf32>
    %dot_general3A_40 = tpu.matmul %slice3A_38, %get3A_7, %dot_general3A_39 {dimension_numbers = #tpu.dot_dimension_numbers<[1], [0], [0], [1], [0, 0, 1, 1], [], []>, transpose_lhs_hint = false} : vector<400x60xf32>, vector<60x64xf32>, vector<400x64xf32> -> vector<400x64xf32>
    %add3A_41 = vector.broadcast %get3A_10 : vector<1x64xf32> to vector<400x64xf32>
    %add3A_42 = arith.addf %dot_general3A_40, %add3A_41 : vector<400x64xf32>
    %max3A_43 = arith.constant 0.000000e+00 : f32
    %max3A_44 = vector.broadcast %max3A_43 : f32 to vector<400x64xf32>
    %max3A_45 = arith.maximumf %add3A_42, %max3A_44 : vector<400x64xf32>
    %mul3A_46 = arith.mulf %max3A_45, %get3A_4 : vector<400x64xf32>
    %mul3A_47 = vector.broadcast %get3A_13 : vector<1x64xf32> to vector<400x64xf32>
    %mul3A_48 = arith.mulf %mul3A_46, %mul3A_47 : vector<400x64xf32>
    %add3A_49 = vector.broadcast %get3A_16 : vector<1x64xf32> to vector<400x64xf32>
    %add3A_50 = arith.addf %mul3A_48, %add3A_49 : vector<400x64xf32>
    %max3A_51 = arith.constant 0.000000e+00 : f32
    %max3A_52 = vector.broadcast %max3A_51 : f32 to vector<400x64xf32>
    %max3A_53 = arith.maximumf %add3A_50, %max3A_52 : vector<400x64xf32>
    %dot_general3A_54 = arith.constant dense<0.000000e+00> : vector<400x64xf32>
    %dot_general3A_55 = tpu.matmul %max3A_53, %get3A_19, %dot_general3A_54 {dimension_numbers = #tpu.dot_dimension_numbers<[1], [0], [0], [1], [0, 0, 1, 1], [], []>, transpose_lhs_hint = false} : vector<400x64xf32>, vector<64x64xf32>, vector<400x64xf32> -> vector<400x64xf32>
    %add3A_56 = vector.broadcast %get3A_22 : vector<1x64xf32> to vector<400x64xf32>
    %add3A_57 = arith.addf %dot_general3A_55, %add3A_56 : vector<400x64xf32>
    %slice3A_58 = vector.extract_strided_slice %get3A_1 {offsets = [0, 120], sizes = [400, 60], strides = [1, 1]} : vector<400x240xf32> to vector<400x60xf32>
    %dot_general3A_59 = arith.constant dense<0.000000e+00> : vector<400x64xf32>
    %dot_general3A_60 = tpu.matmul %slice3A_58, %get3A_7, %dot_general3A_59 {dimension_numbers = #tpu.dot_dimension_numbers<[1], [0], [0], [1], [0, 0, 1, 1], [], []>, transpose_lhs_hint = false} : vector<400x60xf32>, vector<60x64xf32>, vector<400x64xf32> -> vector<400x64xf32>
    %add3A_61 = vector.broadcast %get3A_10 : vector<1x64xf32> to vector<400x64xf32>
    %add3A_62 = arith.addf %dot_general3A_60, %add3A_61 : vector<400x64xf32>
    %max3A_63 = arith.constant 0.000000e+00 : f32
    %max3A_64 = vector.broadcast %max3A_63 : f32 to vector<400x64xf32>
    %max3A_65 = arith.maximumf %add3A_62, %max3A_64 : vector<400x64xf32>
    %mul3A_66 = arith.mulf %max3A_65, %get3A_4 : vector<400x64xf32>
    %mul3A_67 = vector.broadcast %get3A_13 : vector<1x64xf32> to vector<400x64xf32>
    %mul3A_68 = arith.mulf %mul3A_66, %mul3A_67 : vector<400x64xf32>
    %add3A_69 = vector.broadcast %get3A_16 : vector<1x64xf32> to vector<400x64xf32>
    %add3A_70 = arith.addf %mul3A_68, %add3A_69 : vector<400x64xf32>
    %max3A_71 = arith.constant 0.000000e+00 : f32
    %max3A_72 = vector.broadcast %max3A_71 : f32 to vector<400x64xf32>
    %max3A_73 = arith.maximumf %add3A_70, %max3A_72 : vector<400x64xf32>
    %dot_general3A_74 = arith.constant dense<0.000000e+00> : vector<400x64xf32>
    %dot_general3A_75 = tpu.matmul %max3A_73, %get3A_19, %dot_general3A_74 {dimension_numbers = #tpu.dot_dimension_numbers<[1], [0], [0], [1], [0, 0, 1, 1], [], []>, transpose_lhs_hint = false} : vector<400x64xf32>, vector<64x64xf32>, vector<400x64xf32> -> vector<400x64xf32>
    %add3A_76 = vector.broadcast %get3A_22 : vector<1x64xf32> to vector<400x64xf32>
    %add3A_77 = arith.addf %dot_general3A_75, %add3A_76 : vector<400x64xf32>
    %slice3A_78 = vector.extract_strided_slice %get3A_1 {offsets = [0, 180], sizes = [400, 60], strides = [1, 1]} : vector<400x240xf32> to vector<400x60xf32>
    %dot_general3A_79 = arith.constant dense<0.000000e+00> : vector<400x64xf32>
    %dot_general3A_80 = tpu.matmul %slice3A_78, %get3A_7, %dot_general3A_79 {dimension_numbers = #tpu.dot_dimension_numbers<[1], [0], [0], [1], [0, 0, 1, 1], [], []>, transpose_lhs_hint = false} : vector<400x60xf32>, vector<60x64xf32>, vector<400x64xf32> -> vector<400x64xf32>
    %add3A_81 = vector.broadcast %get3A_10 : vector<1x64xf32> to vector<400x64xf32>
    %add3A_82 = arith.addf %dot_general3A_80, %add3A_81 : vector<400x64xf32>
    %max3A_83 = arith.constant 0.000000e+00 : f32
    %max3A_84 = vector.broadcast %max3A_83 : f32 to vector<400x64xf32>
    %max3A_85 = arith.maximumf %add3A_82, %max3A_84 : vector<400x64xf32>
    %mul3A_86 = arith.mulf %max3A_85, %get3A_4 : vector<400x64xf32>
    %mul3A_87 = vector.broadcast %get3A_13 : vector<1x64xf32> to vector<400x64xf32>
    %mul3A_88 = arith.mulf %mul3A_86, %mul3A_87 : vector<400x64xf32>
    %add3A_89 = vector.broadcast %get3A_16 : vector<1x64xf32> to vector<400x64xf32>
    %add3A_90 = arith.addf %mul3A_88, %add3A_89 : vector<400x64xf32>
    %max3A_91 = arith.constant 0.000000e+00 : f32
    %max3A_92 = vector.broadcast %max3A_91 : f32 to vector<400x64xf32>
    %max3A_93 = arith.maximumf %add3A_90, %max3A_92 : vector<400x64xf32>
    %dot_general3A_94 = arith.constant dense<0.000000e+00> : vector<400x64xf32>
    %dot_general3A_95 = tpu.matmul %max3A_93, %get3A_19, %dot_general3A_94 {dimension_numbers = #tpu.dot_dimension_numbers<[1], [0], [0], [1], [0, 0, 1, 1], [], []>, transpose_lhs_hint = false} : vector<400x64xf32>, vector<64x64xf32>, vector<400x64xf32> -> vector<400x64xf32>
    %add3A_96 = vector.broadcast %get3A_22 : vector<1x64xf32> to vector<400x64xf32>
    %add3A_97 = arith.addf %dot_general3A_95, %add3A_96 : vector<400x64xf32>
    %stack3A = vector.shape_cast %add3A_37 : vector<400x64xf32> to vector<1x400x64xf32>
    %stack3A_98 = vector.shape_cast %add3A_57 : vector<400x64xf32> to vector<1x400x64xf32>
    %stack3A_99 = vector.shape_cast %add3A_77 : vector<400x64xf32> to vector<1x400x64xf32>
    %stack3A_100 = vector.shape_cast %add3A_97 : vector<400x64xf32> to vector<1x400x64xf32>
    %stack3A_101 = tpu.concatenate %stack3A, %stack3A_98, %stack3A_99, %stack3A_100 in 0 : vector<1x400x64xf32>, vector<1x400x64xf32>, vector<1x400x64xf32>, vector<1x400x64xf32> -> vector<4x400x64xf32>
    %swap3A = arith.constant 0 : index
    %swap3A_102 = arith.constant 0 : index
    %swap3A_103 = arith.constant 0 : index
    %swap3A_104 = vector.load %arg9[%swap3A, %swap3A_102, %swap3A_103] : memref<4x400x64xf32, #tpu.memory_space<vmem>>, vector<4x400x64xf32>
    tpu.vector_store %arg9[%swap3A, %swap3A_102, %swap3A_103], %stack3A_101 {strides = array<i32>} : memref<4x400x64xf32, #tpu.memory_space<vmem>>, vector<4x400x64xf32>,
    %slice3A_105 = vector.extract_strided_slice %add3A_37 {offsets = [0, 0], sizes = [400, 16], strides = [1, 1]} : vector<400x64xf32> to vector<400x16xf32>
    %slice3A_106 = vector.extract_strided_slice %add3A_57 {offsets = [0, 0], sizes = [400, 16], strides = [1, 1]} : vector<400x64xf32> to vector<400x16xf32>
    %slice3A_107 = vector.extract_strided_slice %add3A_77 {offsets = [0, 0], sizes = [400, 16], strides = [1, 1]} : vector<400x64xf32> to vector<400x16xf32>
    %slice3A_108 = vector.extract_strided_slice %add3A_97 {offsets = [0, 0], sizes = [400, 16], strides = [1, 1]} : vector<400x64xf32> to vector<400x16xf32>
    %concatenate3A = tpu.concatenate %slice3A_105, %slice3A_106, %slice3A_107, %slice3A_108 in 1 : vector<400x16xf32>, vector<400x16xf32>, vector<400x16xf32>, vector<400x16xf32> -> vector<400x64xf32>
    %swap3A_109 = arith.constant 0 : index
    %swap3A_110 = arith.constant 0 : index
    %swap3A_111 = vector.load %arg10[%swap3A_109, %swap3A_110] : memref<400x64xf32, #tpu.memory_space<vmem>>, vector<400x64xf32>
    tpu.vector_store %arg10[%swap3A_109, %swap3A_110], %concatenate3A {strides = array<i32>} : memref<400x64xf32, #tpu.memory_space<vmem>>, vector<400x64xf32>,
    %slice3A_112 = vector.extract_strided_slice %add3A_37 {offsets = [0, 16], sizes = [400, 48], strides = [1, 1]} : vector<400x64xf32> to vector<400x48xf32>
    %slice3A_113 = vector.extract_strided_slice %add3A_57 {offsets = [0, 16], sizes = [400, 48], strides = [1, 1]} : vector<400x64xf32> to vector<400x48xf32>
    %slice3A_114 = vector.extract_strided_slice %add3A_77 {offsets = [0, 16], sizes = [400, 48], strides = [1, 1]} : vector<400x64xf32> to vector<400x48xf32>
    %slice3A_115 = vector.extract_strided_slice %add3A_97 {offsets = [0, 16], sizes = [400, 48], strides = [1, 1]} : vector<400x64xf32> to vector<400x48xf32>
    %concatenate3A_116 = tpu.concatenate %slice3A_112, %slice3A_113, %slice3A_114, %slice3A_115 in 1 : vector<400x48xf32>, vector<400x48xf32>, vector<400x48xf32>, vector<400x48xf32> -> vector<400x192xf32>
    %swap3A_117 = arith.constant 0 : index
    %swap3A_118 = arith.constant 0 : index
    %swap3A_119 = vector.load %arg11[%swap3A_117, %swap3A_118] : memref<400x192xf32, #tpu.memory_space<vmem>>, vector<400x192xf32>
    tpu.vector_store %arg11[%swap3A_117, %swap3A_118], %concatenate3A_116 {strides = array<i32>} : memref<400x192xf32, #tpu.memory_space<vmem>>, vector<400x192xf32>,
    return
  }
  func.func @transform_0(%arg0: i32) -> (i32, i32) {
    %c0_i32 = arith.constant 0 : i32
    %c0_i32_0 = arith.constant 0 : i32
    return %arg0, %c0_i32 : i32, i32
  }
  func.func @transform_1(%arg0: i32) -> (i32, i32) {
    %c0_i32 = arith.constant 0 : i32
    %c0_i32_0 = arith.constant 0 : i32
    return %arg0, %c0_i32 : i32, i32
  }
  func.func @transform_2(%arg0: i32) -> (i32, i32) {
    %c0_i32 = arith.constant 0 : i32
    %c0_i32_0 = arith.constant 0 : i32
    %c0_i32_1 = arith.constant 0 : i32
    return %c0_i32, %c0_i32_0 : i32, i32
  }
  func.func @transform_3(%arg0: i32) -> (i32, i32) {
    %c0_i32 = arith.constant 0 : i32
    %c0_i32_0 = arith.constant 0 : i32
    %c0_i32_1 = arith.constant 0 : i32
    return %c0_i32, %c0_i32_0 : i32, i32
  }
  func.func @transform_4(%arg0: i32) -> (i32, i32) {
    %c0_i32 = arith.constant 0 : i32
    %c0_i32_0 = arith.constant 0 : i32
    %c0_i32_1 = arith.constant 0 : i32
    return %c0_i32, %c0_i32_0 : i32, i32
  }
  func.func @transform_5(%arg0: i32) -> (i32, i32) {
    %c0_i32 = arith.constant 0 : i32
    %c0_i32_0 = arith.constant 0 : i32
    %c0_i32_1 = arith.constant 0 : i32
    return %c0_i32, %c0_i32_0 : i32, i32
  }
  func.func @transform_6(%arg0: i32) -> (i32, i32) {
    %c0_i32 = arith.constant 0 : i32
    %c0_i32_0 = arith.constant 0 : i32
    %c0_i32_1 = arith.constant 0 : i32
    return %c0_i32, %c0_i32_0 : i32, i32
  }
  func.func @transform_7(%arg0: i32) -> (i32, i32) {
    %c0_i32 = arith.constant 0 : i32
    %c0_i32_0 = arith.constant 0 : i32
    %c0_i32_1 = arith.constant 0 : i32
    return %c0_i32, %c0_i32_0 : i32, i32
  }
  func.func @transform_8(%arg0: i32) -> (i32, i32, i32) {
    %c0_i32 = arith.constant 0 : i32
    %c0_i32_0 = arith.constant 0 : i32
    %c0_i32_1 = arith.constant 0 : i32
    return %c0_i32, %arg0, %c0_i32_0 : i32, i32, i32
  }
  func.func @transform_9(%arg0: i32) -> (i32, i32) {
    %c0_i32 = arith.constant 0 : i32
    %c0_i32_0 = arith.constant 0 : i32
    return %arg0, %c0_i32 : i32, i32
  }
  func.func @transform_10(%arg0: i32) -> (i32, i32) {
    %c0_i32 = arith.constant 0 : i32
    %c0_i32_0 = arith.constant 0 : i32
    return %arg0, %c0_i32 : i32, i32
  }
}

module attributes {stable_mosaic.version = 14 : i64} {
  func.func @body(%arg0: i32, %arg1: memref<400x64xf32, #tpu.memory_space<vmem>>, %arg2: memref<400x192xf32, #tpu.memory_space<vmem>>, %arg3: memref<400x64xf32, #tpu.memory_space<vmem>>, %arg4: memref<400x64xf32, #tpu.memory_space<vmem>>, %arg5: memref<16x64xf32, #tpu.memory_space<vmem>>, %arg6: memref<1x64xf32, #tpu.memory_space<vmem>>, %arg7: memref<48x64xf32, #tpu.memory_space<vmem>>, %arg8: memref<1x64xf32, #tpu.memory_space<vmem>>, %arg9: memref<1x64xf32, #tpu.memory_space<vmem>>, %arg10: memref<1x64xf32, #tpu.memory_space<vmem>>, %arg11: memref<1x64xf32, #tpu.memory_space<vmem>>, %arg12: memref<1x64xf32, #tpu.memory_space<vmem>>, %arg13: memref<64x1xf32, #tpu.memory_space<vmem>>, %arg14: memref<1x1xf32, #tpu.memory_space<vmem>>, %arg15: memref<64x3xf32, #tpu.memory_space<vmem>>, %arg16: memref<1x3xf32, #tpu.memory_space<vmem>>, %arg17: memref<4x400x4xf32, #tpu.memory_space<vmem>>) attributes {dimension_semantics = [#tpu.dimension_semantics<arbitrary>], iteration_bounds = array<i64: 25>, scalar_prefetch = 0 : i64, scratch_operands = 0 : i64, tpu.core_type = #tpu.core_type<tc>, window_params = [{transform_indices = @transform_0, window_bounds = array<i64: 400, 64>}, {transform_indices = @transform_1, window_bounds = array<i64: 400, 192>}, {transform_indices = @transform_2, window_bounds = array<i64: 400, 64>}, {transform_indices = @transform_3, window_bounds = array<i64: 400, 64>}, {pipeline_mode = #tpu.pipeline_mode<synchronous>, transform_indices = @transform_4, window_bounds = array<i64: 16, 64>}, {pipeline_mode = #tpu.pipeline_mode<synchronous>, transform_indices = @transform_5, window_bounds = array<i64: 1, 64>}, {pipeline_mode = #tpu.pipeline_mode<synchronous>, transform_indices = @transform_6, window_bounds = array<i64: 48, 64>}, {pipeline_mode = #tpu.pipeline_mode<synchronous>, transform_indices = @transform_7, window_bounds = array<i64: 1, 64>}, {pipeline_mode = #tpu.pipeline_mode<synchronous>, transform_indices = @transform_8, window_bounds = array<i64: 1, 64>}, {pipeline_mode = #tpu.pipeline_mode<synchronous>, transform_indices = @transform_9, window_bounds = array<i64: 1, 64>}, {pipeline_mode = #tpu.pipeline_mode<synchronous>, transform_indices = @transform_10, window_bounds = array<i64: 1, 64>}, {pipeline_mode = #tpu.pipeline_mode<synchronous>, transform_indices = @transform_11, window_bounds = array<i64: 1, 64>}, {pipeline_mode = #tpu.pipeline_mode<synchronous>, transform_indices = @transform_12, window_bounds = array<i64: 64, 1>}, {pipeline_mode = #tpu.pipeline_mode<synchronous>, transform_indices = @transform_13, window_bounds = array<i64: 1, 1>}, {pipeline_mode = #tpu.pipeline_mode<synchronous>, transform_indices = @transform_14, window_bounds = array<i64: 64, 3>}, {pipeline_mode = #tpu.pipeline_mode<synchronous>, transform_indices = @transform_15, window_bounds = array<i64: 1, 3>}, {transform_indices = @transform_16, window_bounds = array<i64: 4, 400, 4>}]} {
    %get3A = arith.constant 0 : index
    %get3A_0 = arith.constant 0 : index
    %get3A_1 = vector.load %arg1[%get3A, %get3A_0] : memref<400x64xf32, #tpu.memory_space<vmem>>, vector<400x64xf32>
    %get3A_2 = arith.constant 0 : index
    %get3A_3 = arith.constant 0 : index
    %get3A_4 = vector.load %arg2[%get3A_2, %get3A_3] : memref<400x192xf32, #tpu.memory_space<vmem>>, vector<400x192xf32>
    %get3A_5 = arith.constant 0 : index
    %get3A_6 = arith.constant 0 : index
    %get3A_7 = vector.load %arg3[%get3A_5, %get3A_6] : memref<400x64xf32, #tpu.memory_space<vmem>>, vector<400x64xf32>
    %get3A_8 = arith.constant 0 : index
    %get3A_9 = arith.constant 0 : index
    %get3A_10 = vector.load %arg4[%get3A_8, %get3A_9] : memref<400x64xf32, #tpu.memory_space<vmem>>, vector<400x64xf32>
    %slice3A = vector.extract_strided_slice %get3A_1 {offsets = [0, 0], sizes = [400, 16], strides = [1, 1]} : vector<400x64xf32> to vector<400x16xf32>
    %get3A_11 = arith.constant 0 : index
    %get3A_12 = arith.constant 0 : index
    %get3A_13 = vector.load %arg5[%get3A_11, %get3A_12] : memref<16x64xf32, #tpu.memory_space<vmem>>, vector<16x64xf32>
    %dot_general3A = arith.constant dense<0.000000e+00> : vector<400x64xf32>
    %dot_general3A_14 = tpu.matmul %slice3A, %get3A_13, %dot_general3A {dimension_numbers = #tpu.dot_dimension_numbers<[1], [0], [0], [1], [0, 0, 1, 1], [], []>, transpose_lhs_hint = false} : vector<400x16xf32>, vector<16x64xf32>, vector<400x64xf32> -> vector<400x64xf32>
    %get3A_15 = arith.constant 0 : index
    %get3A_16 = arith.constant 0 : index
    %get3A_17 = vector.load %arg6[%get3A_15, %get3A_16] : memref<1x64xf32, #tpu.memory_space<vmem>>, vector<1x64xf32>
    %add3A = vector.broadcast %get3A_17 : vector<1x64xf32> to vector<400x64xf32>
    %add3A_18 = arith.addf %dot_general3A_14, %add3A : vector<400x64xf32>
    %max3A = arith.constant 0.000000e+00 : f32
    %max3A_19 = vector.broadcast %max3A : f32 to vector<400x64xf32>
    %max3A_20 = arith.maximumf %add3A_18, %max3A_19 : vector<400x64xf32>
    %mul3A = arith.mulf %max3A_20, %get3A_7 : vector<400x64xf32>
    %get3A_21 = arith.constant 0 : index
    %get3A_22 = arith.constant 0 : index
    %get3A_23 = vector.load %arg9[%get3A_21, %get3A_22] : memref<1x64xf32, #tpu.memory_space<vmem>>, vector<1x64xf32>
    %mul3A_24 = vector.broadcast %get3A_23 : vector<1x64xf32> to vector<400x64xf32>
    %mul3A_25 = arith.mulf %mul3A, %mul3A_24 : vector<400x64xf32>
    %get3A_26 = arith.constant 0 : index
    %get3A_27 = arith.constant 0 : index
    %get3A_28 = vector.load %arg10[%get3A_26, %get3A_27] : memref<1x64xf32, #tpu.memory_space<vmem>>, vector<1x64xf32>
    %add3A_29 = vector.broadcast %get3A_28 : vector<1x64xf32> to vector<400x64xf32>
    %add3A_30 = arith.addf %mul3A_25, %add3A_29 : vector<400x64xf32>
    %max3A_31 = arith.constant 0.000000e+00 : f32
    %max3A_32 = vector.broadcast %max3A_31 : f32 to vector<400x64xf32>
    %max3A_33 = arith.maximumf %add3A_30, %max3A_32 : vector<400x64xf32>
    %get3A_34 = arith.constant 0 : index
    %get3A_35 = arith.constant 0 : index
    %get3A_36 = vector.load %arg13[%get3A_34, %get3A_35] : memref<64x1xf32, #tpu.memory_space<vmem>>, vector<64x1xf32>
    %dot_general3A_37 = arith.constant dense<0.000000e+00> : vector<400x1xf32>
    %dot_general3A_38 = tpu.matmul %max3A_33, %get3A_36, %dot_general3A_37 {dimension_numbers = #tpu.dot_dimension_numbers<[1], [0], [0], [1], [0, 0, 1, 1], [], []>, transpose_lhs_hint = false} : vector<400x64xf32>, vector<64x1xf32>, vector<400x1xf32> -> vector<400x1xf32>
    %get3A_39 = arith.constant 0 : index
    %get3A_40 = arith.constant 0 : index
    %get3A_41 = vector.load %arg14[%get3A_39, %get3A_40] : memref<1x1xf32, #tpu.memory_space<vmem>>, vector<1x1xf32>
    %add3A_42 = vector.broadcast %get3A_41 : vector<1x1xf32> to vector<400x1xf32>
    %add3A_43 = arith.addf %dot_general3A_38, %add3A_42 : vector<400x1xf32>
    %slice3A_44 = vector.extract_strided_slice %get3A_4 {offsets = [0, 0], sizes = [400, 48], strides = [1, 1]} : vector<400x192xf32> to vector<400x48xf32>
    %get3A_45 = arith.constant 0 : index
    %get3A_46 = arith.constant 0 : index
    %get3A_47 = vector.load %arg7[%get3A_45, %get3A_46] : memref<48x64xf32, #tpu.memory_space<vmem>>, vector<48x64xf32>
    %dot_general3A_48 = arith.constant dense<0.000000e+00> : vector<400x64xf32>
    %dot_general3A_49 = tpu.matmul %slice3A_44, %get3A_47, %dot_general3A_48 {dimension_numbers = #tpu.dot_dimension_numbers<[1], [0], [0], [1], [0, 0, 1, 1], [], []>, transpose_lhs_hint = false} : vector<400x48xf32>, vector<48x64xf32>, vector<400x64xf32> -> vector<400x64xf32>
    %get3A_50 = arith.constant 0 : index
    %get3A_51 = arith.constant 0 : index
    %get3A_52 = vector.load %arg8[%get3A_50, %get3A_51] : memref<1x64xf32, #tpu.memory_space<vmem>>, vector<1x64xf32>
    %add3A_53 = vector.broadcast %get3A_52 : vector<1x64xf32> to vector<400x64xf32>
    %add3A_54 = arith.addf %dot_general3A_49, %add3A_53 : vector<400x64xf32>
    %max3A_55 = arith.constant 0.000000e+00 : f32
    %max3A_56 = vector.broadcast %max3A_55 : f32 to vector<400x64xf32>
    %max3A_57 = arith.maximumf %add3A_54, %max3A_56 : vector<400x64xf32>
    %mul3A_58 = arith.mulf %max3A_57, %get3A_10 : vector<400x64xf32>
    %get3A_59 = arith.constant 0 : index
    %get3A_60 = arith.constant 0 : index
    %get3A_61 = vector.load %arg11[%get3A_59, %get3A_60] : memref<1x64xf32, #tpu.memory_space<vmem>>, vector<1x64xf32>
    %mul3A_62 = vector.broadcast %get3A_61 : vector<1x64xf32> to vector<400x64xf32>
    %mul3A_63 = arith.mulf %mul3A_58, %mul3A_62 : vector<400x64xf32>
    %get3A_64 = arith.constant 0 : index
    %get3A_65 = arith.constant 0 : index
    %get3A_66 = vector.load %arg12[%get3A_64, %get3A_65] : memref<1x64xf32, #tpu.memory_space<vmem>>, vector<1x64xf32>
    %add3A_67 = vector.broadcast %get3A_66 : vector<1x64xf32> to vector<400x64xf32>
    %add3A_68 = arith.addf %mul3A_63, %add3A_67 : vector<400x64xf32>
    %max3A_69 = arith.constant 0.000000e+00 : f32
    %max3A_70 = vector.broadcast %max3A_69 : f32 to vector<400x64xf32>
    %max3A_71 = arith.maximumf %add3A_68, %max3A_70 : vector<400x64xf32>
    %get3A_72 = arith.constant 0 : index
    %get3A_73 = arith.constant 0 : index
    %get3A_74 = vector.load %arg15[%get3A_72, %get3A_73] : memref<64x3xf32, #tpu.memory_space<vmem>>, vector<64x3xf32>
    %dot_general3A_75 = arith.constant dense<0.000000e+00> : vector<400x3xf32>
    %dot_general3A_76 = tpu.matmul %max3A_71, %get3A_74, %dot_general3A_75 {dimension_numbers = #tpu.dot_dimension_numbers<[1], [0], [0], [1], [0, 0, 1, 1], [], []>, transpose_lhs_hint = false} : vector<400x64xf32>, vector<64x3xf32>, vector<400x3xf32> -> vector<400x3xf32>
    %get3A_77 = arith.constant 0 : index
    %get3A_78 = arith.constant 0 : index
    %get3A_79 = vector.load %arg16[%get3A_77, %get3A_78] : memref<1x3xf32, #tpu.memory_space<vmem>>, vector<1x3xf32>
    %add3A_80 = vector.broadcast %get3A_79 : vector<1x3xf32> to vector<400x3xf32>
    %add3A_81 = arith.addf %dot_general3A_76, %add3A_80 : vector<400x3xf32>
    %concatenate3A = tpu.concatenate %add3A_43, %add3A_81 in 1 : vector<400x1xf32>, vector<400x3xf32> -> vector<400x4xf32>
    %slice3A_82 = vector.extract_strided_slice %get3A_1 {offsets = [0, 16], sizes = [400, 16], strides = [1, 1]} : vector<400x64xf32> to vector<400x16xf32>
    %get3A_83 = arith.constant 0 : index
    %get3A_84 = arith.constant 0 : index
    %get3A_85 = vector.load %arg5[%get3A_83, %get3A_84] : memref<16x64xf32, #tpu.memory_space<vmem>>, vector<16x64xf32>
    %dot_general3A_86 = arith.constant dense<0.000000e+00> : vector<400x64xf32>
    %dot_general3A_87 = tpu.matmul %slice3A_82, %get3A_85, %dot_general3A_86 {dimension_numbers = #tpu.dot_dimension_numbers<[1], [0], [0], [1], [0, 0, 1, 1], [], []>, transpose_lhs_hint = false} : vector<400x16xf32>, vector<16x64xf32>, vector<400x64xf32> -> vector<400x64xf32>
    %get3A_88 = arith.constant 0 : index
    %get3A_89 = arith.constant 0 : index
    %get3A_90 = vector.load %arg6[%get3A_88, %get3A_89] : memref<1x64xf32, #tpu.memory_space<vmem>>, vector<1x64xf32>
    %add3A_91 = vector.broadcast %get3A_90 : vector<1x64xf32> to vector<400x64xf32>
    %add3A_92 = arith.addf %dot_general3A_87, %add3A_91 : vector<400x64xf32>
    %max3A_93 = arith.constant 0.000000e+00 : f32
    %max3A_94 = vector.broadcast %max3A_93 : f32 to vector<400x64xf32>
    %max3A_95 = arith.maximumf %add3A_92, %max3A_94 : vector<400x64xf32>
    %mul3A_96 = arith.mulf %max3A_95, %get3A_7 : vector<400x64xf32>
    %get3A_97 = arith.constant 0 : index
    %get3A_98 = arith.constant 0 : index
    %get3A_99 = vector.load %arg9[%get3A_97, %get3A_98] : memref<1x64xf32, #tpu.memory_space<vmem>>, vector<1x64xf32>
    %mul3A_100 = vector.broadcast %get3A_99 : vector<1x64xf32> to vector<400x64xf32>
    %mul3A_101 = arith.mulf %mul3A_96, %mul3A_100 : vector<400x64xf32>
    %get3A_102 = arith.constant 0 : index
    %get3A_103 = arith.constant 0 : index
    %get3A_104 = vector.load %arg10[%get3A_102, %get3A_103] : memref<1x64xf32, #tpu.memory_space<vmem>>, vector<1x64xf32>
    %add3A_105 = vector.broadcast %get3A_104 : vector<1x64xf32> to vector<400x64xf32>
    %add3A_106 = arith.addf %mul3A_101, %add3A_105 : vector<400x64xf32>
    %max3A_107 = arith.constant 0.000000e+00 : f32
    %max3A_108 = vector.broadcast %max3A_107 : f32 to vector<400x64xf32>
    %max3A_109 = arith.maximumf %add3A_106, %max3A_108 : vector<400x64xf32>
    %get3A_110 = arith.constant 0 : index
    %get3A_111 = arith.constant 0 : index
    %get3A_112 = vector.load %arg13[%get3A_110, %get3A_111] : memref<64x1xf32, #tpu.memory_space<vmem>>, vector<64x1xf32>
    %dot_general3A_113 = arith.constant dense<0.000000e+00> : vector<400x1xf32>
    %dot_general3A_114 = tpu.matmul %max3A_109, %get3A_112, %dot_general3A_113 {dimension_numbers = #tpu.dot_dimension_numbers<[1], [0], [0], [1], [0, 0, 1, 1], [], []>, transpose_lhs_hint = false} : vector<400x64xf32>, vector<64x1xf32>, vector<400x1xf32> -> vector<400x1xf32>
    %get3A_115 = arith.constant 0 : index
    %get3A_116 = arith.constant 0 : index
    %get3A_117 = vector.load %arg14[%get3A_115, %get3A_116] : memref<1x1xf32, #tpu.memory_space<vmem>>, vector<1x1xf32>
    %add3A_118 = vector.broadcast %get3A_117 : vector<1x1xf32> to vector<400x1xf32>
    %add3A_119 = arith.addf %dot_general3A_114, %add3A_118 : vector<400x1xf32>
    %slice3A_120 = vector.extract_strided_slice %get3A_4 {offsets = [0, 48], sizes = [400, 48], strides = [1, 1]} : vector<400x192xf32> to vector<400x48xf32>
    %get3A_121 = arith.constant 0 : index
    %get3A_122 = arith.constant 0 : index
    %get3A_123 = vector.load %arg7[%get3A_121, %get3A_122] : memref<48x64xf32, #tpu.memory_space<vmem>>, vector<48x64xf32>
    %dot_general3A_124 = arith.constant dense<0.000000e+00> : vector<400x64xf32>
    %dot_general3A_125 = tpu.matmul %slice3A_120, %get3A_123, %dot_general3A_124 {dimension_numbers = #tpu.dot_dimension_numbers<[1], [0], [0], [1], [0, 0, 1, 1], [], []>, transpose_lhs_hint = false} : vector<400x48xf32>, vector<48x64xf32>, vector<400x64xf32> -> vector<400x64xf32>
    %get3A_126 = arith.constant 0 : index
    %get3A_127 = arith.constant 0 : index
    %get3A_128 = vector.load %arg8[%get3A_126, %get3A_127] : memref<1x64xf32, #tpu.memory_space<vmem>>, vector<1x64xf32>
    %add3A_129 = vector.broadcast %get3A_128 : vector<1x64xf32> to vector<400x64xf32>
    %add3A_130 = arith.addf %dot_general3A_125, %add3A_129 : vector<400x64xf32>
    %max3A_131 = arith.constant 0.000000e+00 : f32
    %max3A_132 = vector.broadcast %max3A_131 : f32 to vector<400x64xf32>
    %max3A_133 = arith.maximumf %add3A_130, %max3A_132 : vector<400x64xf32>
    %mul3A_134 = arith.mulf %max3A_133, %get3A_10 : vector<400x64xf32>
    %get3A_135 = arith.constant 0 : index
    %get3A_136 = arith.constant 0 : index
    %get3A_137 = vector.load %arg11[%get3A_135, %get3A_136] : memref<1x64xf32, #tpu.memory_space<vmem>>, vector<1x64xf32>
    %mul3A_138 = vector.broadcast %get3A_137 : vector<1x64xf32> to vector<400x64xf32>
    %mul3A_139 = arith.mulf %mul3A_134, %mul3A_138 : vector<400x64xf32>
    %get3A_140 = arith.constant 0 : index
    %get3A_141 = arith.constant 0 : index
    %get3A_142 = vector.load %arg12[%get3A_140, %get3A_141] : memref<1x64xf32, #tpu.memory_space<vmem>>, vector<1x64xf32>
    %add3A_143 = vector.broadcast %get3A_142 : vector<1x64xf32> to vector<400x64xf32>
    %add3A_144 = arith.addf %mul3A_139, %add3A_143 : vector<400x64xf32>
    %max3A_145 = arith.constant 0.000000e+00 : f32
    %max3A_146 = vector.broadcast %max3A_145 : f32 to vector<400x64xf32>
    %max3A_147 = arith.maximumf %add3A_144, %max3A_146 : vector<400x64xf32>
    %get3A_148 = arith.constant 0 : index
    %get3A_149 = arith.constant 0 : index
    %get3A_150 = vector.load %arg15[%get3A_148, %get3A_149] : memref<64x3xf32, #tpu.memory_space<vmem>>, vector<64x3xf32>
    %dot_general3A_151 = arith.constant dense<0.000000e+00> : vector<400x3xf32>
    %dot_general3A_152 = tpu.matmul %max3A_147, %get3A_150, %dot_general3A_151 {dimension_numbers = #tpu.dot_dimension_numbers<[1], [0], [0], [1], [0, 0, 1, 1], [], []>, transpose_lhs_hint = false} : vector<400x64xf32>, vector<64x3xf32>, vector<400x3xf32> -> vector<400x3xf32>
    %get3A_153 = arith.constant 0 : index
    %get3A_154 = arith.constant 0 : index
    %get3A_155 = vector.load %arg16[%get3A_153, %get3A_154] : memref<1x3xf32, #tpu.memory_space<vmem>>, vector<1x3xf32>
    %add3A_156 = vector.broadcast %get3A_155 : vector<1x3xf32> to vector<400x3xf32>
    %add3A_157 = arith.addf %dot_general3A_152, %add3A_156 : vector<400x3xf32>
    %concatenate3A_158 = tpu.concatenate %add3A_119, %add3A_157 in 1 : vector<400x1xf32>, vector<400x3xf32> -> vector<400x4xf32>
    %slice3A_159 = vector.extract_strided_slice %get3A_1 {offsets = [0, 32], sizes = [400, 16], strides = [1, 1]} : vector<400x64xf32> to vector<400x16xf32>
    %get3A_160 = arith.constant 0 : index
    %get3A_161 = arith.constant 0 : index
    %get3A_162 = vector.load %arg5[%get3A_160, %get3A_161] : memref<16x64xf32, #tpu.memory_space<vmem>>, vector<16x64xf32>
    %dot_general3A_163 = arith.constant dense<0.000000e+00> : vector<400x64xf32>
    %dot_general3A_164 = tpu.matmul %slice3A_159, %get3A_162, %dot_general3A_163 {dimension_numbers = #tpu.dot_dimension_numbers<[1], [0], [0], [1], [0, 0, 1, 1], [], []>, transpose_lhs_hint = false} : vector<400x16xf32>, vector<16x64xf32>, vector<400x64xf32> -> vector<400x64xf32>
    %get3A_165 = arith.constant 0 : index
    %get3A_166 = arith.constant 0 : index
    %get3A_167 = vector.load %arg6[%get3A_165, %get3A_166] : memref<1x64xf32, #tpu.memory_space<vmem>>, vector<1x64xf32>
    %add3A_168 = vector.broadcast %get3A_167 : vector<1x64xf32> to vector<400x64xf32>
    %add3A_169 = arith.addf %dot_general3A_164, %add3A_168 : vector<400x64xf32>
    %max3A_170 = arith.constant 0.000000e+00 : f32
    %max3A_171 = vector.broadcast %max3A_170 : f32 to vector<400x64xf32>
    %max3A_172 = arith.maximumf %add3A_169, %max3A_171 : vector<400x64xf32>
    %mul3A_173 = arith.mulf %max3A_172, %get3A_7 : vector<400x64xf32>
    %get3A_174 = arith.constant 0 : index
    %get3A_175 = arith.constant 0 : index
    %get3A_176 = vector.load %arg9[%get3A_174, %get3A_175] : memref<1x64xf32, #tpu.memory_space<vmem>>, vector<1x64xf32>
    %mul3A_177 = vector.broadcast %get3A_176 : vector<1x64xf32> to vector<400x64xf32>
    %mul3A_178 = arith.mulf %mul3A_173, %mul3A_177 : vector<400x64xf32>
    %get3A_179 = arith.constant 0 : index
    %get3A_180 = arith.constant 0 : index
    %get3A_181 = vector.load %arg10[%get3A_179, %get3A_180] : memref<1x64xf32, #tpu.memory_space<vmem>>, vector<1x64xf32>
    %add3A_182 = vector.broadcast %get3A_181 : vector<1x64xf32> to vector<400x64xf32>
    %add3A_183 = arith.addf %mul3A_178, %add3A_182 : vector<400x64xf32>
    %max3A_184 = arith.constant 0.000000e+00 : f32
    %max3A_185 = vector.broadcast %max3A_184 : f32 to vector<400x64xf32>
    %max3A_186 = arith.maximumf %add3A_183, %max3A_185 : vector<400x64xf32>
    %get3A_187 = arith.constant 0 : index
    %get3A_188 = arith.constant 0 : index
    %get3A_189 = vector.load %arg13[%get3A_187, %get3A_188] : memref<64x1xf32, #tpu.memory_space<vmem>>, vector<64x1xf32>
    %dot_general3A_190 = arith.constant dense<0.000000e+00> : vector<400x1xf32>
    %dot_general3A_191 = tpu.matmul %max3A_186, %get3A_189, %dot_general3A_190 {dimension_numbers = #tpu.dot_dimension_numbers<[1], [0], [0], [1], [0, 0, 1, 1], [], []>, transpose_lhs_hint = false} : vector<400x64xf32>, vector<64x1xf32>, vector<400x1xf32> -> vector<400x1xf32>
    %get3A_192 = arith.constant 0 : index
    %get3A_193 = arith.constant 0 : index
    %get3A_194 = vector.load %arg14[%get3A_192, %get3A_193] : memref<1x1xf32, #tpu.memory_space<vmem>>, vector<1x1xf32>
    %add3A_195 = vector.broadcast %get3A_194 : vector<1x1xf32> to vector<400x1xf32>
    %add3A_196 = arith.addf %dot_general3A_191, %add3A_195 : vector<400x1xf32>
    %slice3A_197 = vector.extract_strided_slice %get3A_4 {offsets = [0, 96], sizes = [400, 48], strides = [1, 1]} : vector<400x192xf32> to vector<400x48xf32>
    %get3A_198 = arith.constant 0 : index
    %get3A_199 = arith.constant 0 : index
    %get3A_200 = vector.load %arg7[%get3A_198, %get3A_199] : memref<48x64xf32, #tpu.memory_space<vmem>>, vector<48x64xf32>
    %dot_general3A_201 = arith.constant dense<0.000000e+00> : vector<400x64xf32>
    %dot_general3A_202 = tpu.matmul %slice3A_197, %get3A_200, %dot_general3A_201 {dimension_numbers = #tpu.dot_dimension_numbers<[1], [0], [0], [1], [0, 0, 1, 1], [], []>, transpose_lhs_hint = false} : vector<400x48xf32>, vector<48x64xf32>, vector<400x64xf32> -> vector<400x64xf32>
    %get3A_203 = arith.constant 0 : index
    %get3A_204 = arith.constant 0 : index
    %get3A_205 = vector.load %arg8[%get3A_203, %get3A_204] : memref<1x64xf32, #tpu.memory_space<vmem>>, vector<1x64xf32>
    %add3A_206 = vector.broadcast %get3A_205 : vector<1x64xf32> to vector<400x64xf32>
    %add3A_207 = arith.addf %dot_general3A_202, %add3A_206 : vector<400x64xf32>
    %max3A_208 = arith.constant 0.000000e+00 : f32
    %max3A_209 = vector.broadcast %max3A_208 : f32 to vector<400x64xf32>
    %max3A_210 = arith.maximumf %add3A_207, %max3A_209 : vector<400x64xf32>
    %mul3A_211 = arith.mulf %max3A_210, %get3A_10 : vector<400x64xf32>
    %get3A_212 = arith.constant 0 : index
    %get3A_213 = arith.constant 0 : index
    %get3A_214 = vector.load %arg11[%get3A_212, %get3A_213] : memref<1x64xf32, #tpu.memory_space<vmem>>, vector<1x64xf32>
    %mul3A_215 = vector.broadcast %get3A_214 : vector<1x64xf32> to vector<400x64xf32>
    %mul3A_216 = arith.mulf %mul3A_211, %mul3A_215 : vector<400x64xf32>
    %get3A_217 = arith.constant 0 : index
    %get3A_218 = arith.constant 0 : index
    %get3A_219 = vector.load %arg12[%get3A_217, %get3A_218] : memref<1x64xf32, #tpu.memory_space<vmem>>, vector<1x64xf32>
    %add3A_220 = vector.broadcast %get3A_219 : vector<1x64xf32> to vector<400x64xf32>
    %add3A_221 = arith.addf %mul3A_216, %add3A_220 : vector<400x64xf32>
    %max3A_222 = arith.constant 0.000000e+00 : f32
    %max3A_223 = vector.broadcast %max3A_222 : f32 to vector<400x64xf32>
    %max3A_224 = arith.maximumf %add3A_221, %max3A_223 : vector<400x64xf32>
    %get3A_225 = arith.constant 0 : index
    %get3A_226 = arith.constant 0 : index
    %get3A_227 = vector.load %arg15[%get3A_225, %get3A_226] : memref<64x3xf32, #tpu.memory_space<vmem>>, vector<64x3xf32>
    %dot_general3A_228 = arith.constant dense<0.000000e+00> : vector<400x3xf32>
    %dot_general3A_229 = tpu.matmul %max3A_224, %get3A_227, %dot_general3A_228 {dimension_numbers = #tpu.dot_dimension_numbers<[1], [0], [0], [1], [0, 0, 1, 1], [], []>, transpose_lhs_hint = false} : vector<400x64xf32>, vector<64x3xf32>, vector<400x3xf32> -> vector<400x3xf32>
    %get3A_230 = arith.constant 0 : index
    %get3A_231 = arith.constant 0 : index
    %get3A_232 = vector.load %arg16[%get3A_230, %get3A_231] : memref<1x3xf32, #tpu.memory_space<vmem>>, vector<1x3xf32>
    %add3A_233 = vector.broadcast %get3A_232 : vector<1x3xf32> to vector<400x3xf32>
    %add3A_234 = arith.addf %dot_general3A_229, %add3A_233 : vector<400x3xf32>
    %concatenate3A_235 = tpu.concatenate %add3A_196, %add3A_234 in 1 : vector<400x1xf32>, vector<400x3xf32> -> vector<400x4xf32>
    %slice3A_236 = vector.extract_strided_slice %get3A_1 {offsets = [0, 48], sizes = [400, 16], strides = [1, 1]} : vector<400x64xf32> to vector<400x16xf32>
    %get3A_237 = arith.constant 0 : index
    %get3A_238 = arith.constant 0 : index
    %get3A_239 = vector.load %arg5[%get3A_237, %get3A_238] : memref<16x64xf32, #tpu.memory_space<vmem>>, vector<16x64xf32>
    %dot_general3A_240 = arith.constant dense<0.000000e+00> : vector<400x64xf32>
    %dot_general3A_241 = tpu.matmul %slice3A_236, %get3A_239, %dot_general3A_240 {dimension_numbers = #tpu.dot_dimension_numbers<[1], [0], [0], [1], [0, 0, 1, 1], [], []>, transpose_lhs_hint = false} : vector<400x16xf32>, vector<16x64xf32>, vector<400x64xf32> -> vector<400x64xf32>
    %get3A_242 = arith.constant 0 : index
    %get3A_243 = arith.constant 0 : index
    %get3A_244 = vector.load %arg6[%get3A_242, %get3A_243] : memref<1x64xf32, #tpu.memory_space<vmem>>, vector<1x64xf32>
    %add3A_245 = vector.broadcast %get3A_244 : vector<1x64xf32> to vector<400x64xf32>
    %add3A_246 = arith.addf %dot_general3A_241, %add3A_245 : vector<400x64xf32>
    %max3A_247 = arith.constant 0.000000e+00 : f32
    %max3A_248 = vector.broadcast %max3A_247 : f32 to vector<400x64xf32>
    %max3A_249 = arith.maximumf %add3A_246, %max3A_248 : vector<400x64xf32>
    %mul3A_250 = arith.mulf %max3A_249, %get3A_7 : vector<400x64xf32>
    %get3A_251 = arith.constant 0 : index
    %get3A_252 = arith.constant 0 : index
    %get3A_253 = vector.load %arg9[%get3A_251, %get3A_252] : memref<1x64xf32, #tpu.memory_space<vmem>>, vector<1x64xf32>
    %mul3A_254 = vector.broadcast %get3A_253 : vector<1x64xf32> to vector<400x64xf32>
    %mul3A_255 = arith.mulf %mul3A_250, %mul3A_254 : vector<400x64xf32>
    %get3A_256 = arith.constant 0 : index
    %get3A_257 = arith.constant 0 : index
    %get3A_258 = vector.load %arg10[%get3A_256, %get3A_257] : memref<1x64xf32, #tpu.memory_space<vmem>>, vector<1x64xf32>
    %add3A_259 = vector.broadcast %get3A_258 : vector<1x64xf32> to vector<400x64xf32>
    %add3A_260 = arith.addf %mul3A_255, %add3A_259 : vector<400x64xf32>
    %max3A_261 = arith.constant 0.000000e+00 : f32
    %max3A_262 = vector.broadcast %max3A_261 : f32 to vector<400x64xf32>
    %max3A_263 = arith.maximumf %add3A_260, %max3A_262 : vector<400x64xf32>
    %get3A_264 = arith.constant 0 : index
    %get3A_265 = arith.constant 0 : index
    %get3A_266 = vector.load %arg13[%get3A_264, %get3A_265] : memref<64x1xf32, #tpu.memory_space<vmem>>, vector<64x1xf32>
    %dot_general3A_267 = arith.constant dense<0.000000e+00> : vector<400x1xf32>
    %dot_general3A_268 = tpu.matmul %max3A_263, %get3A_266, %dot_general3A_267 {dimension_numbers = #tpu.dot_dimension_numbers<[1], [0], [0], [1], [0, 0, 1, 1], [], []>, transpose_lhs_hint = false} : vector<400x64xf32>, vector<64x1xf32>, vector<400x1xf32> -> vector<400x1xf32>
    %get3A_269 = arith.constant 0 : index
    %get3A_270 = arith.constant 0 : index
    %get3A_271 = vector.load %arg14[%get3A_269, %get3A_270] : memref<1x1xf32, #tpu.memory_space<vmem>>, vector<1x1xf32>
    %add3A_272 = vector.broadcast %get3A_271 : vector<1x1xf32> to vector<400x1xf32>
    %add3A_273 = arith.addf %dot_general3A_268, %add3A_272 : vector<400x1xf32>
    %slice3A_274 = vector.extract_strided_slice %get3A_4 {offsets = [0, 144], sizes = [400, 48], strides = [1, 1]} : vector<400x192xf32> to vector<400x48xf32>
    %get3A_275 = arith.constant 0 : index
    %get3A_276 = arith.constant 0 : index
    %get3A_277 = vector.load %arg7[%get3A_275, %get3A_276] : memref<48x64xf32, #tpu.memory_space<vmem>>, vector<48x64xf32>
    %dot_general3A_278 = arith.constant dense<0.000000e+00> : vector<400x64xf32>
    %dot_general3A_279 = tpu.matmul %slice3A_274, %get3A_277, %dot_general3A_278 {dimension_numbers = #tpu.dot_dimension_numbers<[1], [0], [0], [1], [0, 0, 1, 1], [], []>, transpose_lhs_hint = false} : vector<400x48xf32>, vector<48x64xf32>, vector<400x64xf32> -> vector<400x64xf32>
    %get3A_280 = arith.constant 0 : index
    %get3A_281 = arith.constant 0 : index
    %get3A_282 = vector.load %arg8[%get3A_280, %get3A_281] : memref<1x64xf32, #tpu.memory_space<vmem>>, vector<1x64xf32>
    %add3A_283 = vector.broadcast %get3A_282 : vector<1x64xf32> to vector<400x64xf32>
    %add3A_284 = arith.addf %dot_general3A_279, %add3A_283 : vector<400x64xf32>
    %max3A_285 = arith.constant 0.000000e+00 : f32
    %max3A_286 = vector.broadcast %max3A_285 : f32 to vector<400x64xf32>
    %max3A_287 = arith.maximumf %add3A_284, %max3A_286 : vector<400x64xf32>
    %mul3A_288 = arith.mulf %max3A_287, %get3A_10 : vector<400x64xf32>
    %get3A_289 = arith.constant 0 : index
    %get3A_290 = arith.constant 0 : index
    %get3A_291 = vector.load %arg11[%get3A_289, %get3A_290] : memref<1x64xf32, #tpu.memory_space<vmem>>, vector<1x64xf32>
    %mul3A_292 = vector.broadcast %get3A_291 : vector<1x64xf32> to vector<400x64xf32>
    %mul3A_293 = arith.mulf %mul3A_288, %mul3A_292 : vector<400x64xf32>
    %get3A_294 = arith.constant 0 : index
    %get3A_295 = arith.constant 0 : index
    %get3A_296 = vector.load %arg12[%get3A_294, %get3A_295] : memref<1x64xf32, #tpu.memory_space<vmem>>, vector<1x64xf32>
    %add3A_297 = vector.broadcast %get3A_296 : vector<1x64xf32> to vector<400x64xf32>
    %add3A_298 = arith.addf %mul3A_293, %add3A_297 : vector<400x64xf32>
    %max3A_299 = arith.constant 0.000000e+00 : f32
    %max3A_300 = vector.broadcast %max3A_299 : f32 to vector<400x64xf32>
    %max3A_301 = arith.maximumf %add3A_298, %max3A_300 : vector<400x64xf32>
    %get3A_302 = arith.constant 0 : index
    %get3A_303 = arith.constant 0 : index
    %get3A_304 = vector.load %arg15[%get3A_302, %get3A_303] : memref<64x3xf32, #tpu.memory_space<vmem>>, vector<64x3xf32>
    %dot_general3A_305 = arith.constant dense<0.000000e+00> : vector<400x3xf32>
    %dot_general3A_306 = tpu.matmul %max3A_301, %get3A_304, %dot_general3A_305 {dimension_numbers = #tpu.dot_dimension_numbers<[1], [0], [0], [1], [0, 0, 1, 1], [], []>, transpose_lhs_hint = false} : vector<400x64xf32>, vector<64x3xf32>, vector<400x3xf32> -> vector<400x3xf32>
    %get3A_307 = arith.constant 0 : index
    %get3A_308 = arith.constant 0 : index
    %get3A_309 = vector.load %arg16[%get3A_307, %get3A_308] : memref<1x3xf32, #tpu.memory_space<vmem>>, vector<1x3xf32>
    %add3A_310 = vector.broadcast %get3A_309 : vector<1x3xf32> to vector<400x3xf32>
    %add3A_311 = arith.addf %dot_general3A_306, %add3A_310 : vector<400x3xf32>
    %concatenate3A_312 = tpu.concatenate %add3A_273, %add3A_311 in 1 : vector<400x1xf32>, vector<400x3xf32> -> vector<400x4xf32>
    %stack3A = vector.shape_cast %concatenate3A : vector<400x4xf32> to vector<1x400x4xf32>
    %stack3A_313 = vector.shape_cast %concatenate3A_158 : vector<400x4xf32> to vector<1x400x4xf32>
    %stack3A_314 = vector.shape_cast %concatenate3A_235 : vector<400x4xf32> to vector<1x400x4xf32>
    %stack3A_315 = vector.shape_cast %concatenate3A_312 : vector<400x4xf32> to vector<1x400x4xf32>
    %stack3A_316 = tpu.concatenate %stack3A, %stack3A_313, %stack3A_314, %stack3A_315 in 0 : vector<1x400x4xf32>, vector<1x400x4xf32>, vector<1x400x4xf32>, vector<1x400x4xf32> -> vector<4x400x4xf32>
    %swap3A = arith.constant 0 : index
    %swap3A_317 = arith.constant 0 : index
    %swap3A_318 = arith.constant 0 : index
    %swap3A_319 = vector.load %arg17[%swap3A, %swap3A_317, %swap3A_318] : memref<4x400x4xf32, #tpu.memory_space<vmem>>, vector<4x400x4xf32>
    tpu.vector_store %arg17[%swap3A, %swap3A_317, %swap3A_318], %stack3A_316 {strides = array<i32>} : memref<4x400x4xf32, #tpu.memory_space<vmem>>, vector<4x400x4xf32>,
    return
  }
  func.func @transform_0(%arg0: i32) -> (i32, i32) {
    %c0_i32 = arith.constant 0 : i32
    %c0_i32_0 = arith.constant 0 : i32
    return %arg0, %c0_i32 : i32, i32
  }
  func.func @transform_1(%arg0: i32) -> (i32, i32) {
    %c0_i32 = arith.constant 0 : i32
    %c0_i32_0 = arith.constant 0 : i32
    return %arg0, %c0_i32 : i32, i32
  }
  func.func @transform_2(%arg0: i32) -> (i32, i32) {
    %c0_i32 = arith.constant 0 : i32
    %c0_i32_0 = arith.constant 0 : i32
    return %arg0, %c0_i32 : i32, i32
  }
  func.func @transform_3(%arg0: i32) -> (i32, i32) {
    %c0_i32 = arith.constant 0 : i32
    %c0_i32_0 = arith.constant 0 : i32
    return %arg0, %c0_i32 : i32, i32
  }
  func.func @transform_4(%arg0: i32) -> (i32, i32) {
    %c0_i32 = arith.constant 0 : i32
    %c0_i32_0 = arith.constant 0 : i32
    %c0_i32_1 = arith.constant 0 : i32
    return %c0_i32, %c0_i32_0 : i32, i32
  }
  func.func @transform_5(%arg0: i32) -> (i32, i32) {
    %c0_i32 = arith.constant 0 : i32
    %c0_i32_0 = arith.constant 0 : i32
    %c0_i32_1 = arith.constant 0 : i32
    return %c0_i32, %c0_i32_0 : i32, i32
  }
  func.func @transform_6(%arg0: i32) -> (i32, i32) {
    %c0_i32 = arith.constant 0 : i32
    %c0_i32_0 = arith.constant 0 : i32
    %c0_i32_1 = arith.constant 0 : i32
    return %c0_i32, %c0_i32_0 : i32, i32
  }
  func.func @transform_7(%arg0: i32) -> (i32, i32) {
    %c0_i32 = arith.constant 0 : i32
    %c0_i32_0 = arith.constant 0 : i32
    %c0_i32_1 = arith.constant 0 : i32
    return %c0_i32, %c0_i32_0 : i32, i32
  }
  func.func @transform_8(%arg0: i32) -> (i32, i32) {
    %c0_i32 = arith.constant 0 : i32
    %c0_i32_0 = arith.constant 0 : i32
    %c0_i32_1 = arith.constant 0 : i32
    return %c0_i32, %c0_i32_0 : i32, i32
  }
  func.func @transform_9(%arg0: i32) -> (i32, i32) {
    %c0_i32 = arith.constant 0 : i32
    %c0_i32_0 = arith.constant 0 : i32
    %c0_i32_1 = arith.constant 0 : i32
    return %c0_i32, %c0_i32_0 : i32, i32
  }
  func.func @transform_10(%arg0: i32) -> (i32, i32) {
    %c0_i32 = arith.constant 0 : i32
    %c0_i32_0 = arith.constant 0 : i32
    %c0_i32_1 = arith.constant 0 : i32
    return %c0_i32, %c0_i32_0 : i32, i32
  }
  func.func @transform_11(%arg0: i32) -> (i32, i32) {
    %c0_i32 = arith.constant 0 : i32
    %c0_i32_0 = arith.constant 0 : i32
    %c0_i32_1 = arith.constant 0 : i32
    return %c0_i32, %c0_i32_0 : i32, i32
  }
  func.func @transform_12(%arg0: i32) -> (i32, i32) {
    %c0_i32 = arith.constant 0 : i32
    %c0_i32_0 = arith.constant 0 : i32
    %c0_i32_1 = arith.constant 0 : i32
    return %c0_i32, %c0_i32_0 : i32, i32
  }
  func.func @transform_13(%arg0: i32) -> (i32, i32) {
    %c0_i32 = arith.constant 0 : i32
    %c0_i32_0 = arith.constant 0 : i32
    %c0_i32_1 = arith.constant 0 : i32
    return %c0_i32, %c0_i32_0 : i32, i32
  }
  func.func @transform_14(%arg0: i32) -> (i32, i32) {
    %c0_i32 = arith.constant 0 : i32
    %c0_i32_0 = arith.constant 0 : i32
    %c0_i32_1 = arith.constant 0 : i32
    return %c0_i32, %c0_i32_0 : i32, i32
  }
  func.func @transform_15(%arg0: i32) -> (i32, i32) {
    %c0_i32 = arith.constant 0 : i32
    %c0_i32_0 = arith.constant 0 : i32
    %c0_i32_1 = arith.constant 0 : i32
    return %c0_i32, %c0_i32_0 : i32, i32
  }
  func.func @transform_16(%arg0: i32) -> (i32, i32, i32) {
    %c0_i32 = arith.constant 0 : i32
    %c0_i32_0 = arith.constant 0 : i32
    %c0_i32_1 = arith.constant 0 : i32
    return %c0_i32, %arg0, %c0_i32_0 : i32, i32, i32
  }
}

</mosaic_0001>

<sc_bundles>
// kernel: kernel.10.cloned.1.call-start
scs
__scs_entry_jumppad:
0x0: {  	(pc) =	sbr.rel $0x88, $3  }
0x1: {  	(tag) =	ssettag $0x0;
	lr =	simm.s32 $0x1  }
0x2: {  	[smem:$0x3F8B] =	sst lr;
	_ =	strace $0xD0000000  }
0x3: {  	_ = 	snop  }
0x4: {  	_ = 	snop  }
0x5: {  	_ = 	snop  }
0x6: {  	_ = 	snop  }
0x7: {  	_ = 	snop  }
__scs_overlays_trampoline_lowered:
0x8: {  	[smem:$0x3F9A] =	sst s0  }
0x9: {  	[smem:$0x3F9B] =	sst s1  }
0xa: {  	[smem:$0x3F9C] =	sst s2  }
0xb: {  	[smem:$0x3F9D] =	sst s3  }
0xc: {  	[smem:$0x3F9E] =	sst s4  }
0xd: {  	[smem:$0x3F9F] =	sst s5  }
0xe: {  	[smem:$0x3FA0] =	sst s6  }
0xf: {  	[smem:$0x3FA1] =	sst s7  }
0x10: {  	[smem:$0x3FA2] =	sst s8  }
0x11: {  	[smem:$0x3FA3] =	sst s9;
	s0 =	simm.s32 @!p0 $0x0  }
0x12: {  	s1 =	sld [smem:$0x3F89];
	s0 =	simm.s32 @p0 $0x1  }
0x13: {  	[smem:$0x3FA4] =	sst s0;
	s0 =	simm.s32 @!p1 $0x0  }
0x14: {  	s2 =	sld [smem:$0x3F88];
	s0 =	simm.s32 @p1 $0x1  }
0x15: {  	[smem:$0x3FA5] =	sst s0;
	s0 =	simm.s32 @!p2 $0x0  }
0x16: {  	s3 =	sld [smem:$0x3FDB];
	s0 =	simm.s32 @p2 $0x1  }
0x17: {  	s4 =	simm.s32 $0x1BF5;
	[smem:$0x3FA7] =	sst s0  }
0x18: {  	s0 =	sld [smem:$0x3F8A];
	_ =	swait.ge [sflag:s4], $0x0  }
0x19: {  	s7 =	sld [smem:$0x3F8B]  }
0x1a: {  	s8 =	sadd.s32 $0xFFFFE003, lr  }
0x1b: {  	s9 =	sadd.s32 $0xFFFFFEF7, lr;
	s5 =	simm.s32 $0xFFFFFFFF;
	p2 =	slt.u32 s8, $0xFFFFF086  }
0x1c: {  	p1 =	slt.u32 s9, $0xF7A;
	s5 =	simm.s32 @!p2 $0x0  }
0x1d: {  	s5 =	simm.s32 @p1 $0x1;
	p0 =	seq.s32 s7, s2  }
0x1e: {  	s7 =	smul.u32 @!p0 $0xF7A, s2;
	p2 =	seq.s32 @!p0 s5, $0x0  }
0x1f: {  	s9 =	smul.u32 $0xF7A, s1;
	s8 =	simm.s32 @!p0 $0x1BF5;
	p2 =	por !p2, p0  }
0x20: {  	[sflag:s8] =	ssyncset.s32 @!p0 $0xFFFFF086;
	s6 =	sadd.s32 @!p0 s3, s7;
	s7 =	simm.s32 @!p0 $0x108  }
0x21: {  	s3 =	sadd.s32 s3, s9;
	s6 =	sadd.s32 @!p0 $0x88, s6;
	s7 =	simm.s32 @p2 $0x1082  }
0x22: {  	[simem:s7], [sflag:s8] =	dma.local @!p0 [hbm:s6], $0xF7A  }
0x23: {  	s9 =	sor.u32 $0xD0000000, s2;
	s6 =	simm.s32 $0x108;
	_ =	swait.ge @!p0 [sflag:s8], $0x0  }
0x24: {  	s3 =	sadd.s32 $0x88, s3;
	s6 =	simm.s32 @!p1 $0x1082;
	[sflag:s4] =	ssyncset.s32 $0xFFFFF086  }
0x25: {  	[simem:s6], [sflag:s4] =	dma.local [hbm:s3], $0xF7A  }
0x26: {  	[smem:$0x3F8B] =	sst s1;
	(tag) =	ssettag s2;
	_ =	strace s9  }
0x27: {  	s1 =	sld [smem:$0x3F9B]  }
0x28: {  	s2 =	sld [smem:$0x3F9C]  }
0x29: {  	s4 =	sld [smem:$0x3F9E]  }
0x2a: {  	p0 =	seq.s32 s5, $0x0;
	s5 =	sld [smem:$0x3F9F]  }
0x2b: {  	s6 =	sld [smem:$0x3FA0]  }
0x2c: {  	s7 =	sld [smem:$0x3FA1]  }
0x2d: {  	s3 =	simm.s32 $0x108;
	s8 =	sld [smem:$0x3FA2]  }
0x2e: {  	s3 =	simm.s32 @!p0 $0x1082;
	s9 =	sld [smem:$0x3FA3]  }
0x2f: {  	lr =	sadd.s32 s0, s3;
	s0 =	sld [smem:$0x3F9A]  }
0x30: {  	s3 =	sld [smem:$0x3F9D]  }
0x31: {  	[smem:$0x3FA6] =	sst s10  }
0x32: {  	s10 =	sld [smem:$0x3FA4];
	_ =	sdelay $0x3  }
0x33: {  	p0 =	seq.s32 s10, $0x1;
	s10 =	sld [smem:$0x3FA6];
	_ =	sdelay $0x3  }
0x34: {  	[smem:$0x3FA6] =	sst s10  }
0x35: {  	s10 =	sld [smem:$0x3FA5];
	_ =	sdelay $0x3  }
0x36: {  	p1 =	seq.s32 s10, $0x1;
	s10 =	sld [smem:$0x3FA6];
	_ =	sdelay $0x3  }
0x37: {  	[smem:$0x3FA6] =	sst s10  }
0x38: {  	s10 =	sld [smem:$0x3FA7]  }
0x39: {  	_ = 	snop;
	(pc) =	sbr.ind lr, $3  }
0x3a: {  	_ = 	snop  }
0x3b: {  	_ = 	snop  }
0x3c: {  	p2 =	seq.s32 s10, $0x1;
	s10 =	sld [smem:$0x3FA6]  }
0x3d: {  	_ =	shalt  }
0x3e: {  	_ =	shalt  }
0x3f: {  	_ =	shalt  }
0x40: {  	_ =	shalt  }
0x41: {  	_ =	shalt  }
0x42: {  	_ =	shalt  }
0x43: {  	_ =	shalt  }
0x44: {  	_ =	shalt  }
0x45: {  	_ =	shalt  }
0x46: {  	_ =	shalt  }
0x47: {  	_ =	shalt  }
0x48: {  	_ =	shalt  }
0x49: {  	_ =	shalt  }
0x4a: {  	_ =	shalt  }
0x4b: {  	_ =	shalt  }
0x4c: {  	_ =	shalt  }
0x4d: {  	_ =	shalt  }
0x4e: {  	_ =	shalt  }
0x4f: {  	_ =	shalt  }
0x50: {  	_ =	shalt  }
0x51: {  	_ =	shalt  }
0x52: {  	_ =	shalt  }
0x53: {  	_ =	shalt  }
0x54: {  	_ =	shalt  }
0x55: {  	_ =	shalt  }
0x56: {  	_ =	shalt  }
0x57: {  	_ =	shalt  }
0x58: {  	_ =	shalt  }
0x59: {  	_ =	shalt  }
0x5a: {  	_ =	shalt  }
0x5b: {  	_ =	shalt  }
0x5c: {  	_ =	shalt  }
0x5d: {  	_ =	shalt  }
0x5e: {  	_ =	shalt  }
0x5f: {  	_ =	shalt  }
0x60: {  	_ =	shalt  }
0x61: {  	_ =	shalt  }
0x62: {  	_ =	shalt  }
0x63: {  	_ =	shalt  }
0x64: {  	_ =	shalt  }
0x65: {  	_ =	shalt  }
0x66: {  	_ =	shalt  }
0x67: {  	_ =	shalt  }
0x68: {  	_ =	shalt  }
0x69: {  	_ =	shalt  }
0x6a: {  	_ =	shalt  }
0x6b: {  	_ =	shalt  }
0x6c: {  	_ =	shalt  }
0x6d: {  	_ =	shalt  }
0x6e: {  	_ =	shalt  }
0x6f: {  	_ =	shalt  }
0x70: {  	_ =	shalt  }
0x71: {  	_ =	shalt  }
0x72: {  	_ =	shalt  }
0x73: {  	_ =	shalt  }
0x74: {  	_ =	shalt  }
0x75: {  	_ =	shalt  }
0x76: {  	_ =	shalt  }
0x77: {  	_ =	shalt  }
0x78: {  	_ =	shalt  }
0x79: {  	_ =	shalt  }
0x7a: {  	_ =	shalt  }
0x7b: {  	_ =	shalt  }
0x7c: {  	_ =	shalt  }
0x7d: {  	_ =	shalt  }
0x7e: {  	_ =	shalt  }
0x7f: {  	_ =	shalt  }
0x80: {  	_ =	shalt  }
0x81: {  	_ =	shalt  }
0x82: {  	_ =	shalt  }
0x83: {  	_ =	shalt  }
0x84: {  	_ =	shalt  }
0x85: {  	_ =	shalt  }
0x86: {  	_ =	shalt  }
0x87: {  	_ =	shalt  }
.Lfunc_end0:
.L_simem_size_0:
called_computation_lowered:
.L_overlay_start_0:
0x88: {  	s2 =	sld [smem:$0x3FD9]  }
0x89: {  	s3 =	sld [smem:$0x3FFE];
	_ =	sdelay $0x1  }
0x8a: {  	s1 =	srdreg.scid  }
0x8b: {  	s0 =	sand.u32 $0x1, s1  }
0x8c: {  	s14 =	sshll.u32 s0, $0xA;
	s2 =	sadd.s32 s3, s2  }
0x8d: {  	s2 =	sadd.s32 s2, s14  }
0x8e: {  	[smem:$0x3FB2] =	sst s2  }
0x8f: {  	_ = 	snop  }
0x90: {  	s2 =	sld [smem:$0x3FD0];
	_ =	sdelay $0x2  }
0x91: {  	s15 =	simm.s32 $0xB;
	s4 =	simm.s32 $0x10  }
0x92: {  	[smem:s4], [sflag:s15] =	dma.local [hbm:s2], $0x1  }
0x93: {  	_ =	swait.eq [sflag:s15], $0x1  }
0x94: {  	[sflag:s15] =	ssyncset.done $0x0  }
0x95: {  	[sflag:s15] =	ssyncadd.s32 $0xFFFFFFFF  }
0x96: {  	s16 =	sld [smem:$0x10];
	(tm) =	ssettm $0x1  }
0x97: {  	s17 =	sld [smem:$0x3FFB];
	_ =	sdelay $0x3  }
0x98: {  	_ =	strace s17  }
0x99: {  	s3 =	sld [smem:$0x3FFC];
	_ =	sdelay $0x3  }
0x9a: {  	_ =	strace s3  }
0x9b: {  	s3 =	sld [smem:$0x3FFD];
	_ =	sdelay $0x3  }
0x9c: {  	_ =	strace s3  }
0x9d: {  	_ =	strace $0x8FFFFFFF  }
0x9e: {  	s18 =	sld [smem:$0x3FDB];
	_ =	sdelay $0x1  }
0x9f: {  	s19 =	simm.s32 $_scs_section_size  }
0xa0: {  	s5 =	simm.s32 $_size__tile_overlayer_lowered;
	s6 =	simm.s32 $_tile_overlayer_lowered  }
0xa1: {  	s22 =	simm.s32 $0x1BFF;
	s21 =	sshll.u32 s6, $0x1;
	s3 =	sadd.s32 s19, s18  }
0xa2: {  	s7 =	simm.s32 $0x0;
	s20 =	sshll.u32 s5, $0x1;
	s5 =	sadd.s32 s21, s3  }
0xa3: {  	[timem:s7], [sflag:s22] =	dma.local [hbm:s5], s20  }
0xa4: {  	_ =	swait.ge [sflag:s22], s20  }
0xa5: {  	s4 =	ssub.s32 $0x0, s20;
	[sflag:s22] =	ssyncset.done $0x0  }
0xa6: {  	[sflag:s22] =	ssyncadd.s32 s4;
	_ =	sdelay $0x1  }
0xa7: {  	s23 =	simm.s32 $0x1B8B  }
0xa8: {  	_ =	swait.ge [sflag:s23], $0x1  }
0xa9: {  	[sflag:s23] =	ssyncset.done $0x0  }
0xaa: {  	s25 =	simm.s32 $0x1B8E;
	s24 =	sld [smem:$0x3FFE];
	[sflag:s23] =	ssyncadd.s32 $0xFFFFFFFF  }
0xab: {  	s26 =	simm.s32 $execute0_lowered;
	[smem:$0x3FD2] =	sst s25  }
0xac: {  	s5 =	sshll.u32 s26, $0x1;
	_ =	strace $0x80000046;
	[dreg:$0x1] =	wrdreg $0xFFFFFFFF  }
0xad: {  	s28 =	simm.s32 $_size_execute0_lowered;
	s3 =	sadd.s32 s3, s5;
	[dreg:$0x0] =	wrdreg $0x0  }
0xae: {  	s5 =	sshll.u32 s28, $0x1;
	[dreg:$0x2] =	wrdreg s3  }
0xaf: {  	[dreg:$0x3] =	wrdreg s5  }
0xb0: {  	[dreg:$0x4] =	wrdreg $0xC0  }
0xb1: {  	_ =	task [dreg:s7], $0x5FFFF  }
0xb2: {  	[dreg:$0x1] =	wrdreg $0xFFFFFFFF  }
0xb3: {  	[dreg:$0x0] =	wrdreg $0x60  }
0xb4: {  	[dreg:$0x2] =	wrdreg s24  }
0xb5: {  	[dreg:$0x3] =	wrdreg s16  }
0xb6: {  	[dreg:$0x4] =	wrdreg $0x9  }
0xb7: {  	_ =	task.clear_ibuf [dreg:s7], $0x5FFFF;
	_ =	strace $0x90000046  }
0xb8: {  	s29 =	simm.s32 $0x9;
	_ =	strace $0x80000048  }
0xb9: {  	_ =	swait.ge [sflag:s29], $0x1  }
0xba: {  	[sflag:s29] =	ssyncadd.s32 $0xFFFFFFFF  }
0xbb: {  	_ =	strace $0x90000048  }
0xbc: {  	_ =	sfence  }
0xbd: {  	s30 =	sld [smem:$0x0];
	_ =	sdelay $0x2  }
0xbe: {  	s31 =	sshll.u32 s1, $0xD;
	s1 =	sshrl.u32 s1, $0x2  }
0xbf: {  	s3 =	sand.u32 $0x4000, s31;
	s1 =	sadd.s32 s1, s30  }
0xc0: {  	s0 =	sor.u32 s3, s0;
	s1 =	sshll.u32 s1, $0x11  }
0xc1: {  	s0 =	sor.u32 s1, s0  }
0xc2: {  	s0 =	sadd.s32 $0x8F2B, s0  }
0xc3: {  	[sflag:s0] =	ssyncadd.remote.s32 $0x1  }
0xc4: {  	_ =	sfence.sel $0xFFFF  }
0xc5: {  	[dreg:$0x0] =	wrdreg $0xFFFFFFFF;
	(pc) =	sbr.abs _section_cstart, $3  }
0xc6: {  	[dreg:$0x1] =	wrdreg $0xFFFFFFFF  }
0xc7: {  	_ =	task.clear_ibuf [dreg:s7], $0x2FFFF;
	_ =	strace $0x9FFFFFFF  }
0xc8: {  	(tm) =	ssettm $0x7FFFFFFF  }
0xc9: {  	_ =	shalt  }
tec
execute0_lowered:
.L_overlay_start_1:
0x0: {  	(tag) =	ssettag $0x1  }
0x1: {  	s5 =	rddreg [dreg:$0x0]  }
0x2: {  	s1 =	rddreg [dreg:$0x1]  }
0x3: {  	s0 =	rddreg [dreg:$0x2];
	s2 =	simm.s32 $0x0;
	s3 =	srdreg.scid  }
0x4: {  	s10 =	simm.s32 $0x140;
	s11 =	simm.s32 $0x3D40;
	s12 =	simm.s32 $0x80  }
0x5: {  	s13 =	simm.s32 $0x7940;
	s14 =	simm.s32 $0xC0;
	s15 =	simm.s32 $0xB540  }
0x6: {  	s16 =	simm.s32 $0x100;
	s17 =	simm.s32 $0xF140;
	s18 =	simm.s32 $0x1  }
0x7: {  	s19 =	simm.s32 $0x12D40;
	s20 =	simm.s32 $0x0;
	s28 =	simm.s32 $0x0  }
0x8: {  	[smem:$0x7FF] =	sst s2;
	s6 =	sand.u32 $0x1, s3;
	s3 =	stileid.u32  }
0x9: {  	s4 =	sadd.s32 $0x5800, s5;
	s5 =	sadd.s32 $0x4EC00, s5;
	s7 =	ssub.s32 $0x2, s6  }
0xa: {  	_ =	strace $0x80000047;
	s9 =	sshll.u32 s3, $0x1;
	s8 =	sshrl.u32 s7, $0x1  }
0xb: {  	s6 =	sor.u32 s6, s9;
	s9 =	simm.s32 $0x40;
	s7 =	ssub.s32 s7, s8  }
0xc: {  	s6 =	smul.u32 $0x140, s6;
	s8 =	simm.s32 $0x2;
	s7 =	smax.u32 s7, $0x1  }
.LBB2_1:
0xd: {  	s21 =	simm.s32 $0x0  }
.LBB2_2:
0xe: {  	s22 =	sshll.u32 s21, $0x4  }
0xf: {  	s22 =	sadd.s32 s6, s22  }
0x10: {  	s23 =	smul.u32 $0x14, s22;
	_ =	sdelay $0x1  }
0x11: {  	s23 =	sshrl.u32 s23, $0x3  }
0x12: {  	s24 =	sadd.s32 s5, s23;
	s23 =	simm.s32 $0x0  }
0x13: {  	[tilespmem:s23], [sflag:$0x2] =	stream.linear.gather [hbm4b:s24+s23], $0x140, $0x38;
	[tilespmem:$0x13C40] =	vst v63  }
0x14: {  	_ =	swait.ge [sflag:s8], $0x140  }
0x15: {  	[sflag:s8] =	ssyncset.done $0x0  }
0x16: {  	[sflag:s8] =	ssyncadd.s32 $0xFFFFFEC0  }
0x17: {  	[tilespmem:s10], [sflag:$0x1] =	stream.indirect.gather [hbm4b:s4+s9], $0xF0, s23, s9, $0xb8;
	[tilespmem:$0x13C40] =	vst v63  }
0x18: {  	_ = 	snop  }
0x19: {  	[tilespmem:s11], [sflag:$0x1] =	stream.indirect.gather [hbm4b:s4+s9], $0xF0, s9, s9, $0xb8;
	[tilespmem:$0x13C40] =	vst v63  }
0x1a: {  	_ = 	snop  }
0x1b: {  	[tilespmem:s13], [sflag:$0x1] =	stream.indirect.gather [hbm4b:s4+s9], $0xF0, s12, s9, $0xb8;
	[tilespmem:$0x13C40] =	vst v63  }
0x1c: {  	_ = 	snop  }
0x1d: {  	[tilespmem:s15], [sflag:$0x1] =	stream.indirect.gather [hbm4b:s4+s9], $0xF0, s14, s9, $0xb8;
	[tilespmem:$0x13C40] =	vst v63  }
0x1e: {  	_ = 	snop  }
0x1f: {  	[tilespmem:s17], [sflag:$0x1] =	stream.indirect.gather [hbm4b:s4+s9], $0xF0, s16, s9, $0xb8;
	[tilespmem:$0x13C40] =	vst v63  }
0x20: {  	_ =	swait.ge [sflag:s18], $0x3C00  }
0x21: {  	[sflag:s18] =	ssyncset.done $0x0  }
0x22: {  	[sflag:s18] =	ssyncadd.s32 $0xFFFFC400  }
0x23: {  	_ =	swait.ge [sflag:s18], $0x3C00  }
0x24: {  	[sflag:s18] =	ssyncset.done $0x0  }
0x25: {  	[sflag:s18] =	ssyncadd.s32 $0xFFFFC400  }
0x26: {  	_ =	swait.ge [sflag:s18], $0x3C00  }
0x27: {  	[sflag:s18] =	ssyncset.done $0x0  }
0x28: {  	[sflag:s18] =	ssyncadd.s32 $0xFFFFC400  }
0x29: {  	_ =	swait.ge [sflag:s18], $0x3C00  }
0x2a: {  	[sflag:s18] =	ssyncset.done $0x0  }
0x2b: {  	[sflag:s18] =	ssyncadd.s32 $0xFFFFC400  }
0x2c: {  	_ =	swait.ge [sflag:s18], $0x3C00  }
0x2d: {  	[sflag:s18] =	ssyncset.done $0x0  }
0x2e: {  	s24 =	simm.s32 $0x1B0;
	[sflag:s18] =	ssyncadd.s32 $0xFFFFC400  }
.LBB2_3:
0x2f: {  	v1 =	vmov s24;
	_ =	sdelay $0x4  }
0x30: {  	v0 =	vld.idx.msk [tilespmem:v1+s28+$0x70 ss:$0x1], $0xffff  }
0x31: {  	v3 =	vld.idx.msk [tilespmem:v1+s28+$0xFFFFFF90 ss:$0x1], $0xffff  }
0x32: {  	v4 =	vld.idx.msk [tilespmem:v1+s28+$0xFFFFFFA0 ss:$0x1], $0xffff  }
0x33: {  	v5 =	vld.idx.msk [tilespmem:v1+s28+$0xFFFFFFB0 ss:$0x1], $0xffff  }
0x34: {  	v6 =	vld.idx.msk [tilespmem:v1+s28+$0xFFFFFFC0 ss:$0x1], $0xffff  }
0x35: {  	v7 =	vld.idx.msk [tilespmem:v1+s28+$0xFFFFFFD0 ss:$0x1], $0xffff  }
0x36: {  	v8 =	vld.idx.msk [tilespmem:v1+s28+$0xFFFFFFE0 ss:$0x1], $0xffff  }
0x37: {  	v9 =	vld.idx.msk [tilespmem:v1+s28+$0xFFFFFFF0 ss:$0x1], $0xffff  }
0x38: {  	v2 =	vimm.f32 $0.0e+00;
	v18 =	vld.idx.msk [tilespmem:v1+s28+$0x0 ss:$0x1], $0xffff  }
0x39: {  	v21 =	vld.idx.msk [tilespmem:v1+s28+$0x10 ss:$0x1], $0xffff;
	v0 =	vadd.f32 v0, v2;
	v14 =	vadd.f32 v3, v2  }
0x3a: {  	v20 =	vld.idx.msk [tilespmem:v1+s28+$0x20 ss:$0x1], $0xffff;
	v15 =	vadd.f32 v4, v2;
	v13 =	vadd.f32 v5, v2  }
0x3b: {  	v19 =	vld.idx.msk [tilespmem:v1+s28+$0x30 ss:$0x1], $0xffff;
	v12 =	vadd.f32 v6, v2;
	v11 =	vadd.f32 v7, v2  }
0x3c: {  	v17 =	vld.idx.msk [tilespmem:v1+s28+$0x40 ss:$0x1], $0xffff;
	v10 =	vadd.f32 v8, v2;
	v9 =	vadd.f32 v9, v2  }
0x3d: {  	v16 =	vld.idx.msk [tilespmem:v1+s28+$0x50 ss:$0x1], $0xffff;
	v7 =	vadd.f32 v18, v2;
	v8 =	vimm.f32 $0.0e+00;
	v5 =	vimm.f32 $0.0e+00  }
0x3e: {  	s25 =	simm.s32 $0xF0;
	s26 =	simm.s32 $0x780;
	v18 =	vld.idx.msk [tilespmem:v1+s28+$0x60 ss:$0x1], $0xffff;
	v6 =	vimm.f32 $0.0e+00;
	v4 =	vimm.f32 $0.0e+00;
	v3 =	vimm.f32 $0.0e+00  }
.LBB2_4:
0x3f: {  	p0 =	sne.s32 s26, $0x4740;
	v22 =	vld.idx.msk [tilespmem:v1+s25+$0x70 ss:$0x1], $0xffff;
	v2 =	vadd.f32 v21, v2  }
0x40: {  	v8 =	vadd.f32 v20, v8;
	v21 =	vld.idx.msk [tilespmem:v1+s25+$0xFFFFFF90 ss:$0x1], $0xffff  }
0x41: {  	v5 =	vadd.f32 v19, v5;
	v20 =	vld.idx.msk [tilespmem:v1+s25+$0xFFFFFFA0 ss:$0x1], $0xffff  }
0x42: {  	v6 =	vadd.f32 v17, v6;
	v19 =	vld.idx.msk [tilespmem:v1+s25+$0xFFFFFFB0 ss:$0x1], $0xffff  }
0x43: {  	v4 =	vadd.f32 v16, v4;
	v17 =	vld.idx.msk [tilespmem:v1+s25+$0xFFFFFFC0 ss:$0x1], $0xffff  }
0x44: {  	v3 =	vadd.f32 v18, v3;
	v16 =	vld.idx.msk [tilespmem:v1+s25+$0xFFFFFFD0 ss:$0x1], $0xffff  }
0x45: {  	v0 =	vadd.f32 v22, v0;
	v18 =	vld.idx.msk [tilespmem:v1+s25+$0xFFFFFFE0 ss:$0x1], $0xffff  }
0x46: {  	v14 =	vadd.f32 v21, v14;
	v22 =	vld.idx.msk [tilespmem:v1+s25+$0xFFFFFFF0 ss:$0x1], $0xffff  }
0x47: {  	v15 =	vadd.f32 v20, v15;
	v23 =	vld.idx.msk [tilespmem:v1+s25+$0x0 ss:$0x1], $0xffff  }
0x48: {  	v13 =	vadd.f32 v19, v13;
	v21 =	vld.idx.msk [tilespmem:v1+s25+$0x10 ss:$0x1], $0xffff  }
.Ltmp0:
0x49: {  	v12 =	vadd.f32 v17, v12;
	v20 =	vld.idx.msk [tilespmem:v1+s25+$0x20 ss:$0x1], $0xffff;
	(pc) =	sbr.rel @p0 .LBB2_4-.Ltmp0, $4  }
0x4a: {  	v11 =	vadd.f32 v16, v11;
	v19 =	vld.idx.msk [tilespmem:v1+s25+$0x30 ss:$0x1], $0xffff  }
0x4b: {  	v10 =	vadd.f32 v18, v10;
	v17 =	vld.idx.msk [tilespmem:v1+s25+$0x40 ss:$0x1], $0xffff  }
0x4c: {  	v9 =	vadd.f32 v22, v9;
	v16 =	vld.idx.msk [tilespmem:v1+s25+$0x50 ss:$0x1], $0xffff  }
0x4d: {  	v7 =	vadd.f32 v23, v7;
	v18 =	vld.idx.msk [tilespmem:v1+s25+$0x60 ss:$0x1], $0xffff;
	s25 =	sshra.s32 s26, $0x2;
	s26 =	sadd.s32 $0x3C0, s26  }
0x4e: {  	_ =	sdelay $0x3  }
0x4f: {  	v22 =	vld.idx.msk [tilespmem:v1+s25+$0x70 ss:$0x1], $0xffff  }
0x50: {  	v23 =	vld.idx.msk [tilespmem:v1+s25+$0xFFFFFF90 ss:$0x1], $0xffff  }
0x51: {  	v24 =	vld.idx.msk [tilespmem:v1+s25+$0xFFFFFFA0 ss:$0x1], $0xffff  }
0x52: {  	v25 =	vld.idx.msk [tilespmem:v1+s25+$0xFFFFFFB0 ss:$0x1], $0xffff  }
0x53: {  	v26 =	vld.idx.msk [tilespmem:v1+s25+$0xFFFFFFC0 ss:$0x1], $0xffff  }
0x54: {  	v27 =	vld.idx.msk [tilespmem:v1+s25+$0xFFFFFFD0 ss:$0x1], $0xffff  }
0x55: {  	v28 =	vld.idx.msk [tilespmem:v1+s25+$0xFFFFFFE0 ss:$0x1], $0xffff  }
0x56: {  	v29 =	vld.idx.msk [tilespmem:v1+s25+$0xFFFFFFF0 ss:$0x1], $0xffff  }
0x57: {  	v30 =	vld.idx.msk [tilespmem:v1+s25+$0x0 ss:$0x1], $0xffff  }
0x58: {  	v31 =	vld.idx.msk [tilespmem:v1+s25+$0x10 ss:$0x1], $0xffff  }
0x59: {  	v32 =	vld.idx.msk [tilespmem:v1+s25+$0x20 ss:$0x1], $0xffff;
	v14 =	vadd.f32 v23, v14  }
0x5a: {  	v56 =	vld.idx.msk [tilespmem:v1+s25+$0x30 ss:$0x1], $0xffff;
	s26 =	smul.u32 $0x3C0, s23;
	v15 =	vadd.f32 v24, v15  }
0x5b: {  	v57 =	vld.idx.msk [tilespmem:v1+s25+$0x40 ss:$0x1], $0xffff;
	v13 =	vadd.f32 v25, v13;
	v14 =	vmul.f32 $5.000000070e-02, v14  }
0x5c: {  	v58 =	vld.idx.msk [tilespmem:v1+s25+$0x50 ss:$0x1], $0xffff;
	s31 =	sshra.s32 s26, $0x2;
	v12 =	vadd.f32 v26, v12;
	v15 =	vmul.f32 $5.000000070e-02, v15  }
0x5d: {  	v59 =	vld.idx.msk [tilespmem:v1+s25+$0x60 ss:$0x1], $0xffff;
	v11 =	vadd.f32 v27, v11;
	v13 =	vmul.f32 $5.000000070e-02, v13;
	[tilespmem:s31+$0x12D40] =	vst v14  }
0x5e: {  	v10 =	vadd.f32 v28, v10;
	v12 =	vmul.f32 $5.000000070e-02, v12;
	[tilespmem:s31+$0x12D50] =	vst v15  }
0x5f: {  	v2 =	vadd.f32 v21, v2;
	v9 =	vadd.f32 v29, v9;
	v11 =	vmul.f32 $5.000000070e-02, v11;
	[tilespmem:s31+$0x12D60] =	vst v13  }
0x60: {  	v8 =	vadd.f32 v20, v8;
	v7 =	vadd.f32 v30, v7;
	v10 =	vmul.f32 $5.000000070e-02, v10;
	[tilespmem:s31+$0x12D70] =	vst v12  }
0x61: {  	v5 =	vadd.f32 v19, v5;
	v2 =	vadd.f32 v31, v2;
	v9 =	vmul.f32 $5.000000070e-02, v9;
	[tilespmem:s31+$0x12D80] =	vst v11  }
0x62: {  	v6 =	vadd.f32 v17, v6;
	v8 =	vadd.f32 v32, v8;
	v7 =	vmul.f32 $5.000000070e-02, v7;
	[tilespmem:s31+$0x12D90] =	vst v10  }
0x63: {  	v4 =	vadd.f32 v16, v4;
	v5 =	vadd.f32 v56, v5;
	v2 =	vmul.f32 $5.000000070e-02, v2;
	[tilespmem:s31+$0x12DA0] =	vst v9  }
0x64: {  	v6 =	vadd.f32 v57, v6;
	v60 =	vmul.f32 $5.000000070e-02, v8;
	[tilespmem:s31+$0x12DB0] =	vst v7  }
0x65: {  	s23 =	sadd.s32 $0x1, s23;
	v3 =	vadd.f32 v18, v3;
	v4 =	vadd.f32 v58, v4;
	v61 =	vmul.f32 $5.000000070e-02, v5;
	[tilespmem:s31+$0x12DC0] =	vst v2  }
0x66: {  	p0 =	sne.s32 s23, $0x10;
	v0 =	vadd.f32 v22, v0;
	v62 =	vmul.f32 $5.000000070e-02, v6;
	[tilespmem:s31+$0x12DD0] =	vst v60  }
.Ltmp1:
0x67: {  	v1 =	vadd.f32 v59, v3;
	v63 =	vmul.f32 $5.000000070e-02, v4;
	[tilespmem:s31+$0x12DE0] =	vst v61;
	(pc) =	sbr.rel @p0 .LBB2_3-.Ltmp1, $4  }
0x68: {  	v0 =	vmul.f32 $5.000000070e-02, v0;
	[tilespmem:s31+$0x12DF0] =	vst v62  }
0x69: {  	v1 =	vmul.f32 $5.000000070e-02, v1;
	[tilespmem:s31+$0x12E00] =	vst v63  }
0x6a: {  	[tilespmem:s31+$0x12E20] =	vst v0  }
0x6b: {  	s24 =	sadd.s32 $0x12C0, s24;
	[tilespmem:s31+$0x12E10] =	vst v1  }
0x6c: {  	s22 =	smul.u32 $0x1E, s22;
	s21 =	sadd.s32 $0x1, s21  }
0x6d: {  	p0 =	sne.s32 s21, $0x14  }
.Ltmp2:
0x6e: {  	s22 =	sadd.s32 s1, s22;
	(pc) =	sbr.rel @p0 .LBB2_2-.Ltmp2, $4  }
0x6f: {  	[hbm4b:s22+s2] =	stream.linear.scatter [tilespmem:s19], [sflag:$0x2], $0xF00, $0x38;
	[tilespmem:$0x13C40] =	vst v63  }
0x70: {  	_ =	swait.ge [sflag:s8], $0xF00  }
0x71: {  	[sflag:s8] =	ssyncset.done $0x0  }
0x72: {  	[sflag:s8] =	ssyncadd.s32 $0xFFFFF100  }
0x73: {  	s20 =	sadd.s32 $0x1, s20  }
0x74: {  	p0 =	sne.s32 s20, s7  }
.Ltmp3:
0x75: {  	_ = 	snop;
	(pc) =	sbr.rel @p0 .LBB2_1-.Ltmp3, $1  }
0x76: {  	_ =	sdelay $0x3  }
0x77: {  	_ =	sfence.sel $0x180000  }
0x78: {  	[bflag:$0x0] =	sbarrier.arrive $0xFFFF  }
0x79: {  	p0 =	sne.s32 s3, $0x0;
	_ =	strace $0x90000047  }
0x7a: {  	s0 =	sadd.s32 @!p0 $0x100000, s0;
	[bflag:$0x2] =	sbarrier.arrive $0xFFFF  }
0x7b: {  	[sflag:s0] =	ssyncadd.tile.s32 @!p0 $0x1;
	_ =	shalt  }
.Lfunc_end2:
_tile_overlayer_lowered:
.L_overlay_start_2:
0x7c: {  	(tag) =	ssettag $0x2  }
0x7d: {  	s0 =	rddreg [dreg:$0x0];
	s2 =	stileid.u32  }
0x7e: {  	s1 =	rddreg [dreg:$0x1];
	p0 =	sne.s32 s2, $0x0  }
0x7f: {  	s3 =	rddreg [dreg:$0x2];
	[bflag:$0x3] =	sbarrier.arrive $0xFFFF;
	s2 =	simm.s32 @!p0 $0x1C02  }
0x80: {  	[timem:s3], [sflag:s2] =	dma.local @!p0 [hbm:s0], s1  }
0x81: {  	s0 =	simm.s32 @!p0 $0x2  }
0x82: {  	_ =	swait.ge @!p0 [sflag:s0], s1  }
0x83: {  	s1 =	ssub.s32 @!p0 $0x0, s1;
	[sflag:s0] =	ssyncset.done @!p0 $0x0  }
0x84: {  	[sflag:s0] =	ssyncadd.s32 @!p0 s1  }
0x85: {  	[bflag:$0x3] =	sbarrier.arrive $0xFFFF  }
0x86: {  	_ =	shalt  }

// kernel: kernel.13.cloned.1.call-start
scs
__scs_entry_jumppad:
0x0: {  	(pc) =	sbr.rel $0x88, $3  }
0x1: {  	(tag) =	ssettag $0x0;
	lr =	simm.s32 $0x1  }
0x2: {  	[smem:$0x3F8B] =	sst lr;
	_ =	strace $0xD0000000  }
0x3: {  	_ = 	snop  }
0x4: {  	_ = 	snop  }
0x5: {  	_ = 	snop  }
0x6: {  	_ = 	snop  }
0x7: {  	_ = 	snop  }
__scs_overlays_trampoline_lowered:
0x8: {  	[smem:$0x3F9A] =	sst s0  }
0x9: {  	[smem:$0x3F9B] =	sst s1  }
0xa: {  	[smem:$0x3F9C] =	sst s2  }
0xb: {  	[smem:$0x3F9D] =	sst s3  }
0xc: {  	[smem:$0x3F9E] =	sst s4  }
0xd: {  	[smem:$0x3F9F] =	sst s5  }
0xe: {  	[smem:$0x3FA0] =	sst s6  }
0xf: {  	[smem:$0x3FA1] =	sst s7  }
0x10: {  	[smem:$0x3FA2] =	sst s8  }
0x11: {  	[smem:$0x3FA3] =	sst s9;
	s0 =	simm.s32 @!p0 $0x0  }
0x12: {  	s1 =	sld [smem:$0x3F89];
	s0 =	simm.s32 @p0 $0x1  }
0x13: {  	[smem:$0x3FA4] =	sst s0;
	s0 =	simm.s32 @!p1 $0x0  }
0x14: {  	s2 =	sld [smem:$0x3F88];
	s0 =	simm.s32 @p1 $0x1  }
0x15: {  	[smem:$0x3FA5] =	sst s0;
	s0 =	simm.s32 @!p2 $0x0  }
0x16: {  	s3 =	sld [smem:$0x3FDB];
	s0 =	simm.s32 @p2 $0x1  }
0x17: {  	s4 =	simm.s32 $0x1BF5;
	[smem:$0x3FA7] =	sst s0  }
0x18: {  	s0 =	sld [smem:$0x3F8A];
	_ =	swait.ge [sflag:s4], $0x0  }
0x19: {  	s7 =	sld [smem:$0x3F8B]  }
0x1a: {  	s8 =	sadd.s32 $0xFFFFE003, lr  }
0x1b: {  	s9 =	sadd.s32 $0xFFFFFEF7, lr;
	s5 =	simm.s32 $0xFFFFFFFF;
	p2 =	slt.u32 s8, $0xFFFFF086  }
0x1c: {  	p1 =	slt.u32 s9, $0xF7A;
	s5 =	simm.s32 @!p2 $0x0  }
0x1d: {  	s5 =	simm.s32 @p1 $0x1;
	p0 =	seq.s32 s7, s2  }
0x1e: {  	s7 =	smul.u32 @!p0 $0xF7A, s2;
	p2 =	seq.s32 @!p0 s5, $0x0  }
0x1f: {  	s9 =	smul.u32 $0xF7A, s1;
	s8 =	simm.s32 @!p0 $0x1BF5;
	p2 =	por !p2, p0  }
0x20: {  	[sflag:s8] =	ssyncset.s32 @!p0 $0xFFFFF086;
	s6 =	sadd.s32 @!p0 s3, s7;
	s7 =	simm.s32 @!p0 $0x108  }
0x21: {  	s3 =	sadd.s32 s3, s9;
	s6 =	sadd.s32 @!p0 $0x88, s6;
	s7 =	simm.s32 @p2 $0x1082  }
0x22: {  	[simem:s7], [sflag:s8] =	dma.local @!p0 [hbm:s6], $0xF7A  }
0x23: {  	s9 =	sor.u32 $0xD0000000, s2;
	s6 =	simm.s32 $0x108;
	_ =	swait.ge @!p0 [sflag:s8], $0x0  }
0x24: {  	s3 =	sadd.s32 $0x88, s3;
	s6 =	simm.s32 @!p1 $0x1082;
	[sflag:s4] =	ssyncset.s32 $0xFFFFF086  }
0x25: {  	[simem:s6], [sflag:s4] =	dma.local [hbm:s3], $0xF7A  }
0x26: {  	[smem:$0x3F8B] =	sst s1;
	(tag) =	ssettag s2;
	_ =	strace s9  }
0x27: {  	s1 =	sld [smem:$0x3F9B]  }
0x28: {  	s2 =	sld [smem:$0x3F9C]  }
0x29: {  	s4 =	sld [smem:$0x3F9E]  }
0x2a: {  	p0 =	seq.s32 s5, $0x0;
	s5 =	sld [smem:$0x3F9F]  }
0x2b: {  	s6 =	sld [smem:$0x3FA0]  }
0x2c: {  	s7 =	sld [smem:$0x3FA1]  }
0x2d: {  	s3 =	simm.s32 $0x108;
	s8 =	sld [smem:$0x3FA2]  }
0x2e: {  	s3 =	simm.s32 @!p0 $0x1082;
	s9 =	sld [smem:$0x3FA3]  }
0x2f: {  	lr =	sadd.s32 s0, s3;
	s0 =	sld [smem:$0x3F9A]  }
0x30: {  	s3 =	sld [smem:$0x3F9D]  }
0x31: {  	[smem:$0x3FA6] =	sst s10  }
0x32: {  	s10 =	sld [smem:$0x3FA4];
	_ =	sdelay $0x3  }
0x33: {  	p0 =	seq.s32 s10, $0x1;
	s10 =	sld [smem:$0x3FA6];
	_ =	sdelay $0x3  }
0x34: {  	[smem:$0x3FA6] =	sst s10  }
0x35: {  	s10 =	sld [smem:$0x3FA5];
	_ =	sdelay $0x3  }
0x36: {  	p1 =	seq.s32 s10, $0x1;
	s10 =	sld [smem:$0x3FA6];
	_ =	sdelay $0x3  }
0x37: {  	[smem:$0x3FA6] =	sst s10  }
0x38: {  	s10 =	sld [smem:$0x3FA7]  }
0x39: {  	_ = 	snop;
	(pc) =	sbr.ind lr, $3  }
0x3a: {  	_ = 	snop  }
0x3b: {  	_ = 	snop  }
0x3c: {  	p2 =	seq.s32 s10, $0x1;
	s10 =	sld [smem:$0x3FA6]  }
0x3d: {  	_ =	shalt  }
0x3e: {  	_ =	shalt  }
0x3f: {  	_ =	shalt  }
0x40: {  	_ =	shalt  }
0x41: {  	_ =	shalt  }
0x42: {  	_ =	shalt  }
0x43: {  	_ =	shalt  }
0x44: {  	_ =	shalt  }
0x45: {  	_ =	shalt  }
0x46: {  	_ =	shalt  }
0x47: {  	_ =	shalt  }
0x48: {  	_ =	shalt  }
0x49: {  	_ =	shalt  }
0x4a: {  	_ =	shalt  }
0x4b: {  	_ =	shalt  }
0x4c: {  	_ =	shalt  }
0x4d: {  	_ =	shalt  }
0x4e: {  	_ =	shalt  }
0x4f: {  	_ =	shalt  }
0x50: {  	_ =	shalt  }
0x51: {  	_ =	shalt  }
0x52: {  	_ =	shalt  }
0x53: {  	_ =	shalt  }
0x54: {  	_ =	shalt  }
0x55: {  	_ =	shalt  }
0x56: {  	_ =	shalt  }
0x57: {  	_ =	shalt  }
0x58: {  	_ =	shalt  }
0x59: {  	_ =	shalt  }
0x5a: {  	_ =	shalt  }
0x5b: {  	_ =	shalt  }
0x5c: {  	_ =	shalt  }
0x5d: {  	_ =	shalt  }
0x5e: {  	_ =	shalt  }
0x5f: {  	_ =	shalt  }
0x60: {  	_ =	shalt  }
0x61: {  	_ =	shalt  }
0x62: {  	_ =	shalt  }
0x63: {  	_ =	shalt  }
0x64: {  	_ =	shalt  }
0x65: {  	_ =	shalt  }
0x66: {  	_ =	shalt  }
0x67: {  	_ =	shalt  }
0x68: {  	_ =	shalt  }
0x69: {  	_ =	shalt  }
0x6a: {  	_ =	shalt  }
0x6b: {  	_ =	shalt  }
0x6c: {  	_ =	shalt  }
0x6d: {  	_ =	shalt  }
0x6e: {  	_ =	shalt  }
0x6f: {  	_ =	shalt  }
0x70: {  	_ =	shalt  }
0x71: {  	_ =	shalt  }
0x72: {  	_ =	shalt  }
0x73: {  	_ =	shalt  }
0x74: {  	_ =	shalt  }
0x75: {  	_ =	shalt  }
0x76: {  	_ =	shalt  }
0x77: {  	_ =	shalt  }
0x78: {  	_ =	shalt  }
0x79: {  	_ =	shalt  }
0x7a: {  	_ =	shalt  }
0x7b: {  	_ =	shalt  }
0x7c: {  	_ =	shalt  }
0x7d: {  	_ =	shalt  }
0x7e: {  	_ =	shalt  }
0x7f: {  	_ =	shalt  }
0x80: {  	_ =	shalt  }
0x81: {  	_ =	shalt  }
0x82: {  	_ =	shalt  }
0x83: {  	_ =	shalt  }
0x84: {  	_ =	shalt  }
0x85: {  	_ =	shalt  }
0x86: {  	_ =	shalt  }
0x87: {  	_ =	shalt  }
.Lfunc_end0:
.L_simem_size_0:
called_computation.1_lowered:
.L_overlay_start_0:
0x88: {  	s2 =	sld [smem:$0x3FD9]  }
0x89: {  	s3 =	sld [smem:$0x3FFE];
	_ =	sdelay $0x1  }
0x8a: {  	s1 =	srdreg.scid  }
0x8b: {  	s0 =	sand.u32 $0x1, s1  }
0x8c: {  	s16 =	sshll.u32 s0, $0xA;
	s2 =	sadd.s32 s3, s2  }
0x8d: {  	s2 =	sadd.s32 s2, s16  }
0x8e: {  	[smem:$0x3FB2] =	sst s2  }
0x8f: {  	_ = 	snop  }
0x90: {  	(tm) =	ssettm $0x1  }
0x91: {  	s17 =	sld [smem:$0x3FFB];
	_ =	sdelay $0x3  }
0x92: {  	_ =	strace s17  }
0x93: {  	s2 =	sld [smem:$0x3FFC];
	_ =	sdelay $0x3  }
0x94: {  	_ =	strace s2  }
0x95: {  	s2 =	sld [smem:$0x3FFD];
	_ =	sdelay $0x3  }
0x96: {  	_ =	strace s2  }
0x97: {  	_ =	strace $0x8FFFFFFF  }
0x98: {  	s18 =	sld [smem:$0x3FDB];
	_ =	sdelay $0x1  }
0x99: {  	s19 =	simm.s32 $_scs_section_size  }
0x9a: {  	s4 =	simm.s32 $_size__tile_overlayer_lowered;
	s5 =	simm.s32 $_tile_overlayer_lowered  }
0x9b: {  	s22 =	simm.s32 $0x1BFF;
	s21 =	sshll.u32 s5, $0x1;
	s2 =	sadd.s32 s19, s18  }
0x9c: {  	s6 =	simm.s32 $0x0;
	s20 =	sshll.u32 s4, $0x1;
	s4 =	sadd.s32 s21, s2  }
0x9d: {  	[timem:s6], [sflag:s22] =	dma.local [hbm:s4], s20  }
0x9e: {  	_ =	swait.ge [sflag:s22], s20  }
0x9f: {  	s3 =	ssub.s32 $0x0, s20;
	[sflag:s22] =	ssyncset.done $0x0  }
0xa0: {  	[sflag:s22] =	ssyncadd.s32 s3;
	_ =	sdelay $0x1  }
0xa1: {  	s23 =	simm.s32 $0x1B8B  }
0xa2: {  	_ =	swait.ge [sflag:s23], $0x1  }
0xa3: {  	[sflag:s23] =	ssyncset.done $0x0  }
0xa4: {  	s25 =	simm.s32 $0x1B8E;
	s24 =	sld [smem:$0x3FFE];
	[sflag:s23] =	ssyncadd.s32 $0xFFFFFFFF  }
0xa5: {  	s26 =	simm.s32 $execute0_lowered;
	[smem:$0x3FD2] =	sst s25  }
0xa6: {  	s4 =	sshll.u32 s26, $0x1;
	_ =	strace $0x80000049;
	[dreg:$0x1] =	wrdreg $0xFFFFFFFF  }
0xa7: {  	s28 =	simm.s32 $_size_execute0_lowered;
	s2 =	sadd.s32 s2, s4;
	[dreg:$0x0] =	wrdreg $0x0  }
0xa8: {  	s4 =	sshll.u32 s28, $0x1;
	[dreg:$0x2] =	wrdreg s2  }
0xa9: {  	[dreg:$0x3] =	wrdreg s4  }
0xaa: {  	[dreg:$0x4] =	wrdreg $0xC0  }
0xab: {  	_ =	task [dreg:s6], $0x5FFFF  }
0xac: {  	[dreg:$0x1] =	wrdreg $0xFFFFFFFF  }
0xad: {  	[dreg:$0x0] =	wrdreg $0x60  }
0xae: {  	[dreg:$0x2] =	wrdreg s24  }
0xaf: {  	[dreg:$0x3] =	wrdreg $0x9  }
0xb0: {  	_ =	task.clear_ibuf [dreg:s6], $0x4FFFF;
	_ =	strace $0x90000049  }
0xb1: {  	s29 =	simm.s32 $0x9;
	_ =	strace $0x8000004B  }
0xb2: {  	_ =	swait.ge [sflag:s29], $0x1  }
0xb3: {  	[sflag:s29] =	ssyncadd.s32 $0xFFFFFFFF  }
0xb4: {  	_ =	strace $0x9000004B  }
0xb5: {  	_ =	sfence  }
0xb6: {  	s30 =	sld [smem:$0x0];
	_ =	sdelay $0x2  }
0xb7: {  	s31 =	sshll.u32 s1, $0xD;
	s1 =	sshrl.u32 s1, $0x2  }
0xb8: {  	s3 =	sand.u32 $0x4000, s31;
	s1 =	sadd.s32 s1, s30  }
0xb9: {  	s0 =	sor.u32 s3, s0;
	s1 =	sshll.u32 s1, $0x11  }
0xba: {  	s0 =	sor.u32 s1, s0  }
0xbb: {  	s0 =	sadd.s32 $0x8F2B, s0  }
0xbc: {  	[sflag:s0] =	ssyncadd.remote.s32 $0x1  }
0xbd: {  	_ =	sfence.sel $0xFFFF  }
0xbe: {  	[dreg:$0x0] =	wrdreg $0xFFFFFFFF;
	(pc) =	sbr.abs _section_cstart, $3  }
0xbf: {  	[dreg:$0x1] =	wrdreg $0xFFFFFFFF  }
0xc0: {  	_ =	task.clear_ibuf [dreg:s6], $0x2FFFF;
	_ =	strace $0x9FFFFFFF  }
0xc1: {  	(tm) =	ssettm $0x7FFFFFFF  }
tec
execute0_lowered:
.L_overlay_start_1:
0x0: {  	(tag) =	ssettag $0x1  }
0x1: {  	s5 =	rddreg [dreg:$0x0]  }
0x2: {  	s0 =	rddreg [dreg:$0x1];
	s1 =	simm.s32 $0x0;
	s2 =	srdreg.scid  }
0x3: {  	s10 =	simm.s32 $0x140;
	s11 =	simm.s32 $0x1140;
	s12 =	simm.s32 $0x80  }
0x4: {  	s13 =	simm.s32 $0x2140;
	s14 =	simm.s32 $0xC0;
	s15 =	simm.s32 $0x3140  }
0x5: {  	s16 =	simm.s32 $0x100;
	s17 =	simm.s32 $0x4140;
	s18 =	simm.s32 $0x1  }
0x6: {  	s19 =	simm.s32 $0x5140;
	s20 =	simm.s32 $0x0;
	[smem:$0x7FF] =	sst s1  }
0x7: {  	s6 =	sand.u32 $0x1, s2;
	s3 =	sadd.s32 $0x5800, s5;
	s2 =	stileid.u32  }
0x8: {  	s4 =	sadd.s32 $0x55000, s5;
	s5 =	sadd.s32 $0x19200, s5;
	s7 =	ssub.s32 $0x2, s6  }
0x9: {  	_ =	strace $0x8000004A;
	s9 =	sshll.u32 s2, $0x1;
	s8 =	sshrl.u32 s7, $0x1  }
0xa: {  	s6 =	sor.u32 s6, s9;
	s9 =	simm.s32 $0x40;
	s7 =	ssub.s32 s7, s8  }
0xb: {  	s6 =	smul.u32 $0x140, s6;
	s8 =	simm.s32 $0x2;
	s7 =	smax.u32 s7, $0x1  }
.LBB2_1:
0xc: {  	s21 =	simm.s32 $0x0  }
.LBB2_2:
0xd: {  	s22 =	sshll.u32 s21, $0x4  }
0xe: {  	s22 =	sadd.s32 s6, s22  }
0xf: {  	s23 =	smul.u32 $0x14, s22;
	_ =	sdelay $0x1  }
0x10: {  	s23 =	sshrl.u32 s23, $0x3  }
0x11: {  	s24 =	sadd.s32 s4, s23;
	s23 =	simm.s32 $0x0  }
0x12: {  	[tilespmem:s23], [sflag:$0x2] =	stream.linear.gather [hbm4b:s24+s23], $0x140, $0x38;
	[tilespmem:$0x5540] =	vst v63  }
0x13: {  	_ =	swait.ge [sflag:s8], $0x140  }
0x14: {  	[sflag:s8] =	ssyncset.done $0x0  }
0x15: {  	[sflag:s8] =	ssyncadd.s32 $0xFFFFFEC0  }
0x16: {  	[tilespmem:s10], [sflag:$0x1] =	stream.indirect.gather [hbm4b:s3+s9], $0x40, s23, s9, $0xb8;
	[tilespmem:$0x5540] =	vst v63  }
0x17: {  	_ = 	snop  }
0x18: {  	[tilespmem:s11], [sflag:$0x1] =	stream.indirect.gather [hbm4b:s3+s9], $0x40, s9, s9, $0xb8;
	[tilespmem:$0x5540] =	vst v63  }
0x19: {  	_ = 	snop  }
0x1a: {  	[tilespmem:s13], [sflag:$0x1] =	stream.indirect.gather [hbm4b:s3+s9], $0x40, s12, s9, $0xb8;
	[tilespmem:$0x5540] =	vst v63  }
0x1b: {  	_ = 	snop  }
0x1c: {  	[tilespmem:s15], [sflag:$0x1] =	stream.indirect.gather [hbm4b:s3+s9], $0x40, s14, s9, $0xb8;
	[tilespmem:$0x5540] =	vst v63  }
0x1d: {  	_ = 	snop  }
0x1e: {  	[tilespmem:s17], [sflag:$0x1] =	stream.indirect.gather [hbm4b:s3+s9], $0x40, s16, s9, $0xb8;
	[tilespmem:$0x5540] =	vst v63  }
0x1f: {  	_ =	swait.ge [sflag:s18], $0x1000  }
0x20: {  	[sflag:s18] =	ssyncset.done $0x0  }
0x21: {  	[sflag:s18] =	ssyncadd.s32 $0xFFFFF000  }
0x22: {  	_ =	swait.ge [sflag:s18], $0x1000  }
0x23: {  	[sflag:s18] =	ssyncset.done $0x0  }
0x24: {  	[sflag:s18] =	ssyncadd.s32 $0xFFFFF000  }
0x25: {  	_ =	swait.ge [sflag:s18], $0x1000  }
0x26: {  	[sflag:s18] =	ssyncset.done $0x0  }
0x27: {  	[sflag:s18] =	ssyncadd.s32 $0xFFFFF000  }
0x28: {  	_ =	swait.ge [sflag:s18], $0x1000  }
0x29: {  	[sflag:s18] =	ssyncset.done $0x0  }
0x2a: {  	[sflag:s18] =	ssyncadd.s32 $0xFFFFF000  }
0x2b: {  	_ =	swait.ge [sflag:s18], $0x1000  }
0x2c: {  	[sflag:s18] =	ssyncset.done $0x0  }
0x2d: {  	s24 =	simm.s32 $0x160;
	[sflag:s18] =	ssyncadd.s32 $0xFFFFF000  }
.LBB2_3:
0x2e: {  	v2 =	vmov s24;
	_ =	sdelay $0x3  }
0x2f: {  	s26 =	simm.s32 $0x0  }
0x30: {  	v0 =	vld.idx.msk [tilespmem:v2+s26+$0x10 ss:$0x1], $0xffff  }
0x31: {  	v3 =	vld.idx.msk [tilespmem:v2+s26+$0xFFFFFFE0 ss:$0x1], $0xffff  }
0x32: {  	v1 =	vimm.f32 $0.0e+00;
	v4 =	vld.idx.msk [tilespmem:v2+s26+$0xFFFFFFF0 ss:$0x1], $0xffff  }
0x33: {  	s25 =	simm.s32 $0x100;
	v6 =	vimm.f32 $0.0e+00;
	v7 =	vimm.f32 $0.0e+00;
	v8 =	vimm.f32 $0.0e+00;
	v5 =	vld.idx.msk [tilespmem:v2+s26+$0x0 ss:$0x1], $0xffff  }
.LBB2_4:
0x34: {  	p0 =	sne.s32 s25, $0x1300  }
.Ltmp0:
0x35: {  	s26 =	sshra.s32 s25, $0x2;
	s25 =	sadd.s32 $0x100, s25;
	(pc) =	sbr.rel @p0 .LBB2_4-.Ltmp0, $4  }
0x36: {  	v1 =	vadd.f32 v0, v1;
	v0 =	vld.idx.msk [tilespmem:v2+s26+$0x10 ss:$0x1], $0xffff  }
0x37: {  	v6 =	vadd.f32 v3, v6;
	v3 =	vld.idx.msk [tilespmem:v2+s26+$0xFFFFFFE0 ss:$0x1], $0xffff  }
0x38: {  	v7 =	vadd.f32 v4, v7;
	v4 =	vld.idx.msk [tilespmem:v2+s26+$0xFFFFFFF0 ss:$0x1], $0xffff  }
0x39: {  	v8 =	vadd.f32 v5, v8;
	v5 =	vld.idx.msk [tilespmem:v2+s26+$0x0 ss:$0x1], $0xffff  }
0x3a: {  	_ = 	snop  }
0x3b: {  	v0 =	vadd.f32 v0, v1  }
0x3c: {  	s25 =	sshll.u32 s23, $0x6;
	s23 =	sadd.s32 $0x1, s23;
	v2 =	vadd.f32 v3, v6  }
0x3d: {  	p0 =	sne.s32 s23, $0x10;
	v60 =	vadd.f32 v4, v7;
	v0 =	vmul.f32 $5.000000070e-02, v0  }
.Ltmp1:
0x3e: {  	s25 =	sand.u32 $0x3FFFFFC0, s25;
	v61 =	vadd.f32 v5, v8;
	v2 =	vmul.f32 $5.000000070e-02, v2;
	(pc) =	sbr.rel @p0 .LBB2_3-.Ltmp1, $4  }
0x3f: {  	v62 =	vmul.f32 $5.000000070e-02, v60;
	[tilespmem:s25+$0x5170] =	vst v0  }
0x40: {  	[tilespmem:s25+$0x5140] =	vst v2;
	v63 =	vmul.f32 $5.000000070e-02, v61  }
0x41: {  	[tilespmem:s25+$0x5150] =	vst v62  }
0x42: {  	s24 =	sadd.s32 $0x500, s24;
	[tilespmem:s25+$0x5160] =	vst v63  }
0x43: {  	s21 =	sadd.s32 $0x1, s21  }
0x44: {  	s22 =	sshll.u32 s22, $0x3;
	p0 =	sne.s32 s21, $0x14  }
.Ltmp2:
0x45: {  	s22 =	sadd.s32 s5, s22;
	(pc) =	sbr.rel @p0 .LBB2_2-.Ltmp2, $4  }
0x46: {  	[hbm4b:s22+s1] =	stream.linear.scatter [tilespmem:s19], [sflag:$0x2], $0x400, $0x38;
	[tilespmem:$0x5540] =	vst v63  }
0x47: {  	_ =	swait.ge [sflag:s8], $0x400  }
0x48: {  	[sflag:s8] =	ssyncset.done $0x0  }
0x49: {  	[sflag:s8] =	ssyncadd.s32 $0xFFFFFC00  }
0x4a: {  	s20 =	sadd.s32 $0x1, s20  }
0x4b: {  	p0 =	sne.s32 s20, s7  }
.Ltmp3:
0x4c: {  	_ = 	snop;
	(pc) =	sbr.rel @p0 .LBB2_1-.Ltmp3, $1  }
0x4d: {  	_ =	sdelay $0x3  }
0x4e: {  	_ =	sfence.sel $0x180000  }
0x4f: {  	[bflag:$0x0] =	sbarrier.arrive $0xFFFF  }
0x50: {  	p0 =	sne.s32 s2, $0x0;
	_ =	strace $0x9000004A  }
0x51: {  	s0 =	sadd.s32 @!p0 $0x100000, s0;
	[bflag:$0x2] =	sbarrier.arrive $0xFFFF  }
0x52: {  	[sflag:s0] =	ssyncadd.tile.s32 @!p0 $0x1;
	_ =	shalt  }
.Lfunc_end2:
_tile_overlayer_lowered:
.L_overlay_start_2:
0x53: {  	(tag) =	ssettag $0x2  }
0x54: {  	s0 =	rddreg [dreg:$0x0];
	s2 =	stileid.u32  }
0x55: {  	s1 =	rddreg [dreg:$0x1];
	p0 =	sne.s32 s2, $0x0  }
0x56: {  	s3 =	rddreg [dreg:$0x2];
	[bflag:$0x3] =	sbarrier.arrive $0xFFFF;
	s2 =	simm.s32 @!p0 $0x1C02  }
0x57: {  	[timem:s3], [sflag:s2] =	dma.local @!p0 [hbm:s0], s1  }
0x58: {  	s0 =	simm.s32 @!p0 $0x2  }
0x59: {  	_ =	swait.ge @!p0 [sflag:s0], s1  }
0x5a: {  	s1 =	ssub.s32 @!p0 $0x0, s1;
	[sflag:s0] =	ssyncset.done @!p0 $0x0  }
0x5b: {  	[sflag:s0] =	ssyncadd.s32 @!p0 s1  }
0x5c: {  	[bflag:$0x3] =	sbarrier.arrive $0xFFFF  }
0x5d: {  	_ =	shalt  }

// kernel: kernel.16.cloned.1.call-start
scs
__scs_entry_jumppad:
0x0: {  	(pc) =	sbr.rel $0x88, $3  }
0x1: {  	(tag) =	ssettag $0x0;
	lr =	simm.s32 $0x1  }
0x2: {  	[smem:$0x3F8B] =	sst lr;
	_ =	strace $0xD0000000  }
0x3: {  	_ = 	snop  }
0x4: {  	_ = 	snop  }
0x5: {  	_ = 	snop  }
0x6: {  	_ = 	snop  }
0x7: {  	_ = 	snop  }
__scs_overlays_trampoline_lowered:
0x8: {  	[smem:$0x3F9A] =	sst s0  }
0x9: {  	[smem:$0x3F9B] =	sst s1  }
0xa: {  	[smem:$0x3F9C] =	sst s2  }
0xb: {  	[smem:$0x3F9D] =	sst s3  }
0xc: {  	[smem:$0x3F9E] =	sst s4  }
0xd: {  	[smem:$0x3F9F] =	sst s5  }
0xe: {  	[smem:$0x3FA0] =	sst s6  }
0xf: {  	[smem:$0x3FA1] =	sst s7  }
0x10: {  	[smem:$0x3FA2] =	sst s8  }
0x11: {  	[smem:$0x3FA3] =	sst s9;
	s0 =	simm.s32 @!p0 $0x0  }
0x12: {  	s1 =	sld [smem:$0x3F89];
	s0 =	simm.s32 @p0 $0x1  }
0x13: {  	[smem:$0x3FA4] =	sst s0;
	s0 =	simm.s32 @!p1 $0x0  }
0x14: {  	s2 =	sld [smem:$0x3F88];
	s0 =	simm.s32 @p1 $0x1  }
0x15: {  	[smem:$0x3FA5] =	sst s0;
	s0 =	simm.s32 @!p2 $0x0  }
0x16: {  	s3 =	sld [smem:$0x3FDB];
	s0 =	simm.s32 @p2 $0x1  }
0x17: {  	s4 =	simm.s32 $0x1BF5;
	[smem:$0x3FA7] =	sst s0  }
0x18: {  	s0 =	sld [smem:$0x3F8A];
	_ =	swait.ge [sflag:s4], $0x0  }
0x19: {  	s7 =	sld [smem:$0x3F8B]  }
0x1a: {  	s8 =	sadd.s32 $0xFFFFE003, lr  }
0x1b: {  	s9 =	sadd.s32 $0xFFFFFEF7, lr;
	s5 =	simm.s32 $0xFFFFFFFF;
	p2 =	slt.u32 s8, $0xFFFFF086  }
0x1c: {  	p1 =	slt.u32 s9, $0xF7A;
	s5 =	simm.s32 @!p2 $0x0  }
0x1d: {  	s5 =	simm.s32 @p1 $0x1;
	p0 =	seq.s32 s7, s2  }
0x1e: {  	s7 =	smul.u32 @!p0 $0xF7A, s2;
	p2 =	seq.s32 @!p0 s5, $0x0  }
0x1f: {  	s9 =	smul.u32 $0xF7A, s1;
	s8 =	simm.s32 @!p0 $0x1BF5;
	p2 =	por !p2, p0  }
0x20: {  	[sflag:s8] =	ssyncset.s32 @!p0 $0xFFFFF086;
	s6 =	sadd.s32 @!p0 s3, s7;
	s7 =	simm.s32 @!p0 $0x108  }
0x21: {  	s3 =	sadd.s32 s3, s9;
	s6 =	sadd.s32 @!p0 $0x88, s6;
	s7 =	simm.s32 @p2 $0x1082  }
0x22: {  	[simem:s7], [sflag:s8] =	dma.local @!p0 [hbm:s6], $0xF7A  }
0x23: {  	s9 =	sor.u32 $0xD0000000, s2;
	s6 =	simm.s32 $0x108;
	_ =	swait.ge @!p0 [sflag:s8], $0x0  }
0x24: {  	s3 =	sadd.s32 $0x88, s3;
	s6 =	simm.s32 @!p1 $0x1082;
	[sflag:s4] =	ssyncset.s32 $0xFFFFF086  }
0x25: {  	[simem:s6], [sflag:s4] =	dma.local [hbm:s3], $0xF7A  }
0x26: {  	[smem:$0x3F8B] =	sst s1;
	(tag) =	ssettag s2;
	_ =	strace s9  }
0x27: {  	s1 =	sld [smem:$0x3F9B]  }
0x28: {  	s2 =	sld [smem:$0x3F9C]  }
0x29: {  	s4 =	sld [smem:$0x3F9E]  }
0x2a: {  	p0 =	seq.s32 s5, $0x0;
	s5 =	sld [smem:$0x3F9F]  }
0x2b: {  	s6 =	sld [smem:$0x3FA0]  }
0x2c: {  	s7 =	sld [smem:$0x3FA1]  }
0x2d: {  	s3 =	simm.s32 $0x108;
	s8 =	sld [smem:$0x3FA2]  }
0x2e: {  	s3 =	simm.s32 @!p0 $0x1082;
	s9 =	sld [smem:$0x3FA3]  }
0x2f: {  	lr =	sadd.s32 s0, s3;
	s0 =	sld [smem:$0x3F9A]  }
0x30: {  	s3 =	sld [smem:$0x3F9D]  }
0x31: {  	[smem:$0x3FA6] =	sst s10  }
0x32: {  	s10 =	sld [smem:$0x3FA4];
	_ =	sdelay $0x3  }
0x33: {  	p0 =	seq.s32 s10, $0x1;
	s10 =	sld [smem:$0x3FA6];
	_ =	sdelay $0x3  }
0x34: {  	[smem:$0x3FA6] =	sst s10  }
0x35: {  	s10 =	sld [smem:$0x3FA5];
	_ =	sdelay $0x3  }
0x36: {  	p1 =	seq.s32 s10, $0x1;
	s10 =	sld [smem:$0x3FA6];
	_ =	sdelay $0x3  }
0x37: {  	[smem:$0x3FA6] =	sst s10  }
0x38: {  	s10 =	sld [smem:$0x3FA7]  }
0x39: {  	_ = 	snop;
	(pc) =	sbr.ind lr, $3  }
0x3a: {  	_ = 	snop  }
0x3b: {  	_ = 	snop  }
0x3c: {  	p2 =	seq.s32 s10, $0x1;
	s10 =	sld [smem:$0x3FA6]  }
0x3d: {  	_ =	shalt  }
0x3e: {  	_ =	shalt  }
0x3f: {  	_ =	shalt  }
0x40: {  	_ =	shalt  }
0x41: {  	_ =	shalt  }
0x42: {  	_ =	shalt  }
0x43: {  	_ =	shalt  }
0x44: {  	_ =	shalt  }
0x45: {  	_ =	shalt  }
0x46: {  	_ =	shalt  }
0x47: {  	_ =	shalt  }
0x48: {  	_ =	shalt  }
0x49: {  	_ =	shalt  }
0x4a: {  	_ =	shalt  }
0x4b: {  	_ =	shalt  }
0x4c: {  	_ =	shalt  }
0x4d: {  	_ =	shalt  }
0x4e: {  	_ =	shalt  }
0x4f: {  	_ =	shalt  }
0x50: {  	_ =	shalt  }
0x51: {  	_ =	shalt  }
0x52: {  	_ =	shalt  }
0x53: {  	_ =	shalt  }
0x54: {  	_ =	shalt  }
0x55: {  	_ =	shalt  }
0x56: {  	_ =	shalt  }
0x57: {  	_ =	shalt  }
0x58: {  	_ =	shalt  }
0x59: {  	_ =	shalt  }
0x5a: {  	_ =	shalt  }
0x5b: {  	_ =	shalt  }
0x5c: {  	_ =	shalt  }
0x5d: {  	_ =	shalt  }
0x5e: {  	_ =	shalt  }
0x5f: {  	_ =	shalt  }
0x60: {  	_ =	shalt  }
0x61: {  	_ =	shalt  }
0x62: {  	_ =	shalt  }
0x63: {  	_ =	shalt  }
0x64: {  	_ =	shalt  }
0x65: {  	_ =	shalt  }
0x66: {  	_ =	shalt  }
0x67: {  	_ =	shalt  }
0x68: {  	_ =	shalt  }
0x69: {  	_ =	shalt  }
0x6a: {  	_ =	shalt  }
0x6b: {  	_ =	shalt  }
0x6c: {  	_ =	shalt  }
0x6d: {  	_ =	shalt  }
0x6e: {  	_ =	shalt  }
0x6f: {  	_ =	shalt  }
0x70: {  	_ =	shalt  }
0x71: {  	_ =	shalt  }
0x72: {  	_ =	shalt  }
0x73: {  	_ =	shalt  }
0x74: {  	_ =	shalt  }
0x75: {  	_ =	shalt  }
0x76: {  	_ =	shalt  }
0x77: {  	_ =	shalt  }
0x78: {  	_ =	shalt  }
0x79: {  	_ =	shalt  }
0x7a: {  	_ =	shalt  }
0x7b: {  	_ =	shalt  }
0x7c: {  	_ =	shalt  }
0x7d: {  	_ =	shalt  }
0x7e: {  	_ =	shalt  }
0x7f: {  	_ =	shalt  }
0x80: {  	_ =	shalt  }
0x81: {  	_ =	shalt  }
0x82: {  	_ =	shalt  }
0x83: {  	_ =	shalt  }
0x84: {  	_ =	shalt  }
0x85: {  	_ =	shalt  }
0x86: {  	_ =	shalt  }
0x87: {  	_ =	shalt  }
.Lfunc_end0:
.L_simem_size_0:
called_computation.2_lowered:
.L_overlay_start_0:
0x88: {  	s2 =	sld [smem:$0x3FD9]  }
0x89: {  	s3 =	sld [smem:$0x3FFE];
	_ =	sdelay $0x1  }
0x8a: {  	s1 =	srdreg.scid  }
0x8b: {  	s0 =	sand.u32 $0x1, s1  }
0x8c: {  	s17 =	sshll.u32 s0, $0xA;
	s2 =	sadd.s32 s3, s2  }
0x8d: {  	s2 =	sadd.s32 s2, s17  }
0x8e: {  	[smem:$0x3FB2] =	sst s2  }
0x8f: {  	_ = 	snop  }
0x90: {  	(tm) =	ssettm $0x1  }
0x91: {  	s18 =	sld [smem:$0x3FFB];
	_ =	sdelay $0x3  }
0x92: {  	_ =	strace s18  }
0x93: {  	s2 =	sld [smem:$0x3FFC];
	_ =	sdelay $0x3  }
0x94: {  	_ =	strace s2  }
0x95: {  	s2 =	sld [smem:$0x3FFD];
	_ =	sdelay $0x3  }
0x96: {  	_ =	strace s2  }
0x97: {  	_ =	strace $0x8FFFFFFF  }
0x98: {  	s19 =	sld [smem:$0x3FDB];
	_ =	sdelay $0x1  }
0x99: {  	s20 =	simm.s32 $_scs_section_size  }
0x9a: {  	s4 =	simm.s32 $_size__tile_overlayer_lowered;
	s5 =	simm.s32 $_tile_overlayer_lowered  }
0x9b: {  	s6 =	simm.s32 $0x1BFF;
	s21 =	sshll.u32 s5, $0x1;
	s3 =	sadd.s32 s20, s19  }
0x9c: {  	s22 =	simm.s32 $0x0;
	s4 =	sshll.u32 s4, $0x1;
	s5 =	sadd.s32 s21, s3  }
0x9d: {  	[timem:s22], [sflag:s6] =	dma.local [hbm:s5], s4  }
0x9e: {  	_ =	swait.ge [sflag:s6], s4  }
0x9f: {  	s4 =	ssub.s32 $0x0, s4;
	[sflag:s6] =	ssyncset.done $0x0  }
0xa0: {  	[sflag:s6] =	ssyncadd.s32 s4;
	_ =	sdelay $0x1  }
0xa1: {  	s23 =	simm.s32 $0x1B8B  }
0xa2: {  	_ =	swait.ge [sflag:s23], $0x1  }
0xa3: {  	[sflag:s23] =	ssyncset.done $0x0  }
0xa4: {  	[sflag:s23] =	ssyncadd.s32 $0xFFFFFFFF  }
0xa5: {  	s4 =	sld [smem:$0x0]  }
0xa6: {  	s5 =	sand.u32 $0xFFFFFFFE, s1  }
0xa7: {  	p0 =	sne.s32 s1, s5  }
0xa8: {  	s5 =	sshll.u32 @p0 s5, $0xE  }
0xa9: {  	s5 =	sadd.s32 @p0 $0x11B8D, s5;
	s6 =	sshll.u32 @p0 s4, $0x11  }
0xaa: {  	s5 =	sor.u32 @p0 s6, s5  }
0xab: {  	[sflag:s5] =	ssyncadd.remote.s32 @p0 $0x1;
	_ =	sdelay $0x1  }
0xac: {  	s5 =	simm.s32 @p0 $0x1B8D  }
0xad: {  	_ =	swait.eq @p0 [sflag:s5], $0x1  }
0xae: {  	[sflag:s5] =	ssyncadd.s32 @p0 $0xFFFFFFFF  }
0xaf: {  	s6 =	sshll.u32 @!p0 s1, $0xE  }
0xb0: {  	s6 =	sor.u32 @!p0 $0x4000, s6;
	s5 =	simm.s32 @!p0 $0x1B8D  }
0xb1: {  	s4 =	sshll.u32 @!p0 s4, $0x11;
	s6 =	sadd.s32 @!p0 $0x11B8D, s6;
	_ =	swait.eq @!p0 [sflag:s5], $0x1  }
0xb2: {  	s4 =	sor.u32 @!p0 s4, s6;
	[sflag:s5] =	ssyncadd.s32 @!p0 $0xFFFFFFFF  }
0xb3: {  	s25 =	simm.s32 $0x1B8E;
	s24 =	sld [smem:$0x3FFE];
	[sflag:s4] =	ssyncadd.remote.s32 @!p0 $0x1  }
0xb4: {  	s26 =	simm.s32 $execute0_lowered;
	[smem:$0x3FD2] =	sst s25  }
0xb5: {  	s5 =	sshll.u32 s26, $0x1;
	_ =	strace $0x8000004C;
	[dreg:$0x1] =	wrdreg $0xFFFFFFFF  }
0xb6: {  	s28 =	simm.s32 $_size_execute0_lowered;
	s3 =	sadd.s32 s3, s5;
	[dreg:$0x0] =	wrdreg $0x0  }
0xb7: {  	s5 =	sshll.u32 s28, $0x1;
	[dreg:$0x2] =	wrdreg s3  }
0xb8: {  	[dreg:$0x3] =	wrdreg s5  }
0xb9: {  	[dreg:$0x4] =	wrdreg $0xC0  }
0xba: {  	_ =	task [dreg:s22], $0x5FFFF  }
0xbb: {  	[dreg:$0x1] =	wrdreg $0xFFFFFFFF  }
0xbc: {  	[dreg:$0x0] =	wrdreg $0x60  }
0xbd: {  	[dreg:$0x2] =	wrdreg s24  }
0xbe: {  	[dreg:$0x3] =	wrdreg $0xA  }
0xbf: {  	_ =	task.clear_ibuf [dreg:s22], $0x4FFFF;
	_ =	strace $0x9000004C  }
0xc0: {  	s29 =	simm.s32 $0xA;
	_ =	strace $0x8000004E  }
0xc1: {  	_ =	swait.ge [sflag:s29], $0x1  }
0xc2: {  	[sflag:s29] =	ssyncadd.s32 $0xFFFFFFFF  }
0xc3: {  	_ =	strace $0x9000004E  }
0xc4: {  	_ =	sfence  }
0xc5: {  	s30 =	sld [smem:$0x0];
	_ =	sdelay $0x2  }
0xc6: {  	s31 =	sshll.u32 s1, $0xD;
	s1 =	sshrl.u32 s1, $0x2  }
0xc7: {  	s4 =	sand.u32 $0x4000, s31;
	s1 =	sadd.s32 s1, s30  }
0xc8: {  	s0 =	sor.u32 s4, s0;
	s1 =	sshll.u32 s1, $0x11  }
0xc9: {  	s0 =	sor.u32 s1, s0  }
0xca: {  	s0 =	sadd.s32 $0x8F2B, s0  }
0xcb: {  	[sflag:s0] =	ssyncadd.remote.s32 $0x1  }
0xcc: {  	_ =	sfence.sel $0xFFFF  }
0xcd: {  	[dreg:$0x0] =	wrdreg $0xFFFFFFFF;
	(pc) =	sbr.abs _section_cstart, $3  }
0xce: {  	[dreg:$0x1] =	wrdreg $0xFFFFFFFF  }
0xcf: {  	_ =	task.clear_ibuf [dreg:s22], $0x2FFFF;
	_ =	strace $0x9FFFFFFF  }
0xd0: {  	(tm) =	ssettm $0x7FFFFFFF  }
0xd1: {  	_ =	shalt  }
tec
execute0_lowered:
.L_overlay_start_1:
0x0: {  	(tag) =	ssettag $0x1  }
0x1: {  	s5 =	rddreg [dreg:$0x0]  }
0x2: {  	s0 =	rddreg [dreg:$0x1]  }
0x3: {  	s1 =	simm.s32 $0x0;
	s2 =	srdreg.scid;
	s10 =	simm.s32 $0x140  }
0x4: {  	s11 =	simm.s32 $0x3140;
	s12 =	simm.s32 $0x80;
	s13 =	simm.s32 $0x6140  }
0x5: {  	s14 =	simm.s32 $0xC0;
	s15 =	simm.s32 $0x9140;
	s16 =	simm.s32 $0x100  }
0x6: {  	s17 =	simm.s32 $0xC140;
	s18 =	simm.s32 $0x1;
	s19 =	simm.s32 $0xF140  }
0x7: {  	s20 =	simm.s32 $0x0;
	s28 =	simm.s32 $0x0;
	[smem:$0x7FF] =	sst s1  }
0x8: {  	s6 =	sand.u32 $0x1, s2;
	s3 =	sadd.s32 $0xF7800, s5;
	s2 =	stileid.u32  }
0x9: {  	s4 =	sadd.s32 $0x2D200, s5;
	s5 =	sadd.s32 $0x132200, s5;
	s7 =	ssub.s32 $0x2, s6  }
0xa: {  	_ =	strace $0x8000004D;
	s9 =	sshll.u32 s2, $0x1;
	s8 =	sshrl.u32 s7, $0x1  }
0xb: {  	s6 =	sor.u32 s6, s9;
	s9 =	simm.s32 $0x40;
	s7 =	ssub.s32 s7, s8  }
0xc: {  	s6 =	smul.u32 $0x140, s6;
	s8 =	simm.s32 $0x2;
	s7 =	smax.u32 s7, $0x1  }
.LBB2_1:
0xd: {  	s21 =	simm.s32 $0x0  }
.LBB2_2:
0xe: {  	s22 =	sshll.u32 s21, $0x4  }
0xf: {  	s22 =	sadd.s32 s6, s22  }
0x10: {  	s23 =	smul.u32 $0x14, s22;
	_ =	sdelay $0x1  }
0x11: {  	s23 =	sshrl.u32 s23, $0x3  }
0x12: {  	s24 =	sadd.s32 s4, s23;
	s23 =	simm.s32 $0x0  }
0x13: {  	[tilespmem:s23], [sflag:$0x2] =	stream.linear.gather [hbm4b:s24+s23], $0x140, $0x38;
	[tilespmem:$0xFD40] =	vst v63  }
0x14: {  	_ =	swait.ge [sflag:s8], $0x140  }
0x15: {  	[sflag:s8] =	ssyncset.done $0x0  }
0x16: {  	[sflag:s8] =	ssyncadd.s32 $0xFFFFFEC0  }
0x17: {  	[tilespmem:s10], [sflag:$0x1] =	stream.indirect.gather [hbm4b:s3+s9], $0xC0, s23, s9, $0xb8;
	[tilespmem:$0xFD40] =	vst v63  }
0x18: {  	_ = 	snop  }
0x19: {  	[tilespmem:s11], [sflag:$0x1] =	stream.indirect.gather [hbm4b:s3+s9], $0xC0, s9, s9, $0xb8;
	[tilespmem:$0xFD40] =	vst v63  }
0x1a: {  	_ = 	snop  }
0x1b: {  	[tilespmem:s13], [sflag:$0x1] =	stream.indirect.gather [hbm4b:s3+s9], $0xC0, s12, s9, $0xb8;
	[tilespmem:$0xFD40] =	vst v63  }
0x1c: {  	_ = 	snop  }
0x1d: {  	[tilespmem:s15], [sflag:$0x1] =	stream.indirect.gather [hbm4b:s3+s9], $0xC0, s14, s9, $0xb8;
	[tilespmem:$0xFD40] =	vst v63  }
0x1e: {  	_ = 	snop  }
0x1f: {  	[tilespmem:s17], [sflag:$0x1] =	stream.indirect.gather [hbm4b:s3+s9], $0xC0, s16, s9, $0xb8;
	[tilespmem:$0xFD40] =	vst v63  }
0x20: {  	_ =	swait.ge [sflag:s18], $0x3000  }
0x21: {  	[sflag:s18] =	ssyncset.done $0x0  }
0x22: {  	[sflag:s18] =	ssyncadd.s32 $0xFFFFD000  }
0x23: {  	_ =	swait.ge [sflag:s18], $0x3000  }
0x24: {  	[sflag:s18] =	ssyncset.done $0x0  }
0x25: {  	[sflag:s18] =	ssyncadd.s32 $0xFFFFD000  }
0x26: {  	_ =	swait.ge [sflag:s18], $0x3000  }
0x27: {  	[sflag:s18] =	ssyncset.done $0x0  }
0x28: {  	[sflag:s18] =	ssyncadd.s32 $0xFFFFD000  }
0x29: {  	_ =	swait.ge [sflag:s18], $0x3000  }
0x2a: {  	[sflag:s18] =	ssyncset.done $0x0  }
0x2b: {  	[sflag:s18] =	ssyncadd.s32 $0xFFFFD000  }
0x2c: {  	_ =	swait.ge [sflag:s18], $0x3000  }
0x2d: {  	[sflag:s18] =	ssyncset.done $0x0  }
0x2e: {  	s24 =	simm.s32 $0x1A0;
	[sflag:s18] =	ssyncadd.s32 $0xFFFFD000  }
.LBB2_3:
0x2f: {  	v1 =	vmov s24;
	_ =	sdelay $0x4  }
0x30: {  	v0 =	vld.idx.msk [tilespmem:v1+s28+$0x50 ss:$0x1], $0xffff  }
0x31: {  	v2 =	vld.idx.msk [tilespmem:v1+s28+$0xFFFFFFA0 ss:$0x1], $0xffff  }
0x32: {  	v4 =	vld.idx.msk [tilespmem:v1+s28+$0xFFFFFFB0 ss:$0x1], $0xffff  }
0x33: {  	v5 =	vld.idx.msk [tilespmem:v1+s28+$0xFFFFFFC0 ss:$0x1], $0xffff  }
0x34: {  	v6 =	vld.idx.msk [tilespmem:v1+s28+$0xFFFFFFD0 ss:$0x1], $0xffff  }
0x35: {  	v7 =	vld.idx.msk [tilespmem:v1+s28+$0xFFFFFFE0 ss:$0x1], $0xffff  }
0x36: {  	v18 =	vld.idx.msk [tilespmem:v1+s28+$0xFFFFFFF0 ss:$0x1], $0xffff  }
0x37: {  	v3 =	vimm.f32 $0.0e+00;
	v17 =	vld.idx.msk [tilespmem:v1+s28+$0x0 ss:$0x1], $0xffff  }
0x38: {  	v16 =	vld.idx.msk [tilespmem:v1+s28+$0x10 ss:$0x1], $0xffff;
	v0 =	vadd.f32 v0, v3;
	v13 =	vadd.f32 v2, v3  }
0x39: {  	v8 =	vimm.f32 $0.0e+00;
	v14 =	vld.idx.msk [tilespmem:v1+s28+$0x20 ss:$0x1], $0xffff;
	v12 =	vadd.f32 v4, v3;
	v10 =	vadd.f32 v5, v3  }
0x3a: {  	v11 =	vld.idx.msk [tilespmem:v1+s28+$0x30 ss:$0x1], $0xffff;
	v9 =	vadd.f32 v6, v3;
	v7 =	vadd.f32 v7, v3;
	v5 =	vimm.f32 $0.0e+00  }
0x3b: {  	s25 =	simm.s32 $0xC0;
	s26 =	simm.s32 $0x600;
	v15 =	vld.idx.msk [tilespmem:v1+s28+$0x40 ss:$0x1], $0xffff;
	v6 =	vimm.f32 $0.0e+00;
	v4 =	vimm.f32 $0.0e+00;
	v2 =	vimm.f32 $0.0e+00  }
.LBB2_4:
0x3c: {  	p0 =	sne.s32 s26, $0x3900;
	v19 =	vld.idx.msk [tilespmem:v1+s25+$0x50 ss:$0x1], $0xffff;
	v3 =	vadd.f32 v18, v3  }
0x3d: {  	v8 =	vadd.f32 v17, v8;
	v20 =	vld.idx.msk [tilespmem:v1+s25+$0xFFFFFFA0 ss:$0x1], $0xffff  }
0x3e: {  	v5 =	vadd.f32 v16, v5;
	v21 =	vld.idx.msk [tilespmem:v1+s25+$0xFFFFFFB0 ss:$0x1], $0xffff  }
0x3f: {  	v6 =	vadd.f32 v14, v6;
	v22 =	vld.idx.msk [tilespmem:v1+s25+$0xFFFFFFC0 ss:$0x1], $0xffff  }
0x40: {  	v4 =	vadd.f32 v11, v4;
	v23 =	vld.idx.msk [tilespmem:v1+s25+$0xFFFFFFD0 ss:$0x1], $0xffff  }
0x41: {  	v2 =	vadd.f32 v15, v2;
	v24 =	vld.idx.msk [tilespmem:v1+s25+$0xFFFFFFE0 ss:$0x1], $0xffff  }
0x42: {  	v0 =	vadd.f32 v19, v0;
	v18 =	vld.idx.msk [tilespmem:v1+s25+$0xFFFFFFF0 ss:$0x1], $0xffff  }
.Ltmp0:
0x43: {  	v13 =	vadd.f32 v20, v13;
	v17 =	vld.idx.msk [tilespmem:v1+s25+$0x0 ss:$0x1], $0xffff;
	(pc) =	sbr.rel @p0 .LBB2_4-.Ltmp0, $4  }
0x44: {  	v12 =	vadd.f32 v21, v12;
	v16 =	vld.idx.msk [tilespmem:v1+s25+$0x10 ss:$0x1], $0xffff  }
0x45: {  	v10 =	vadd.f32 v22, v10;
	v14 =	vld.idx.msk [tilespmem:v1+s25+$0x20 ss:$0x1], $0xffff  }
0x46: {  	v9 =	vadd.f32 v23, v9;
	v11 =	vld.idx.msk [tilespmem:v1+s25+$0x30 ss:$0x1], $0xffff  }
0x47: {  	v7 =	vadd.f32 v24, v7;
	v15 =	vld.idx.msk [tilespmem:v1+s25+$0x40 ss:$0x1], $0xffff;
	s25 =	sshra.s32 s26, $0x2;
	s26 =	sadd.s32 $0x300, s26  }
0x48: {  	_ =	sdelay $0x3  }
0x49: {  	v19 =	vld.idx.msk [tilespmem:v1+s25+$0x50 ss:$0x1], $0xffff  }
0x4a: {  	v20 =	vld.idx.msk [tilespmem:v1+s25+$0xFFFFFFA0 ss:$0x1], $0xffff  }
0x4b: {  	v21 =	vld.idx.msk [tilespmem:v1+s25+$0xFFFFFFB0 ss:$0x1], $0xffff  }
0x4c: {  	v22 =	vld.idx.msk [tilespmem:v1+s25+$0xFFFFFFC0 ss:$0x1], $0xffff  }
0x4d: {  	v23 =	vld.idx.msk [tilespmem:v1+s25+$0xFFFFFFD0 ss:$0x1], $0xffff  }
0x4e: {  	v24 =	vld.idx.msk [tilespmem:v1+s25+$0xFFFFFFE0 ss:$0x1], $0xffff  }
0x4f: {  	v25 =	vld.idx.msk [tilespmem:v1+s25+$0xFFFFFFF0 ss:$0x1], $0xffff  }
0x50: {  	v26 =	vld.idx.msk [tilespmem:v1+s25+$0x0 ss:$0x1], $0xffff;
	v13 =	vadd.f32 v20, v13  }
0x51: {  	v56 =	vld.idx.msk [tilespmem:v1+s25+$0x10 ss:$0x1], $0xffff;
	s26 =	smul.u32 $0x300, s23;
	v12 =	vadd.f32 v21, v12  }
0x52: {  	v57 =	vld.idx.msk [tilespmem:v1+s25+$0x20 ss:$0x1], $0xffff;
	v10 =	vadd.f32 v22, v10;
	v13 =	vmul.f32 $5.000000070e-02, v13  }
0x53: {  	v58 =	vld.idx.msk [tilespmem:v1+s25+$0x30 ss:$0x1], $0xffff;
	v3 =	vadd.f32 v18, v3;
	s31 =	sshra.s32 s26, $0x2;
	v9 =	vadd.f32 v23, v9;
	v12 =	vmul.f32 $5.000000070e-02, v12  }
0x54: {  	v59 =	vld.idx.msk [tilespmem:v1+s25+$0x40 ss:$0x1], $0xffff;
	v8 =	vadd.f32 v17, v8;
	v7 =	vadd.f32 v24, v7;
	v10 =	vmul.f32 $5.000000070e-02, v10;
	[tilespmem:s31+$0xF140] =	vst v13  }
0x55: {  	v5 =	vadd.f32 v16, v5;
	v3 =	vadd.f32 v25, v3;
	v9 =	vmul.f32 $5.000000070e-02, v9;
	[tilespmem:s31+$0xF150] =	vst v12  }
0x56: {  	v6 =	vadd.f32 v14, v6;
	v8 =	vadd.f32 v26, v8;
	v7 =	vmul.f32 $5.000000070e-02, v7;
	[tilespmem:s31+$0xF160] =	vst v10  }
0x57: {  	v4 =	vadd.f32 v11, v4;
	v5 =	vadd.f32 v56, v5;
	v3 =	vmul.f32 $5.000000070e-02, v3;
	[tilespmem:s31+$0xF170] =	vst v9  }
0x58: {  	v6 =	vadd.f32 v57, v6;
	v60 =	vmul.f32 $5.000000070e-02, v8;
	[tilespmem:s31+$0xF180] =	vst v7  }
0x59: {  	s23 =	sadd.s32 $0x1, s23;
	v2 =	vadd.f32 v15, v2;
	v4 =	vadd.f32 v58, v4;
	v61 =	vmul.f32 $5.000000070e-02, v5;
	[tilespmem:s31+$0xF190] =	vst v3  }
0x5a: {  	p0 =	sne.s32 s23, $0x10;
	v0 =	vadd.f32 v19, v0;
	v62 =	vmul.f32 $5.000000070e-02, v6;
	[tilespmem:s31+$0xF1A0] =	vst v60  }
.Ltmp1:
0x5b: {  	v1 =	vadd.f32 v59, v2;
	v63 =	vmul.f32 $5.000000070e-02, v4;
	[tilespmem:s31+$0xF1B0] =	vst v61;
	(pc) =	sbr.rel @p0 .LBB2_3-.Ltmp1, $4  }
0x5c: {  	v0 =	vmul.f32 $5.000000070e-02, v0;
	[tilespmem:s31+$0xF1C0] =	vst v62  }
0x5d: {  	v1 =	vmul.f32 $5.000000070e-02, v1;
	[tilespmem:s31+$0xF1D0] =	vst v63  }
0x5e: {  	[tilespmem:s31+$0xF1F0] =	vst v0  }
0x5f: {  	s24 =	sadd.s32 $0xF00, s24;
	[tilespmem:s31+$0xF1E0] =	vst v1  }
0x60: {  	s22 =	smul.u32 $0x18, s22;
	s21 =	sadd.s32 $0x1, s21  }
0x61: {  	p0 =	sne.s32 s21, $0x14  }
.Ltmp2:
0x62: {  	s22 =	sadd.s32 s5, s22;
	(pc) =	sbr.rel @p0 .LBB2_2-.Ltmp2, $4  }
0x63: {  	[hbm4b:s22+s1] =	stream.linear.scatter [tilespmem:s19], [sflag:$0x2], $0xC00, $0x38;
	[tilespmem:$0xFD40] =	vst v63  }
0x64: {  	_ =	swait.ge [sflag:s8], $0xC00  }
0x65: {  	[sflag:s8] =	ssyncset.done $0x0  }
0x66: {  	[sflag:s8] =	ssyncadd.s32 $0xFFFFF400  }
0x67: {  	s20 =	sadd.s32 $0x1, s20  }
0x68: {  	p0 =	sne.s32 s20, s7  }
.Ltmp3:
0x69: {  	_ = 	snop;
	(pc) =	sbr.rel @p0 .LBB2_1-.Ltmp3, $1  }
0x6a: {  	_ =	sdelay $0x3  }
0x6b: {  	_ =	sfence.sel $0x180000  }
0x6c: {  	[bflag:$0x0] =	sbarrier.arrive $0xFFFF  }
0x6d: {  	p0 =	sne.s32 s2, $0x0;
	_ =	strace $0x9000004D  }
0x6e: {  	s0 =	sadd.s32 @!p0 $0x100000, s0;
	[bflag:$0x2] =	sbarrier.arrive $0xFFFF  }
0x6f: {  	[sflag:s0] =	ssyncadd.tile.s32 @!p0 $0x1;
	_ =	shalt  }
.Lfunc_end2:
_tile_overlayer_lowered:
.L_overlay_start_2:
0x70: {  	(tag) =	ssettag $0x2  }
0x71: {  	s0 =	rddreg [dreg:$0x0];
	s2 =	stileid.u32  }
0x72: {  	s1 =	rddreg [dreg:$0x1];
	p0 =	sne.s32 s2, $0x0  }
0x73: {  	s3 =	rddreg [dreg:$0x2];
	[bflag:$0x3] =	sbarrier.arrive $0xFFFF;
	s2 =	simm.s32 @!p0 $0x1C02  }
0x74: {  	[timem:s3], [sflag:s2] =	dma.local @!p0 [hbm:s0], s1  }
0x75: {  	s0 =	simm.s32 @!p0 $0x2  }
0x76: {  	_ =	swait.ge @!p0 [sflag:s0], s1  }
0x77: {  	s1 =	ssub.s32 @!p0 $0x0, s1;
	[sflag:s0] =	ssyncset.done @!p0 $0x0  }
0x78: {  	[sflag:s0] =	ssyncadd.s32 @!p0 s1  }
0x79: {  	[bflag:$0x3] =	sbarrier.arrive $0xFFFF  }
0x7a: {  	_ =	shalt  }

</sc_bundles>
